<compile_context>
chip_gen: v7x
topology: tpu7x:2x2x1
jax: 0.10.2.dev20260603
libtpu: 0.0.44.dev20260713+nightly
codegen_flags: <defaults>
</compile_context>

<pallas_src>
import functools

import jax
import jax.numpy as jnp
from jax import lax
from jax.experimental import pallas as pl
from jax.experimental.pallas import tpu as pltpu
from jax.experimental.pallas import tpu_sc as plsc

B = 16384
G = 200
D = 128
V = 5

_NC = 2
_NS = 16
_L = 16
_NW = _NC * _NS
_ROWS_W = B // _NW
_BLK = 128
_NBLK = _ROWS_W // _BLK
_NGRP = _BLK // _L
_GSTEP = 4


@functools.partial(
    pl.kernel,
    mesh=plsc.VectorSubcoreMesh(core_axis_name="c", subcore_axis_name="s"),
    out_type=jax.ShapeDtypeStruct((B, D), jnp.float32),
    compiler_params=pltpu.CompilerParams(needs_layout_passes=False),
    scratch_types=[
        pltpu.VMEM((G, _BLK), jnp.int32),
        pltpu.VMEM((G, _BLK), jnp.int32),
        pltpu.VMEM((_BLK, D), jnp.float32),
        pltpu.VMEM((_BLK, D), jnp.float32),
        pltpu.VMEM((V, D), jnp.float32),
        pltpu.VMEM((_NGRP * (V - 1) * _L,), jnp.float32),
        pltpu.VMEM((_L,), jnp.int32),
        pltpu.SemaphoreType.DMA,
        pltpu.SemaphoreType.DMA,
        pltpu.SemaphoreType.DMA,
        pltpu.SemaphoreType.DMA,
    ],
)
def _sc_embed(inp_hbm, tab_hbm, out_hbm, in0_v, in1_v, out0_v, out1_v,
              tab_v, cnt_v, lut_v, si0, si1, so0, so1):
    wid = lax.axis_index("s") * _NC + lax.axis_index("c")
    pltpu.sync_copy(tab_hbm, tab_v)
    lanes = lax.iota(jnp.int32, _L)
    one = jnp.int32(1)
    lut_v[pl.ds(0, _L)] = jnp.where(
        (lanes >= 1) & (lanes < 5), one << (((lanes - 1) & 3) << 3), 0)
    t0 = [tab_v[0, pl.ds(d * _L, _L)] for d in range(D // _L)]
    base = [jnp.float32(G) * t0[d] for d in range(D // _L)]
    dt = [[tab_v[v, pl.ds(d * _L, _L)] - t0[d] for d in range(D // _L)]
          for v in range(1, V)]

    def compute_block(in_ref, out_ref):
        @plsc.parallel_loop(0, _NGRP)
        def count_group(grp):
            boff = grp * _L
            zero = jnp.zeros((_L,), jnp.int32)

            @plsc.parallel_loop(0, G, _GSTEP,
                                carry=(zero, zero, zero, zero))
            def accumulate(g, accs):
                a0, a1, a2, a3 = accs
                a0 = a0 + plsc.load_gather(lut_v, [in_ref[g, pl.ds(boff, _L)]])
                a1 = a1 + plsc.load_gather(
                    lut_v, [in_ref[g + 1, pl.ds(boff, _L)]])
                a2 = a2 + plsc.load_gather(
                    lut_v, [in_ref[g + 2, pl.ds(boff, _L)]])
                a3 = a3 + plsc.load_gather(
                    lut_v, [in_ref[g + 3, pl.ds(boff, _L)]])
                return a0, a1, a2, a3

            acc = ((accumulate[0] + accumulate[1])
                   + (accumulate[2] + accumulate[3]))
            cbase = grp * ((V - 1) * _L)
            cnt_v[pl.ds(cbase + 0 * _L, _L)] = (acc & 255).astype(jnp.float32)
            cnt_v[pl.ds(cbase + 1 * _L, _L)] = (
                (acc >> 8) & 255).astype(jnp.float32)
            cnt_v[pl.ds(cbase + 2 * _L, _L)] = (
                (acc >> 16) & 255).astype(jnp.float32)
            cnt_v[pl.ds(cbase + 3 * _L, _L)] = (
                (acc >> 24) & 255).astype(jnp.float32)

        @plsc.parallel_loop(0, _BLK, unroll=2)
        def out_row(r):
            cidx = (r >> 4) * ((V - 1) * _L) + (r & (_L - 1))
            cvec = jnp.broadcast_to(cidx, (_L,)).astype(jnp.int32)
            f = [plsc.load_gather(cnt_v, [cvec + (k * _L)])
                 for k in range(V - 1)]
            for d in range(D // _L):
                o = (base[d] + f[0] * dt[0][d] + f[1] * dt[1][d]
                     + f[2] * dt[2][d] + f[3] * dt[3][d])
                out_ref[r, pl.ds(d * _L, _L)] = o

    ins = [in0_v, in1_v]
    outs = [out0_v, out1_v]
    sin = [si0, si1]
    sout = [so0, so1]

    def start_in(blk):
        colbase = wid * _ROWS_W + blk * _BLK
        return pltpu.async_copy(inp_hbm.at[:, pl.ds(colbase, _BLK)],
                                ins[blk % 2], sin[blk % 2])

    h_in = [None] * _NBLK
    h_out = [None] * _NBLK
    h_in[0] = start_in(0)
    for blk in range(_NBLK):
        if blk + 1 < _NBLK:
            h_in[blk + 1] = start_in(blk + 1)
        h_in[blk].wait()
        if blk >= 2:
            h_out[blk - 2].wait()
        compute_block(ins[blk % 2], outs[blk % 2])
        rowbase = wid * _ROWS_W + blk * _BLK
        h_out[blk] = pltpu.async_copy(outs[blk % 2],
                                      out_hbm.at[pl.ds(rowbase, _BLK), :],
                                      sout[blk % 2])
    h_out[_NBLK - 2].wait()
    h_out[_NBLK - 1].wait()


def kernel(input, game_table):
    return _sc_embed(input.T, game_table)

# --- scband reference (transcript-rebuilt; emitter-appended) ---
"""Pipeline reference for scband-game-embedding-58317065945391 (READ-ONLY COPY).

The authoritative reference and input builder live on the scoring server;
editing this copy changes nothing except your own understanding.
"""

import jax, jax.numpy as jnp
import numpy as np

B = 16384
NUM_GAMES = 200
DIM = 128
VOCAB = 5

def setup_inputs(seed: int = 0) -> dict:
    key = jax.random.key(seed)
    k1, k2 = jax.random.split(key)
    inp = jax.random.randint(k1, (B, NUM_GAMES), 0, VOCAB, dtype=jnp.int32)
    game_table = jax.random.normal(k2, (VOCAB, DIM), dtype=jnp.float32)
    return {"input": inp, "game_table": game_table}

def reference(input, game_table):
    Bv, num_games = input.shape
    x = input.reshape(-1)
    valid = (x >= 0).astype(jnp.float32)
    xc = jnp.clip(x, 0, None)
    embs = jnp.take(game_table, xc, axis=0)
    embs = embs * valid[:, None]
    return embs.reshape(Bv, num_games, -1).sum(axis=1)

if __name__ == "__main__":
    import jax
    _d = setup_inputs()
    print(jax.jit(kernel)(*tuple(_d.values())))

</pallas_src>

<mosaic_0001>
#map = affine_map<(d0, d1) -> (0, 0)>
module attributes {stable_mosaic.version = 14 : i64} {
  func.func @_sc_embed(%arg0: i32, %arg1: i32, %arg2: memref<200x16384xi32, #tpu.memory_space<hbm>>, %arg3: memref<5x128xf32, #tpu.memory_space<hbm>>, %arg4: memref<16384x128xf32, #tpu.memory_space<hbm>>, %arg5: memref<200x128xi32, #tpu.memory_space<vmem>>, %arg6: memref<200x128xi32, #tpu.memory_space<vmem>>, %arg7: memref<128x128xf32, #tpu.memory_space<vmem>>, %arg8: memref<128x128xf32, #tpu.memory_space<vmem>>, %arg9: memref<5x128xf32, #tpu.memory_space<vmem>>, %arg10: memref<512xf32, #tpu.memory_space<vmem>>, %arg11: memref<16xi32, #tpu.memory_space<vmem>>, %arg12: memref<!tpu.dma_semaphore, #tpu.memory_space<semaphore_mem>>, %arg13: memref<!tpu.dma_semaphore, #tpu.memory_space<semaphore_mem>>, %arg14: memref<!tpu.dma_semaphore, #tpu.memory_space<semaphore_mem>>, %arg15: memref<!tpu.dma_semaphore, #tpu.memory_space<semaphore_mem>>) attributes {dimension_semantics = [#tpu.dimension_semantics<core_parallel>, #tpu.dimension_semantics<subcore_parallel>], iteration_bounds = array<i64: 2, 16>, scalar_prefetch = 0 : i64, scratch_operands = 11 : i64, tpu.core_type = #tpu.core_type<sc_vector_subcore>, window_params = [{transform_indices = #map}, {transform_indices = #map}, {transform_indices = #map}]} {
    %mul3A = arith.constant 2 : i32
    %mul3A_0 = arith.muli %arg1, %mul3A : i32
    %add3A = arith.addi %mul3A_0, %arg0 : i32
    "tpu.region"() ({
      %run_scoped3A = tpu.sem_alloc : memref<!tpu.dma_semaphore, #tpu.memory_space<semaphore_mem>>
      tpu.enqueue_dma source(%arg3 : memref<5x128xf32, #tpu.memory_space<hbm>>) target(%arg9 : memref<5x128xf32, #tpu.memory_space<vmem>>) target_semaphore(%run_scoped3A : memref<!tpu.dma_semaphore, #tpu.memory_space<semaphore_mem>>)
      tpu.wait_dma2 semaphore(%run_scoped3A : memref<!tpu.dma_semaphore, #tpu.memory_space<semaphore_mem>>) src(%arg3 : memref<5x128xf32, #tpu.memory_space<hbm>>) dst(%arg9 : memref<5x128xf32, #tpu.memory_space<vmem>>)
      tpu.yield
    }) : () -> ()
    %iota3A = tpu.iota {dimensions = array<i32: 0>} : vector<16xi32>
    %ge3A = arith.constant 1 : i32
    %ge3A_1 = vector.broadcast %ge3A : i32 to vector<16xi32>
    %ge3A_2 = arith.cmpi sge, %iota3A, %ge3A_1 : vector<16xi32>
    %lt3A = arith.constant 5 : i32
    %lt3A_3 = vector.broadcast %lt3A : i32 to vector<16xi32>
    %lt3A_4 = arith.cmpi slt, %iota3A, %lt3A_3 : vector<16xi32>
    %and3A = arith.andi %ge3A_2, %lt3A_4 : vector<16xi1>
    %sub3A = arith.constant 1 : i32
    %sub3A_5 = vector.broadcast %sub3A : i32 to vector<16xi32>
    %sub3A_6 = arith.subi %iota3A, %sub3A_5 : vector<16xi32>
    %and3A_7 = arith.constant 3 : i32
    %and3A_8 = vector.broadcast %and3A_7 : i32 to vector<16xi32>
    %and3A_9 = arith.andi %sub3A_6, %and3A_8 : vector<16xi32>
    %shift_left3A = arith.constant 3 : i32
    %shift_left3A_10 = vector.broadcast %shift_left3A : i32 to vector<16xi32>
    %shift_left3A_11 = arith.shli %and3A_9, %shift_left3A_10 : vector<16xi32>
    %shift_left3A_12 = arith.constant 1 : i32
    %shift_left3A_13 = vector.broadcast %shift_left3A_12 : i32 to vector<16xi32>
    %shift_left3A_14 = arith.shli %shift_left3A_13, %shift_left3A_11 : vector<16xi32>
    %jit3A = arith.constant 0 : i32
    %broadcast_in_dim3A = vector.broadcast %jit3A : i32 to vector<16xi32>
    %select_n3A = arith.select %and3A, %shift_left3A_14, %broadcast_in_dim3A : vector<16xi1>, vector<16xi32>
    %swap3A = arith.constant 0 : index
    %swap3A_15 = tpu.vector_load %arg11[%swap3A] {strides = array<i32>} : memref<16xi32, #tpu.memory_space<vmem>>, vector<16xi32>,
    tpu.vector_store %arg11[%swap3A], %select_n3A {strides = array<i32>} : memref<16xi32, #tpu.memory_space<vmem>>, vector<16xi32>,
    %get3A = arith.constant 0 : i32
    %get3A_16 = arith.index_cast %get3A : i32 to index
    %get3A_17 = arith.constant 0 : index
    %get3A_18 = tpu.vector_load %arg9[%get3A_16, %get3A_17] {strides = array<i32>} : memref<5x128xf32, #tpu.memory_space<vmem>>, vector<16xf32>,
    %get3A_19 = arith.constant 0 : i32
    %get3A_20 = arith.index_cast %get3A_19 : i32 to index
    %get3A_21 = arith.constant 16 : index
    %get3A_22 = tpu.vector_load %arg9[%get3A_20, %get3A_21] {strides = array<i32>} : memref<5x128xf32, #tpu.memory_space<vmem>>, vector<16xf32>,
    %get3A_23 = arith.constant 0 : i32
    %get3A_24 = arith.index_cast %get3A_23 : i32 to index
    %get3A_25 = arith.constant 32 : index
    %get3A_26 = tpu.vector_load %arg9[%get3A_24, %get3A_25] {strides = array<i32>} : memref<5x128xf32, #tpu.memory_space<vmem>>, vector<16xf32>,
    %get3A_27 = arith.constant 0 : i32
    %get3A_28 = arith.index_cast %get3A_27 : i32 to index
    %get3A_29 = arith.constant 48 : index
    %get3A_30 = tpu.vector_load %arg9[%get3A_28, %get3A_29] {strides = array<i32>} : memref<5x128xf32, #tpu.memory_space<vmem>>, vector<16xf32>,
    %get3A_31 = arith.constant 0 : i32
    %get3A_32 = arith.index_cast %get3A_31 : i32 to index
    %get3A_33 = arith.constant 64 : index
    %get3A_34 = tpu.vector_load %arg9[%get3A_32, %get3A_33] {strides = array<i32>} : memref<5x128xf32, #tpu.memory_space<vmem>>, vector<16xf32>,
    %get3A_35 = arith.constant 0 : i32
    %get3A_36 = arith.index_cast %get3A_35 : i32 to index
    %get3A_37 = arith.constant 80 : index
    %get3A_38 = tpu.vector_load %arg9[%get3A_36, %get3A_37] {strides = array<i32>} : memref<5x128xf32, #tpu.memory_space<vmem>>, vector<16xf32>,
    %get3A_39 = arith.constant 0 : i32
    %get3A_40 = arith.index_cast %get3A_39 : i32 to index
    %get3A_41 = arith.constant 96 : index
    %get3A_42 = tpu.vector_load %arg9[%get3A_40, %get3A_41] {strides = array<i32>} : memref<5x128xf32, #tpu.memory_space<vmem>>, vector<16xf32>,
    %get3A_43 = arith.constant 0 : i32
    %get3A_44 = arith.index_cast %get3A_43 : i32 to index
    %get3A_45 = arith.constant 112 : index
    %get3A_46 = tpu.vector_load %arg9[%get3A_44, %get3A_45] {strides = array<i32>} : memref<5x128xf32, #tpu.memory_space<vmem>>, vector<16xf32>,
    %mul3A_47 = arith.constant 2.000000e+02 : f32
    %mul3A_48 = vector.broadcast %mul3A_47 : f32 to vector<16xf32>
    %mul3A_49 = arith.mulf %mul3A_48, %get3A_18 : vector<16xf32>
    %mul3A_50 = arith.constant 2.000000e+02 : f32
    %mul3A_51 = vector.broadcast %mul3A_50 : f32 to vector<16xf32>
    %mul3A_52 = arith.mulf %mul3A_51, %get3A_22 : vector<16xf32>
    %mul3A_53 = arith.constant 2.000000e+02 : f32
    %mul3A_54 = vector.broadcast %mul3A_53 : f32 to vector<16xf32>
    %mul3A_55 = arith.mulf %mul3A_54, %get3A_26 : vector<16xf32>
    %mul3A_56 = arith.constant 2.000000e+02 : f32
    %mul3A_57 = vector.broadcast %mul3A_56 : f32 to vector<16xf32>
    %mul3A_58 = arith.mulf %mul3A_57, %get3A_30 : vector<16xf32>
    %mul3A_59 = arith.constant 2.000000e+02 : f32
    %mul3A_60 = vector.broadcast %mul3A_59 : f32 to vector<16xf32>
    %mul3A_61 = arith.mulf %mul3A_60, %get3A_34 : vector<16xf32>
    %mul3A_62 = arith.constant 2.000000e+02 : f32
    %mul3A_63 = vector.broadcast %mul3A_62 : f32 to vector<16xf32>
    %mul3A_64 = arith.mulf %mul3A_63, %get3A_38 : vector<16xf32>
    %mul3A_65 = arith.constant 2.000000e+02 : f32
    %mul3A_66 = vector.broadcast %mul3A_65 : f32 to vector<16xf32>
    %mul3A_67 = arith.mulf %mul3A_66, %get3A_42 : vector<16xf32>
    %mul3A_68 = arith.constant 2.000000e+02 : f32
    %mul3A_69 = vector.broadcast %mul3A_68 : f32 to vector<16xf32>
    %mul3A_70 = arith.mulf %mul3A_69, %get3A_46 : vector<16xf32>
    %get3A_71 = arith.constant 1 : i32
    %get3A_72 = arith.index_cast %get3A_71 : i32 to index
    %get3A_73 = arith.constant 0 : index
    %get3A_74 = tpu.vector_load %arg9[%get3A_72, %get3A_73] {strides = array<i32>} : memref<5x128xf32, #tpu.memory_space<vmem>>, vector<16xf32>,
    %sub3A_75 = arith.subf %get3A_74, %get3A_18 : vector<16xf32>
    %get3A_76 = arith.constant 1 : i32
    %get3A_77 = arith.index_cast %get3A_76 : i32 to index
    %get3A_78 = arith.constant 16 : index
    %get3A_79 = tpu.vector_load %arg9[%get3A_77, %get3A_78] {strides = array<i32>} : memref<5x128xf32, #tpu.memory_space<vmem>>, vector<16xf32>,
    %sub3A_80 = arith.subf %get3A_79, %get3A_22 : vector<16xf32>
    %get3A_81 = arith.constant 1 : i32
    %get3A_82 = arith.index_cast %get3A_81 : i32 to index
    %get3A_83 = arith.constant 32 : index
    %get3A_84 = tpu.vector_load %arg9[%get3A_82, %get3A_83] {strides = array<i32>} : memref<5x128xf32, #tpu.memory_space<vmem>>, vector<16xf32>,
    %sub3A_85 = arith.subf %get3A_84, %get3A_26 : vector<16xf32>
    %get3A_86 = arith.constant 1 : i32
    %get3A_87 = arith.index_cast %get3A_86 : i32 to index
    %get3A_88 = arith.constant 48 : index
    %get3A_89 = tpu.vector_load %arg9[%get3A_87, %get3A_88] {strides = array<i32>} : memref<5x128xf32, #tpu.memory_space<vmem>>, vector<16xf32>,
    %sub3A_90 = arith.subf %get3A_89, %get3A_30 : vector<16xf32>
    %get3A_91 = arith.constant 1 : i32
    %get3A_92 = arith.index_cast %get3A_91 : i32 to index
    %get3A_93 = arith.constant 64 : index
    %get3A_94 = tpu.vector_load %arg9[%get3A_92, %get3A_93] {strides = array<i32>} : memref<5x128xf32, #tpu.memory_space<vmem>>, vector<16xf32>,
    %sub3A_95 = arith.subf %get3A_94, %get3A_34 : vector<16xf32>
    %get3A_96 = arith.constant 1 : i32
    %get3A_97 = arith.index_cast %get3A_96 : i32 to index
    %get3A_98 = arith.constant 80 : index
    %get3A_99 = tpu.vector_load %arg9[%get3A_97, %get3A_98] {strides = array<i32>} : memref<5x128xf32, #tpu.memory_space<vmem>>, vector<16xf32>,
    %sub3A_100 = arith.subf %get3A_99, %get3A_38 : vector<16xf32>
    %get3A_101 = arith.constant 1 : i32
    %get3A_102 = arith.index_cast %get3A_101 : i32 to index
    %get3A_103 = arith.constant 96 : index
    %get3A_104 = tpu.vector_load %arg9[%get3A_102, %get3A_103] {strides = array<i32>} : memref<5x128xf32, #tpu.memory_space<vmem>>, vector<16xf32>,
    %sub3A_105 = arith.subf %get3A_104, %get3A_42 : vector<16xf32>
    %get3A_106 = arith.constant 1 : i32
    %get3A_107 = arith.index_cast %get3A_106 : i32 to index
    %get3A_108 = arith.constant 112 : index
    %get3A_109 = tpu.vector_load %arg9[%get3A_107, %get3A_108] {strides = array<i32>} : memref<5x128xf32, #tpu.memory_space<vmem>>, vector<16xf32>,
    %sub3A_110 = arith.subf %get3A_109, %get3A_46 : vector<16xf32>
    %get3A_111 = arith.constant 2 : i32
    %get3A_112 = arith.index_cast %get3A_111 : i32 to index
    %get3A_113 = arith.constant 0 : index
    %get3A_114 = tpu.vector_load %arg9[%get3A_112, %get3A_113] {strides = array<i32>} : memref<5x128xf32, #tpu.memory_space<vmem>>, vector<16xf32>,
    %sub3A_115 = arith.subf %get3A_114, %get3A_18 : vector<16xf32>
    %get3A_116 = arith.constant 2 : i32
    %get3A_117 = arith.index_cast %get3A_116 : i32 to index
    %get3A_118 = arith.constant 16 : index
    %get3A_119 = tpu.vector_load %arg9[%get3A_117, %get3A_118] {strides = array<i32>} : memref<5x128xf32, #tpu.memory_space<vmem>>, vector<16xf32>,
    %sub3A_120 = arith.subf %get3A_119, %get3A_22 : vector<16xf32>
    %get3A_121 = arith.constant 2 : i32
    %get3A_122 = arith.index_cast %get3A_121 : i32 to index
    %get3A_123 = arith.constant 32 : index
    %get3A_124 = tpu.vector_load %arg9[%get3A_122, %get3A_123] {strides = array<i32>} : memref<5x128xf32, #tpu.memory_space<vmem>>, vector<16xf32>,
    %sub3A_125 = arith.subf %get3A_124, %get3A_26 : vector<16xf32>
    %get3A_126 = arith.constant 2 : i32
    %get3A_127 = arith.index_cast %get3A_126 : i32 to index
    %get3A_128 = arith.constant 48 : index
    %get3A_129 = tpu.vector_load %arg9[%get3A_127, %get3A_128] {strides = array<i32>} : memref<5x128xf32, #tpu.memory_space<vmem>>, vector<16xf32>,
    %sub3A_130 = arith.subf %get3A_129, %get3A_30 : vector<16xf32>
    %get3A_131 = arith.constant 2 : i32
    %get3A_132 = arith.index_cast %get3A_131 : i32 to index
    %get3A_133 = arith.constant 64 : index
    %get3A_134 = tpu.vector_load %arg9[%get3A_132, %get3A_133] {strides = array<i32>} : memref<5x128xf32, #tpu.memory_space<vmem>>, vector<16xf32>,
    %sub3A_135 = arith.subf %get3A_134, %get3A_34 : vector<16xf32>
    %get3A_136 = arith.constant 2 : i32
    %get3A_137 = arith.index_cast %get3A_136 : i32 to index
    %get3A_138 = arith.constant 80 : index
    %get3A_139 = tpu.vector_load %arg9[%get3A_137, %get3A_138] {strides = array<i32>} : memref<5x128xf32, #tpu.memory_space<vmem>>, vector<16xf32>,
    %sub3A_140 = arith.subf %get3A_139, %get3A_38 : vector<16xf32>
    %get3A_141 = arith.constant 2 : i32
    %get3A_142 = arith.index_cast %get3A_141 : i32 to index
    %get3A_143 = arith.constant 96 : index
    %get3A_144 = tpu.vector_load %arg9[%get3A_142, %get3A_143] {strides = array<i32>} : memref<5x128xf32, #tpu.memory_space<vmem>>, vector<16xf32>,
    %sub3A_145 = arith.subf %get3A_144, %get3A_42 : vector<16xf32>
    %get3A_146 = arith.constant 2 : i32
    %get3A_147 = arith.index_cast %get3A_146 : i32 to index
    %get3A_148 = arith.constant 112 : index
    %get3A_149 = tpu.vector_load %arg9[%get3A_147, %get3A_148] {strides = array<i32>} : memref<5x128xf32, #tpu.memory_space<vmem>>, vector<16xf32>,
    %sub3A_150 = arith.subf %get3A_149, %get3A_46 : vector<16xf32>
    %get3A_151 = arith.constant 3 : i32
    %get3A_152 = arith.index_cast %get3A_151 : i32 to index
    %get3A_153 = arith.constant 0 : index
    %get3A_154 = tpu.vector_load %arg9[%get3A_152, %get3A_153] {strides = array<i32>} : memref<5x128xf32, #tpu.memory_space<vmem>>, vector<16xf32>,
    %sub3A_155 = arith.subf %get3A_154, %get3A_18 : vector<16xf32>
    %get3A_156 = arith.constant 3 : i32
    %get3A_157 = arith.index_cast %get3A_156 : i32 to index
    %get3A_158 = arith.constant 16 : index
    %get3A_159 = tpu.vector_load %arg9[%get3A_157, %get3A_158] {strides = array<i32>} : memref<5x128xf32, #tpu.memory_space<vmem>>, vector<16xf32>,
    %sub3A_160 = arith.subf %get3A_159, %get3A_22 : vector<16xf32>
    %get3A_161 = arith.constant 3 : i32
    %get3A_162 = arith.index_cast %get3A_161 : i32 to index
    %get3A_163 = arith.constant 32 : index
    %get3A_164 = tpu.vector_load %arg9[%get3A_162, %get3A_163] {strides = array<i32>} : memref<5x128xf32, #tpu.memory_space<vmem>>, vector<16xf32>,
    %sub3A_165 = arith.subf %get3A_164, %get3A_26 : vector<16xf32>
    %get3A_166 = arith.constant 3 : i32
    %get3A_167 = arith.index_cast %get3A_166 : i32 to index
    %get3A_168 = arith.constant 48 : index
    %get3A_169 = tpu.vector_load %arg9[%get3A_167, %get3A_168] {strides = array<i32>} : memref<5x128xf32, #tpu.memory_space<vmem>>, vector<16xf32>,
    %sub3A_170 = arith.subf %get3A_169, %get3A_30 : vector<16xf32>
    %get3A_171 = arith.constant 3 : i32
    %get3A_172 = arith.index_cast %get3A_171 : i32 to index
    %get3A_173 = arith.constant 64 : index
    %get3A_174 = tpu.vector_load %arg9[%get3A_172, %get3A_173] {strides = array<i32>} : memref<5x128xf32, #tpu.memory_space<vmem>>, vector<16xf32>,
    %sub3A_175 = arith.subf %get3A_174, %get3A_34 : vector<16xf32>
    %get3A_176 = arith.constant 3 : i32
    %get3A_177 = arith.index_cast %get3A_176 : i32 to index
    %get3A_178 = arith.constant 80 : index
    %get3A_179 = tpu.vector_load %arg9[%get3A_177, %get3A_178] {strides = array<i32>} : memref<5x128xf32, #tpu.memory_space<vmem>>, vector<16xf32>,
    %sub3A_180 = arith.subf %get3A_179, %get3A_38 : vector<16xf32>
    %get3A_181 = arith.constant 3 : i32
    %get3A_182 = arith.index_cast %get3A_181 : i32 to index
    %get3A_183 = arith.constant 96 : index
    %get3A_184 = tpu.vector_load %arg9[%get3A_182, %get3A_183] {strides = array<i32>} : memref<5x128xf32, #tpu.memory_space<vmem>>, vector<16xf32>,
    %sub3A_185 = arith.subf %get3A_184, %get3A_42 : vector<16xf32>
    %get3A_186 = arith.constant 3 : i32
    %get3A_187 = arith.index_cast %get3A_186 : i32 to index
    %get3A_188 = arith.constant 112 : index
    %get3A_189 = tpu.vector_load %arg9[%get3A_187, %get3A_188] {strides = array<i32>} : memref<5x128xf32, #tpu.memory_space<vmem>>, vector<16xf32>,
    %sub3A_190 = arith.subf %get3A_189, %get3A_46 : vector<16xf32>
    %get3A_191 = arith.constant 4 : i32
    %get3A_192 = arith.index_cast %get3A_191 : i32 to index
    %get3A_193 = arith.constant 0 : index
    %get3A_194 = tpu.vector_load %arg9[%get3A_192, %get3A_193] {strides = array<i32>} : memref<5x128xf32, #tpu.memory_space<vmem>>, vector<16xf32>,
    %sub3A_195 = arith.subf %get3A_194, %get3A_18 : vector<16xf32>
    %get3A_196 = arith.constant 4 : i32
    %get3A_197 = arith.index_cast %get3A_196 : i32 to index
    %get3A_198 = arith.constant 16 : index
    %get3A_199 = tpu.vector_load %arg9[%get3A_197, %get3A_198] {strides = array<i32>} : memref<5x128xf32, #tpu.memory_space<vmem>>, vector<16xf32>,
    %sub3A_200 = arith.subf %get3A_199, %get3A_22 : vector<16xf32>
    %get3A_201 = arith.constant 4 : i32
    %get3A_202 = arith.index_cast %get3A_201 : i32 to index
    %get3A_203 = arith.constant 32 : index
    %get3A_204 = tpu.vector_load %arg9[%get3A_202, %get3A_203] {strides = array<i32>} : memref<5x128xf32, #tpu.memory_space<vmem>>, vector<16xf32>,
    %sub3A_205 = arith.subf %get3A_204, %get3A_26 : vector<16xf32>
    %get3A_206 = arith.constant 4 : i32
    %get3A_207 = arith.index_cast %get3A_206 : i32 to index
    %get3A_208 = arith.constant 48 : index
    %get3A_209 = tpu.vector_load %arg9[%get3A_207, %get3A_208] {strides = array<i32>} : memref<5x128xf32, #tpu.memory_space<vmem>>, vector<16xf32>,
    %sub3A_210 = arith.subf %get3A_209, %get3A_30 : vector<16xf32>
    %get3A_211 = arith.constant 4 : i32
    %get3A_212 = arith.index_cast %get3A_211 : i32 to index
    %get3A_213 = arith.constant 64 : index
    %get3A_214 = tpu.vector_load %arg9[%get3A_212, %get3A_213] {strides = array<i32>} : memref<5x128xf32, #tpu.memory_space<vmem>>, vector<16xf32>,
    %sub3A_215 = arith.subf %get3A_214, %get3A_34 : vector<16xf32>
    %get3A_216 = arith.constant 4 : i32
    %get3A_217 = arith.index_cast %get3A_216 : i32 to index
    %get3A_218 = arith.constant 80 : index
    %get3A_219 = tpu.vector_load %arg9[%get3A_217, %get3A_218] {strides = array<i32>} : memref<5x128xf32, #tpu.memory_space<vmem>>, vector<16xf32>,
    %sub3A_220 = arith.subf %get3A_219, %get3A_38 : vector<16xf32>
    %get3A_221 = arith.constant 4 : i32
    %get3A_222 = arith.index_cast %get3A_221 : i32 to index
    %get3A_223 = arith.constant 96 : index
    %get3A_224 = tpu.vector_load %arg9[%get3A_222, %get3A_223] {strides = array<i32>} : memref<5x128xf32, #tpu.memory_space<vmem>>, vector<16xf32>,
    %sub3A_225 = arith.subf %get3A_224, %get3A_42 : vector<16xf32>
    %get3A_226 = arith.constant 4 : i32
    %get3A_227 = arith.index_cast %get3A_226 : i32 to index
    %get3A_228 = arith.constant 112 : index
    %get3A_229 = tpu.vector_load %arg9[%get3A_227, %get3A_228] {strides = array<i32>} : memref<5x128xf32, #tpu.memory_space<vmem>>, vector<16xf32>,
    %sub3A_230 = arith.subf %get3A_229, %get3A_46 : vector<16xf32>
    %mul3A_231 = arith.constant 512 : i32
    %mul3A_232 = arith.muli %add3A, %mul3A_231 : i32
    %add3A_233 = arith.constant 0 : i32
    %add3A_234 = arith.addi %mul3A_232, %add3A_233 : i32
    %dma_start3A = arith.constant 0 : i32
    %dma_start3A_235 = tpu.memref_slice %arg2[%dma_start3A, %add3A_234] : memref<200x16384xi32, #tpu.memory_space<hbm>> -> memref<200x128xi32, #tpu.memory_space<hbm>>
    %dma_start3A_236 = arith.constant 0 : i32
    %dma_start3A_237 = tpu.memref_slice %arg2[%dma_start3A_236, %add3A_234] : memref<200x16384xi32, #tpu.memory_space<hbm>> -> memref<200x128xi32, #tpu.memory_space<hbm>>
    tpu.enqueue_dma source(%dma_start3A_237 : memref<200x128xi32, #tpu.memory_space<hbm>>) target(%arg5 : memref<200x128xi32, #tpu.memory_space<vmem>>) target_semaphore(%arg12 : memref<!tpu.dma_semaphore, #tpu.memory_space<semaphore_mem>>)
    %mul3A_238 = arith.constant 512 : i32
    %mul3A_239 = arith.muli %add3A, %mul3A_238 : i32
    %add3A_240 = arith.constant 128 : i32
    %add3A_241 = arith.addi %mul3A_239, %add3A_240 : i32
    %dma_start3A_242 = arith.constant 0 : i32
    %dma_start3A_243 = tpu.memref_slice %arg2[%dma_start3A_242, %add3A_241] : memref<200x16384xi32, #tpu.memory_space<hbm>> -> memref<200x128xi32, #tpu.memory_space<hbm>>
    %dma_start3A_244 = arith.constant 0 : i32
    %dma_start3A_245 = tpu.memref_slice %arg2[%dma_start3A_244, %add3A_241] : memref<200x16384xi32, #tpu.memory_space<hbm>> -> memref<200x128xi32, #tpu.memory_space<hbm>>
    tpu.enqueue_dma source(%dma_start3A_245 : memref<200x128xi32, #tpu.memory_space<hbm>>) target(%arg6 : memref<200x128xi32, #tpu.memory_space<vmem>>) target_semaphore(%arg13 : memref<!tpu.dma_semaphore, #tpu.memory_space<semaphore_mem>>)
    %dma_wait3A = arith.constant 0 : i32
    %dma_wait3A_246 = tpu.memref_slice %arg2[%dma_wait3A, %add3A_234] : memref<200x16384xi32, #tpu.memory_space<hbm>> -> memref<200x128xi32, #tpu.memory_space<hbm>>
    %dma_wait3A_247 = arith.constant 0 : i32
    %dma_wait3A_248 = tpu.memref_slice %arg2[%dma_wait3A_247, %add3A_234] : memref<200x16384xi32, #tpu.memory_space<hbm>> -> memref<200x128xi32, #tpu.memory_space<hbm>>
    tpu.wait_dma2 semaphore(%arg12 : memref<!tpu.dma_semaphore, #tpu.memory_space<semaphore_mem>>) src(%dma_wait3A_248 : memref<200x128xi32, #tpu.memory_space<hbm>>) dst(%arg5 : memref<200x128xi32, #tpu.memory_space<vmem>>)
    %parallel_loop3A = arith.constant 0 : i32
    %parallel_loop3A_249 = arith.constant 8 : i32
    %parallel_loop3A_250 = arith.constant 1 : i32
    scf.for %parallel_loop3A_348 = %parallel_loop3A to %parallel_loop3A_249 step %parallel_loop3A_250  : i32 {
      %parallel_loop3A_349 = arith.constant 16 : i32
      %parallel_loop3A_350 = arith.muli %parallel_loop3A_348, %parallel_loop3A_349 : i32
      %parallel_loop3A_351 = arith.constant 0 : i32
      %parallel_loop3A_352 = vector.broadcast %parallel_loop3A_351 : i32 to vector<16xi32>
      %parallel_loop3A_353 = arith.constant 0 : i32
      %parallel_loop3A_354 = arith.constant 200 : i32
      %parallel_loop3A_355 = arith.constant 4 : i32
      %parallel_loop3A_356:4 = scf.for %parallel_loop3A_403 = %parallel_loop3A_353 to %parallel_loop3A_354 step %parallel_loop3A_355 iter_args(%parallel_loop3A_404 = %parallel_loop3A_352, %parallel_loop3A_405 = %parallel_loop3A_352, %parallel_loop3A_406 = %parallel_loop3A_352, %parallel_loop3A_407 = %parallel_loop3A_352) -> (vector<16xi32>, vector<16xi32>, vector<16xi32>, vector<16xi32>)  : i32 {
        %parallel_loop3A_408 = arith.index_cast %parallel_loop3A_403 : i32 to index
        %parallel_loop3A_409 = arith.index_cast %parallel_loop3A_350 : i32 to index
        %parallel_loop3A_410 = tpu.vector_load %arg5[%parallel_loop3A_408, %parallel_loop3A_409] {strides = array<i32>} : memref<200x128xi32, #tpu.memory_space<vmem>>, vector<16xi32>,
        %parallel_loop3A_411 = tpu.vector_load_idx %arg11[%parallel_loop3A_410] : memref<16xi32, #tpu.memory_space<vmem>>[vector<16xi32>], vector<16xi32>,
        %parallel_loop3A_412 = arith.addi %parallel_loop3A_404, %parallel_loop3A_411 : vector<16xi32>
        %parallel_loop3A_413 = arith.constant 1 : i32
        %parallel_loop3A_414 = arith.addi %parallel_loop3A_403, %parallel_loop3A_413 : i32
        %parallel_loop3A_415 = arith.index_cast %parallel_loop3A_414 : i32 to index
        %parallel_loop3A_416 = arith.index_cast %parallel_loop3A_350 : i32 to index
        %parallel_loop3A_417 = tpu.vector_load %arg5[%parallel_loop3A_415, %parallel_loop3A_416] {strides = array<i32>} : memref<200x128xi32, #tpu.memory_space<vmem>>, vector<16xi32>,
        %parallel_loop3A_418 = tpu.vector_load_idx %arg11[%parallel_loop3A_417] : memref<16xi32, #tpu.memory_space<vmem>>[vector<16xi32>], vector<16xi32>,
        %parallel_loop3A_419 = arith.addi %parallel_loop3A_405, %parallel_loop3A_418 : vector<16xi32>
        %parallel_loop3A_420 = arith.constant 2 : i32
        %parallel_loop3A_421 = arith.addi %parallel_loop3A_403, %parallel_loop3A_420 : i32
        %parallel_loop3A_422 = arith.index_cast %parallel_loop3A_421 : i32 to index
        %parallel_loop3A_423 = arith.index_cast %parallel_loop3A_350 : i32 to index
        %parallel_loop3A_424 = tpu.vector_load %arg5[%parallel_loop3A_422, %parallel_loop3A_423] {strides = array<i32>} : memref<200x128xi32, #tpu.memory_space<vmem>>, vector<16xi32>,
        %parallel_loop3A_425 = tpu.vector_load_idx %arg11[%parallel_loop3A_424] : memref<16xi32, #tpu.memory_space<vmem>>[vector<16xi32>], vector<16xi32>,
        %parallel_loop3A_426 = arith.addi %parallel_loop3A_406, %parallel_loop3A_425 : vector<16xi32>
        %parallel_loop3A_427 = arith.constant 3 : i32
        %parallel_loop3A_428 = arith.addi %parallel_loop3A_403, %parallel_loop3A_427 : i32
        %parallel_loop3A_429 = arith.index_cast %parallel_loop3A_428 : i32 to index
        %parallel_loop3A_430 = arith.index_cast %parallel_loop3A_350 : i32 to index
        %parallel_loop3A_431 = tpu.vector_load %arg5[%parallel_loop3A_429, %parallel_loop3A_430] {strides = array<i32>} : memref<200x128xi32, #tpu.memory_space<vmem>>, vector<16xi32>,
        %parallel_loop3A_432 = tpu.vector_load_idx %arg11[%parallel_loop3A_431] : memref<16xi32, #tpu.memory_space<vmem>>[vector<16xi32>], vector<16xi32>,
        %parallel_loop3A_433 = arith.addi %parallel_loop3A_407, %parallel_loop3A_432 : vector<16xi32>
        scf.yield %parallel_loop3A_412, %parallel_loop3A_419, %parallel_loop3A_426, %parallel_loop3A_433 : vector<16xi32>, vector<16xi32>, vector<16xi32>, vector<16xi32>
      } {sc.loop_unroll_factor = 1 : i64, sc.parallel_access}
      %parallel_loop3A_357 = arith.addi %parallel_loop3A_356#0, %parallel_loop3A_356#1 : vector<16xi32>
      %parallel_loop3A_358 = arith.addi %parallel_loop3A_356#2, %parallel_loop3A_356#3 : vector<16xi32>
      %parallel_loop3A_359 = arith.addi %parallel_loop3A_357, %parallel_loop3A_358 : vector<16xi32>
      %parallel_loop3A_360 = arith.constant 64 : i32
      %parallel_loop3A_361 = arith.muli %parallel_loop3A_348, %parallel_loop3A_360 : i32
      %parallel_loop3A_362 = arith.constant 255 : i32
      %parallel_loop3A_363 = vector.broadcast %parallel_loop3A_362 : i32 to vector<16xi32>
      %parallel_loop3A_364 = arith.andi %parallel_loop3A_359, %parallel_loop3A_363 : vector<16xi32>
      %parallel_loop3A_365 = arith.sitofp %parallel_loop3A_364 : vector<16xi32> to vector<16xf32>
      %parallel_loop3A_366 = arith.constant 0 : i32
      %parallel_loop3A_367 = arith.addi %parallel_loop3A_361, %parallel_loop3A_366 : i32
      %parallel_loop3A_368 = arith.index_cast %parallel_loop3A_367 : i32 to index
      %parallel_loop3A_369 = tpu.vector_load %arg10[%parallel_loop3A_368] {strides = array<i32>} : memref<512xf32, #tpu.memory_space<vmem>>, vector<16xf32>,
      tpu.vector_store %arg10[%parallel_loop3A_368], %parallel_loop3A_365 {strides = array<i32>} : memref<512xf32, #tpu.memory_space<vmem>>, vector<16xf32>,
      %parallel_loop3A_370 = arith.constant 8 : i32
      %parallel_loop3A_371 = vector.broadcast %parallel_loop3A_370 : i32 to vector<16xi32>
      %parallel_loop3A_372 = arith.shrsi %parallel_loop3A_359, %parallel_loop3A_371 : vector<16xi32>
      %parallel_loop3A_373 = arith.constant 255 : i32
      %parallel_loop3A_374 = vector.broadcast %parallel_loop3A_373 : i32 to vector<16xi32>
      %parallel_loop3A_375 = arith.andi %parallel_loop3A_372, %parallel_loop3A_374 : vector<16xi32>
      %parallel_loop3A_376 = arith.sitofp %parallel_loop3A_375 : vector<16xi32> to vector<16xf32>
      %parallel_loop3A_377 = arith.constant 16 : i32
      %parallel_loop3A_378 = arith.addi %parallel_loop3A_361, %parallel_loop3A_377 : i32
      %parallel_loop3A_379 = arith.index_cast %parallel_loop3A_378 : i32 to index
      %parallel_loop3A_380 = tpu.vector_load %arg10[%parallel_loop3A_379] {strides = array<i32>} : memref<512xf32, #tpu.memory_space<vmem>>, vector<16xf32>,
      tpu.vector_store %arg10[%parallel_loop3A_379], %parallel_loop3A_376 {strides = array<i32>} : memref<512xf32, #tpu.memory_space<vmem>>, vector<16xf32>,
      %parallel_loop3A_381 = arith.constant 16 : i32
      %parallel_loop3A_382 = vector.broadcast %parallel_loop3A_381 : i32 to vector<16xi32>
      %parallel_loop3A_383 = arith.shrsi %parallel_loop3A_359, %parallel_loop3A_382 : vector<16xi32>
      %parallel_loop3A_384 = arith.constant 255 : i32
      %parallel_loop3A_385 = vector.broadcast %parallel_loop3A_384 : i32 to vector<16xi32>
      %parallel_loop3A_386 = arith.andi %parallel_loop3A_383, %parallel_loop3A_385 : vector<16xi32>
      %parallel_loop3A_387 = arith.sitofp %parallel_loop3A_386 : vector<16xi32> to vector<16xf32>
      %parallel_loop3A_388 = arith.constant 32 : i32
      %parallel_loop3A_389 = arith.addi %parallel_loop3A_361, %parallel_loop3A_388 : i32
      %parallel_loop3A_390 = arith.index_cast %parallel_loop3A_389 : i32 to index
      %parallel_loop3A_391 = tpu.vector_load %arg10[%parallel_loop3A_390] {strides = array<i32>} : memref<512xf32, #tpu.memory_space<vmem>>, vector<16xf32>,
      tpu.vector_store %arg10[%parallel_loop3A_390], %parallel_loop3A_387 {strides = array<i32>} : memref<512xf32, #tpu.memory_space<vmem>>, vector<16xf32>,
      %parallel_loop3A_392 = arith.constant 24 : i32
      %parallel_loop3A_393 = vector.broadcast %parallel_loop3A_392 : i32 to vector<16xi32>
      %parallel_loop3A_394 = arith.shrsi %parallel_loop3A_359, %parallel_loop3A_393 : vector<16xi32>
      %parallel_loop3A_395 = arith.constant 255 : i32
      %parallel_loop3A_396 = vector.broadcast %parallel_loop3A_395 : i32 to vector<16xi32>
      %parallel_loop3A_397 = arith.andi %parallel_loop3A_394, %parallel_loop3A_396 : vector<16xi32>
      %parallel_loop3A_398 = arith.sitofp %parallel_loop3A_397 : vector<16xi32> to vector<16xf32>
      %parallel_loop3A_399 = arith.constant 48 : i32
      %parallel_loop3A_400 = arith.addi %parallel_loop3A_361, %parallel_loop3A_399 : i32
      %parallel_loop3A_401 = arith.index_cast %parallel_loop3A_400 : i32 to index
      %parallel_loop3A_402 = tpu.vector_load %arg10[%parallel_loop3A_401] {strides = array<i32>} : memref<512xf32, #tpu.memory_space<vmem>>, vector<16xf32>,
      tpu.vector_store %arg10[%parallel_loop3A_401], %parallel_loop3A_398 {strides = array<i32>} : memref<512xf32, #tpu.memory_space<vmem>>, vector<16xf32>,
    } {sc.loop_unroll_factor = 1 : i64, sc.parallel_access}
    %parallel_loop3A_251 = arith.constant 0 : i32
    %parallel_loop3A_252 = arith.constant 128 : i32
    %parallel_loop3A_253 = arith.constant 1 : i32
    scf.for %parallel_loop3A_348 = %parallel_loop3A_251 to %parallel_loop3A_252 step %parallel_loop3A_253  : i32 {
      %parallel_loop3A_349 = arith.constant 4 : i32
      %parallel_loop3A_350 = arith.shrsi %parallel_loop3A_348, %parallel_loop3A_349 : i32
      %parallel_loop3A_351 = arith.constant 64 : i32
      %parallel_loop3A_352 = arith.muli %parallel_loop3A_350, %parallel_loop3A_351 : i32
      %parallel_loop3A_353 = arith.constant 15 : i32
      %parallel_loop3A_354 = arith.andi %parallel_loop3A_348, %parallel_loop3A_353 : i32
      %parallel_loop3A_355 = arith.addi %parallel_loop3A_352, %parallel_loop3A_354 : i32
      %parallel_loop3A_356 = vector.broadcast %parallel_loop3A_355 : i32 to vector<16xi32>
      %parallel_loop3A_357 = arith.constant 0 : i32
      %parallel_loop3A_358 = vector.broadcast %parallel_loop3A_357 : i32 to vector<16xi32>
      %parallel_loop3A_359 = arith.addi %parallel_loop3A_356, %parallel_loop3A_358 : vector<16xi32>
      %parallel_loop3A_360 = tpu.vector_load_idx %arg10[%parallel_loop3A_359] : memref<512xf32, #tpu.memory_space<vmem>>[vector<16xi32>], vector<16xf32>,
      %parallel_loop3A_361 = arith.constant 16 : i32
      %parallel_loop3A_362 = vector.broadcast %parallel_loop3A_361 : i32 to vector<16xi32>
      %parallel_loop3A_363 = arith.addi %parallel_loop3A_356, %parallel_loop3A_362 : vector<16xi32>
      %parallel_loop3A_364 = tpu.vector_load_idx %arg10[%parallel_loop3A_363] : memref<512xf32, #tpu.memory_space<vmem>>[vector<16xi32>], vector<16xf32>,
      %parallel_loop3A_365 = arith.constant 32 : i32
      %parallel_loop3A_366 = vector.broadcast %parallel_loop3A_365 : i32 to vector<16xi32>
      %parallel_loop3A_367 = arith.addi %parallel_loop3A_356, %parallel_loop3A_366 : vector<16xi32>
      %parallel_loop3A_368 = tpu.vector_load_idx %arg10[%parallel_loop3A_367] : memref<512xf32, #tpu.memory_space<vmem>>[vector<16xi32>], vector<16xf32>,
      %parallel_loop3A_369 = arith.constant 48 : i32
      %parallel_loop3A_370 = vector.broadcast %parallel_loop3A_369 : i32 to vector<16xi32>
      %parallel_loop3A_371 = arith.addi %parallel_loop3A_356, %parallel_loop3A_370 : vector<16xi32>
      %parallel_loop3A_372 = tpu.vector_load_idx %arg10[%parallel_loop3A_371] : memref<512xf32, #tpu.memory_space<vmem>>[vector<16xi32>], vector<16xf32>,
      %parallel_loop3A_373 = arith.mulf %parallel_loop3A_360, %sub3A_75 : vector<16xf32>
      %parallel_loop3A_374 = arith.addf %mul3A_49, %parallel_loop3A_373 : vector<16xf32>
      %parallel_loop3A_375 = arith.mulf %parallel_loop3A_364, %sub3A_115 : vector<16xf32>
      %parallel_loop3A_376 = arith.addf %parallel_loop3A_374, %parallel_loop3A_375 : vector<16xf32>
      %parallel_loop3A_377 = arith.mulf %parallel_loop3A_368, %sub3A_155 : vector<16xf32>
      %parallel_loop3A_378 = arith.addf %parallel_loop3A_376, %parallel_loop3A_377 : vector<16xf32>
      %parallel_loop3A_379 = arith.mulf %parallel_loop3A_372, %sub3A_195 : vector<16xf32>
      %parallel_loop3A_380 = arith.addf %parallel_loop3A_378, %parallel_loop3A_379 : vector<16xf32>
      %parallel_loop3A_381 = arith.index_cast %parallel_loop3A_348 : i32 to index
      %parallel_loop3A_382 = arith.constant 0 : index
      %parallel_loop3A_383 = tpu.vector_load %arg7[%parallel_loop3A_381, %parallel_loop3A_382] {strides = array<i32>} : memref<128x128xf32, #tpu.memory_space<vmem>>, vector<16xf32>,
      tpu.vector_store %arg7[%parallel_loop3A_381, %parallel_loop3A_382], %parallel_loop3A_380 {strides = array<i32>} : memref<128x128xf32, #tpu.memory_space<vmem>>, vector<16xf32>,
      %parallel_loop3A_384 = arith.mulf %parallel_loop3A_360, %sub3A_80 : vector<16xf32>
      %parallel_loop3A_385 = arith.addf %mul3A_52, %parallel_loop3A_384 : vector<16xf32>
      %parallel_loop3A_386 = arith.mulf %parallel_loop3A_364, %sub3A_120 : vector<16xf32>
      %parallel_loop3A_387 = arith.addf %parallel_loop3A_385, %parallel_loop3A_386 : vector<16xf32>
      %parallel_loop3A_388 = arith.mulf %parallel_loop3A_368, %sub3A_160 : vector<16xf32>
      %parallel_loop3A_389 = arith.addf %parallel_loop3A_387, %parallel_loop3A_388 : vector<16xf32>
      %parallel_loop3A_390 = arith.mulf %parallel_loop3A_372, %sub3A_200 : vector<16xf32>
      %parallel_loop3A_391 = arith.addf %parallel_loop3A_389, %parallel_loop3A_390 : vector<16xf32>
      %parallel_loop3A_392 = arith.index_cast %parallel_loop3A_348 : i32 to index
      %parallel_loop3A_393 = arith.constant 16 : index
      %parallel_loop3A_394 = tpu.vector_load %arg7[%parallel_loop3A_392, %parallel_loop3A_393] {strides = array<i32>} : memref<128x128xf32, #tpu.memory_space<vmem>>, vector<16xf32>,
      tpu.vector_store %arg7[%parallel_loop3A_392, %parallel_loop3A_393], %parallel_loop3A_391 {strides = array<i32>} : memref<128x128xf32, #tpu.memory_space<vmem>>, vector<16xf32>,
      %parallel_loop3A_395 = arith.mulf %parallel_loop3A_360, %sub3A_85 : vector<16xf32>
      %parallel_loop3A_396 = arith.addf %mul3A_55, %parallel_loop3A_395 : vector<16xf32>
      %parallel_loop3A_397 = arith.mulf %parallel_loop3A_364, %sub3A_125 : vector<16xf32>
      %parallel_loop3A_398 = arith.addf %parallel_loop3A_396, %parallel_loop3A_397 : vector<16xf32>
      %parallel_loop3A_399 = arith.mulf %parallel_loop3A_368, %sub3A_165 : vector<16xf32>
      %parallel_loop3A_400 = arith.addf %parallel_loop3A_398, %parallel_loop3A_399 : vector<16xf32>
      %parallel_loop3A_401 = arith.mulf %parallel_loop3A_372, %sub3A_205 : vector<16xf32>
      %parallel_loop3A_402 = arith.addf %parallel_loop3A_400, %parallel_loop3A_401 : vector<16xf32>
      %parallel_loop3A_403 = arith.index_cast %parallel_loop3A_348 : i32 to index
      %parallel_loop3A_404 = arith.constant 32 : index
      %parallel_loop3A_405 = tpu.vector_load %arg7[%parallel_loop3A_403, %parallel_loop3A_404] {strides = array<i32>} : memref<128x128xf32, #tpu.memory_space<vmem>>, vector<16xf32>,
      tpu.vector_store %arg7[%parallel_loop3A_403, %parallel_loop3A_404], %parallel_loop3A_402 {strides = array<i32>} : memref<128x128xf32, #tpu.memory_space<vmem>>, vector<16xf32>,
      %parallel_loop3A_406 = arith.mulf %parallel_loop3A_360, %sub3A_90 : vector<16xf32>
      %parallel_loop3A_407 = arith.addf %mul3A_58, %parallel_loop3A_406 : vector<16xf32>
      %parallel_loop3A_408 = arith.mulf %parallel_loop3A_364, %sub3A_130 : vector<16xf32>
      %parallel_loop3A_409 = arith.addf %parallel_loop3A_407, %parallel_loop3A_408 : vector<16xf32>
      %parallel_loop3A_410 = arith.mulf %parallel_loop3A_368, %sub3A_170 : vector<16xf32>
      %parallel_loop3A_411 = arith.addf %parallel_loop3A_409, %parallel_loop3A_410 : vector<16xf32>
      %parallel_loop3A_412 = arith.mulf %parallel_loop3A_372, %sub3A_210 : vector<16xf32>
      %parallel_loop3A_413 = arith.addf %parallel_loop3A_411, %parallel_loop3A_412 : vector<16xf32>
      %parallel_loop3A_414 = arith.index_cast %parallel_loop3A_348 : i32 to index
      %parallel_loop3A_415 = arith.constant 48 : index
      %parallel_loop3A_416 = tpu.vector_load %arg7[%parallel_loop3A_414, %parallel_loop3A_415] {strides = array<i32>} : memref<128x128xf32, #tpu.memory_space<vmem>>, vector<16xf32>,
      tpu.vector_store %arg7[%parallel_loop3A_414, %parallel_loop3A_415], %parallel_loop3A_413 {strides = array<i32>} : memref<128x128xf32, #tpu.memory_space<vmem>>, vector<16xf32>,
      %parallel_loop3A_417 = arith.mulf %parallel_loop3A_360, %sub3A_95 : vector<16xf32>
      %parallel_loop3A_418 = arith.addf %mul3A_61, %parallel_loop3A_417 : vector<16xf32>
      %parallel_loop3A_419 = arith.mulf %parallel_loop3A_364, %sub3A_135 : vector<16xf32>
      %parallel_loop3A_420 = arith.addf %parallel_loop3A_418, %parallel_loop3A_419 : vector<16xf32>
      %parallel_loop3A_421 = arith.mulf %parallel_loop3A_368, %sub3A_175 : vector<16xf32>
      %parallel_loop3A_422 = arith.addf %parallel_loop3A_420, %parallel_loop3A_421 : vector<16xf32>
      %parallel_loop3A_423 = arith.mulf %parallel_loop3A_372, %sub3A_215 : vector<16xf32>
      %parallel_loop3A_424 = arith.addf %parallel_loop3A_422, %parallel_loop3A_423 : vector<16xf32>
      %parallel_loop3A_425 = arith.index_cast %parallel_loop3A_348 : i32 to index
      %parallel_loop3A_426 = arith.constant 64 : index
      %parallel_loop3A_427 = tpu.vector_load %arg7[%parallel_loop3A_425, %parallel_loop3A_426] {strides = array<i32>} : memref<128x128xf32, #tpu.memory_space<vmem>>, vector<16xf32>,
      tpu.vector_store %arg7[%parallel_loop3A_425, %parallel_loop3A_426], %parallel_loop3A_424 {strides = array<i32>} : memref<128x128xf32, #tpu.memory_space<vmem>>, vector<16xf32>,
      %parallel_loop3A_428 = arith.mulf %parallel_loop3A_360, %sub3A_100 : vector<16xf32>
      %parallel_loop3A_429 = arith.addf %mul3A_64, %parallel_loop3A_428 : vector<16xf32>
      %parallel_loop3A_430 = arith.mulf %parallel_loop3A_364, %sub3A_140 : vector<16xf32>
      %parallel_loop3A_431 = arith.addf %parallel_loop3A_429, %parallel_loop3A_430 : vector<16xf32>
      %parallel_loop3A_432 = arith.mulf %parallel_loop3A_368, %sub3A_180 : vector<16xf32>
      %parallel_loop3A_433 = arith.addf %parallel_loop3A_431, %parallel_loop3A_432 : vector<16xf32>
      %parallel_loop3A_434 = arith.mulf %parallel_loop3A_372, %sub3A_220 : vector<16xf32>
      %parallel_loop3A_435 = arith.addf %parallel_loop3A_433, %parallel_loop3A_434 : vector<16xf32>
      %parallel_loop3A_436 = arith.index_cast %parallel_loop3A_348 : i32 to index
      %parallel_loop3A_437 = arith.constant 80 : index
      %parallel_loop3A_438 = tpu.vector_load %arg7[%parallel_loop3A_436, %parallel_loop3A_437] {strides = array<i32>} : memref<128x128xf32, #tpu.memory_space<vmem>>, vector<16xf32>,
      tpu.vector_store %arg7[%parallel_loop3A_436, %parallel_loop3A_437], %parallel_loop3A_435 {strides = array<i32>} : memref<128x128xf32, #tpu.memory_space<vmem>>, vector<16xf32>,
      %parallel_loop3A_439 = arith.mulf %parallel_loop3A_360, %sub3A_105 : vector<16xf32>
      %parallel_loop3A_440 = arith.addf %mul3A_67, %parallel_loop3A_439 : vector<16xf32>
      %parallel_loop3A_441 = arith.mulf %parallel_loop3A_364, %sub3A_145 : vector<16xf32>
      %parallel_loop3A_442 = arith.addf %parallel_loop3A_440, %parallel_loop3A_441 : vector<16xf32>
      %parallel_loop3A_443 = arith.mulf %parallel_loop3A_368, %sub3A_185 : vector<16xf32>
      %parallel_loop3A_444 = arith.addf %parallel_loop3A_442, %parallel_loop3A_443 : vector<16xf32>
      %parallel_loop3A_445 = arith.mulf %parallel_loop3A_372, %sub3A_225 : vector<16xf32>
      %parallel_loop3A_446 = arith.addf %parallel_loop3A_444, %parallel_loop3A_445 : vector<16xf32>
      %parallel_loop3A_447 = arith.index_cast %parallel_loop3A_348 : i32 to index
      %parallel_loop3A_448 = arith.constant 96 : index
      %parallel_loop3A_449 = tpu.vector_load %arg7[%parallel_loop3A_447, %parallel_loop3A_448] {strides = array<i32>} : memref<128x128xf32, #tpu.memory_space<vmem>>, vector<16xf32>,
      tpu.vector_store %arg7[%parallel_loop3A_447, %parallel_loop3A_448], %parallel_loop3A_446 {strides = array<i32>} : memref<128x128xf32, #tpu.memory_space<vmem>>, vector<16xf32>,
      %parallel_loop3A_450 = arith.mulf %parallel_loop3A_360, %sub3A_110 : vector<16xf32>
      %parallel_loop3A_451 = arith.addf %mul3A_70, %parallel_loop3A_450 : vector<16xf32>
      %parallel_loop3A_452 = arith.mulf %parallel_loop3A_364, %sub3A_150 : vector<16xf32>
      %parallel_loop3A_453 = arith.addf %parallel_loop3A_451, %parallel_loop3A_452 : vector<16xf32>
      %parallel_loop3A_454 = arith.mulf %parallel_loop3A_368, %sub3A_190 : vector<16xf32>
      %parallel_loop3A_455 = arith.addf %parallel_loop3A_453, %parallel_loop3A_454 : vector<16xf32>
      %parallel_loop3A_456 = arith.mulf %parallel_loop3A_372, %sub3A_230 : vector<16xf32>
      %parallel_loop3A_457 = arith.addf %parallel_loop3A_455, %parallel_loop3A_456 : vector<16xf32>
      %parallel_loop3A_458 = arith.index_cast %parallel_loop3A_348 : i32 to index
      %parallel_loop3A_459 = arith.constant 112 : index
      %parallel_loop3A_460 = tpu.vector_load %arg7[%parallel_loop3A_458, %parallel_loop3A_459] {strides = array<i32>} : memref<128x128xf32, #tpu.memory_space<vmem>>, vector<16xf32>,
      tpu.vector_store %arg7[%parallel_loop3A_458, %parallel_loop3A_459], %parallel_loop3A_457 {strides = array<i32>} : memref<128x128xf32, #tpu.memory_space<vmem>>, vector<16xf32>,
    } {sc.loop_unroll_factor = 2 : i64, sc.parallel_access}
    %mul3A_254 = arith.constant 512 : i32
    %mul3A_255 = arith.muli %add3A, %mul3A_254 : i32
    %add3A_256 = arith.constant 0 : i32
    %add3A_257 = arith.addi %mul3A_255, %add3A_256 : i32
    %dma_start3A_258 = arith.constant 0 : i32
    %dma_start3A_259 = tpu.memref_slice %arg4[%add3A_257, %dma_start3A_258] : memref<16384x128xf32, #tpu.memory_space<hbm>> -> memref<128x128xf32, #tpu.memory_space<hbm>>
    %dma_start3A_260 = arith.constant 0 : i32
    %dma_start3A_261 = tpu.memref_slice %arg4[%add3A_257, %dma_start3A_260] : memref<16384x128xf32, #tpu.memory_space<hbm>> -> memref<128x128xf32, #tpu.memory_space<hbm>>
    tpu.enqueue_dma source(%arg7 : memref<128x128xf32, #tpu.memory_space<vmem>>) target(%dma_start3A_261 : memref<128x128xf32, #tpu.memory_space<hbm>>) target_semaphore(%arg14 : memref<!tpu.dma_semaphore, #tpu.memory_space<semaphore_mem>>)
    %mul3A_262 = arith.constant 512 : i32
    %mul3A_263 = arith.muli %add3A, %mul3A_262 : i32
    %add3A_264 = arith.constant 256 : i32
    %add3A_265 = arith.addi %mul3A_263, %add3A_264 : i32
    %dma_start3A_266 = arith.constant 0 : i32
    %dma_start3A_267 = tpu.memref_slice %arg2[%dma_start3A_266, %add3A_265] : memref<200x16384xi32, #tpu.memory_space<hbm>> -> memref<200x128xi32, #tpu.memory_space<hbm>>
    %dma_start3A_268 = arith.constant 0 : i32
    %dma_start3A_269 = tpu.memref_slice %arg2[%dma_start3A_268, %add3A_265] : memref<200x16384xi32, #tpu.memory_space<hbm>> -> memref<200x128xi32, #tpu.memory_space<hbm>>
    tpu.enqueue_dma source(%dma_start3A_269 : memref<200x128xi32, #tpu.memory_space<hbm>>) target(%arg5 : memref<200x128xi32, #tpu.memory_space<vmem>>) target_semaphore(%arg12 : memref<!tpu.dma_semaphore, #tpu.memory_space<semaphore_mem>>)
    %dma_wait3A_270 = arith.constant 0 : i32
    %dma_wait3A_271 = tpu.memref_slice %arg2[%dma_wait3A_270, %add3A_241] : memref<200x16384xi32, #tpu.memory_space<hbm>> -> memref<200x128xi32, #tpu.memory_space<hbm>>
    %dma_wait3A_272 = arith.constant 0 : i32
    %dma_wait3A_273 = tpu.memref_slice %arg2[%dma_wait3A_272, %add3A_241] : memref<200x16384xi32, #tpu.memory_space<hbm>> -> memref<200x128xi32, #tpu.memory_space<hbm>>
    tpu.wait_dma2 semaphore(%arg13 : memref<!tpu.dma_semaphore, #tpu.memory_space<semaphore_mem>>) src(%dma_wait3A_273 : memref<200x128xi32, #tpu.memory_space<hbm>>) dst(%arg6 : memref<200x128xi32, #tpu.memory_space<vmem>>)
    %parallel_loop3A_274 = arith.constant 0 : i32
    %parallel_loop3A_275 = arith.constant 8 : i32
    %parallel_loop3A_276 = arith.constant 1 : i32
    scf.for %parallel_loop3A_348 = %parallel_loop3A_274 to %parallel_loop3A_275 step %parallel_loop3A_276  : i32 {
      %parallel_loop3A_349 = arith.constant 16 : i32
      %parallel_loop3A_350 = arith.muli %parallel_loop3A_348, %parallel_loop3A_349 : i32
      %parallel_loop3A_351 = arith.constant 0 : i32
      %parallel_loop3A_352 = vector.broadcast %parallel_loop3A_351 : i32 to vector<16xi32>
      %parallel_loop3A_353 = arith.constant 0 : i32
      %parallel_loop3A_354 = arith.constant 200 : i32
      %parallel_loop3A_355 = arith.constant 4 : i32
      %parallel_loop3A_356:4 = scf.for %parallel_loop3A_403 = %parallel_loop3A_353 to %parallel_loop3A_354 step %parallel_loop3A_355 iter_args(%parallel_loop3A_404 = %parallel_loop3A_352, %parallel_loop3A_405 = %parallel_loop3A_352, %parallel_loop3A_406 = %parallel_loop3A_352, %parallel_loop3A_407 = %parallel_loop3A_352) -> (vector<16xi32>, vector<16xi32>, vector<16xi32>, vector<16xi32>)  : i32 {
        %parallel_loop3A_408 = arith.index_cast %parallel_loop3A_403 : i32 to index
        %parallel_loop3A_409 = arith.index_cast %parallel_loop3A_350 : i32 to index
        %parallel_loop3A_410 = tpu.vector_load %arg6[%parallel_loop3A_408, %parallel_loop3A_409] {strides = array<i32>} : memref<200x128xi32, #tpu.memory_space<vmem>>, vector<16xi32>,
        %parallel_loop3A_411 = tpu.vector_load_idx %arg11[%parallel_loop3A_410] : memref<16xi32, #tpu.memory_space<vmem>>[vector<16xi32>], vector<16xi32>,
        %parallel_loop3A_412 = arith.addi %parallel_loop3A_404, %parallel_loop3A_411 : vector<16xi32>
        %parallel_loop3A_413 = arith.constant 1 : i32
        %parallel_loop3A_414 = arith.addi %parallel_loop3A_403, %parallel_loop3A_413 : i32
        %parallel_loop3A_415 = arith.index_cast %parallel_loop3A_414 : i32 to index
        %parallel_loop3A_416 = arith.index_cast %parallel_loop3A_350 : i32 to index
        %parallel_loop3A_417 = tpu.vector_load %arg6[%parallel_loop3A_415, %parallel_loop3A_416] {strides = array<i32>} : memref<200x128xi32, #tpu.memory_space<vmem>>, vector<16xi32>,
        %parallel_loop3A_418 = tpu.vector_load_idx %arg11[%parallel_loop3A_417] : memref<16xi32, #tpu.memory_space<vmem>>[vector<16xi32>], vector<16xi32>,
        %parallel_loop3A_419 = arith.addi %parallel_loop3A_405, %parallel_loop3A_418 : vector<16xi32>
        %parallel_loop3A_420 = arith.constant 2 : i32
        %parallel_loop3A_421 = arith.addi %parallel_loop3A_403, %parallel_loop3A_420 : i32
        %parallel_loop3A_422 = arith.index_cast %parallel_loop3A_421 : i32 to index
        %parallel_loop3A_423 = arith.index_cast %parallel_loop3A_350 : i32 to index
        %parallel_loop3A_424 = tpu.vector_load %arg6[%parallel_loop3A_422, %parallel_loop3A_423] {strides = array<i32>} : memref<200x128xi32, #tpu.memory_space<vmem>>, vector<16xi32>,
        %parallel_loop3A_425 = tpu.vector_load_idx %arg11[%parallel_loop3A_424] : memref<16xi32, #tpu.memory_space<vmem>>[vector<16xi32>], vector<16xi32>,
        %parallel_loop3A_426 = arith.addi %parallel_loop3A_406, %parallel_loop3A_425 : vector<16xi32>
        %parallel_loop3A_427 = arith.constant 3 : i32
        %parallel_loop3A_428 = arith.addi %parallel_loop3A_403, %parallel_loop3A_427 : i32
        %parallel_loop3A_429 = arith.index_cast %parallel_loop3A_428 : i32 to index
        %parallel_loop3A_430 = arith.index_cast %parallel_loop3A_350 : i32 to index
        %parallel_loop3A_431 = tpu.vector_load %arg6[%parallel_loop3A_429, %parallel_loop3A_430] {strides = array<i32>} : memref<200x128xi32, #tpu.memory_space<vmem>>, vector<16xi32>,
        %parallel_loop3A_432 = tpu.vector_load_idx %arg11[%parallel_loop3A_431] : memref<16xi32, #tpu.memory_space<vmem>>[vector<16xi32>], vector<16xi32>,
        %parallel_loop3A_433 = arith.addi %parallel_loop3A_407, %parallel_loop3A_432 : vector<16xi32>
        scf.yield %parallel_loop3A_412, %parallel_loop3A_419, %parallel_loop3A_426, %parallel_loop3A_433 : vector<16xi32>, vector<16xi32>, vector<16xi32>, vector<16xi32>
      } {sc.loop_unroll_factor = 1 : i64, sc.parallel_access}
      %parallel_loop3A_357 = arith.addi %parallel_loop3A_356#0, %parallel_loop3A_356#1 : vector<16xi32>
      %parallel_loop3A_358 = arith.addi %parallel_loop3A_356#2, %parallel_loop3A_356#3 : vector<16xi32>
      %parallel_loop3A_359 = arith.addi %parallel_loop3A_357, %parallel_loop3A_358 : vector<16xi32>
      %parallel_loop3A_360 = arith.constant 64 : i32
      %parallel_loop3A_361 = arith.muli %parallel_loop3A_348, %parallel_loop3A_360 : i32
      %parallel_loop3A_362 = arith.constant 255 : i32
      %parallel_loop3A_363 = vector.broadcast %parallel_loop3A_362 : i32 to vector<16xi32>
      %parallel_loop3A_364 = arith.andi %parallel_loop3A_359, %parallel_loop3A_363 : vector<16xi32>
      %parallel_loop3A_365 = arith.sitofp %parallel_loop3A_364 : vector<16xi32> to vector<16xf32>
      %parallel_loop3A_366 = arith.constant 0 : i32
      %parallel_loop3A_367 = arith.addi %parallel_loop3A_361, %parallel_loop3A_366 : i32
      %parallel_loop3A_368 = arith.index_cast %parallel_loop3A_367 : i32 to index
      %parallel_loop3A_369 = tpu.vector_load %arg10[%parallel_loop3A_368] {strides = array<i32>} : memref<512xf32, #tpu.memory_space<vmem>>, vector<16xf32>,
      tpu.vector_store %arg10[%parallel_loop3A_368], %parallel_loop3A_365 {strides = array<i32>} : memref<512xf32, #tpu.memory_space<vmem>>, vector<16xf32>,
      %parallel_loop3A_370 = arith.constant 8 : i32
      %parallel_loop3A_371 = vector.broadcast %parallel_loop3A_370 : i32 to vector<16xi32>
      %parallel_loop3A_372 = arith.shrsi %parallel_loop3A_359, %parallel_loop3A_371 : vector<16xi32>
      %parallel_loop3A_373 = arith.constant 255 : i32
      %parallel_loop3A_374 = vector.broadcast %parallel_loop3A_373 : i32 to vector<16xi32>
      %parallel_loop3A_375 = arith.andi %parallel_loop3A_372, %parallel_loop3A_374 : vector<16xi32>
      %parallel_loop3A_376 = arith.sitofp %parallel_loop3A_375 : vector<16xi32> to vector<16xf32>
      %parallel_loop3A_377 = arith.constant 16 : i32
      %parallel_loop3A_378 = arith.addi %parallel_loop3A_361, %parallel_loop3A_377 : i32
      %parallel_loop3A_379 = arith.index_cast %parallel_loop3A_378 : i32 to index
      %parallel_loop3A_380 = tpu.vector_load %arg10[%parallel_loop3A_379] {strides = array<i32>} : memref<512xf32, #tpu.memory_space<vmem>>, vector<16xf32>,
      tpu.vector_store %arg10[%parallel_loop3A_379], %parallel_loop3A_376 {strides = array<i32>} : memref<512xf32, #tpu.memory_space<vmem>>, vector<16xf32>,
      %parallel_loop3A_381 = arith.constant 16 : i32
      %parallel_loop3A_382 = vector.broadcast %parallel_loop3A_381 : i32 to vector<16xi32>
      %parallel_loop3A_383 = arith.shrsi %parallel_loop3A_359, %parallel_loop3A_382 : vector<16xi32>
      %parallel_loop3A_384 = arith.constant 255 : i32
      %parallel_loop3A_385 = vector.broadcast %parallel_loop3A_384 : i32 to vector<16xi32>
      %parallel_loop3A_386 = arith.andi %parallel_loop3A_383, %parallel_loop3A_385 : vector<16xi32>
      %parallel_loop3A_387 = arith.sitofp %parallel_loop3A_386 : vector<16xi32> to vector<16xf32>
      %parallel_loop3A_388 = arith.constant 32 : i32
      %parallel_loop3A_389 = arith.addi %parallel_loop3A_361, %parallel_loop3A_388 : i32
      %parallel_loop3A_390 = arith.index_cast %parallel_loop3A_389 : i32 to index
      %parallel_loop3A_391 = tpu.vector_load %arg10[%parallel_loop3A_390] {strides = array<i32>} : memref<512xf32, #tpu.memory_space<vmem>>, vector<16xf32>,
      tpu.vector_store %arg10[%parallel_loop3A_390], %parallel_loop3A_387 {strides = array<i32>} : memref<512xf32, #tpu.memory_space<vmem>>, vector<16xf32>,
      %parallel_loop3A_392 = arith.constant 24 : i32
      %parallel_loop3A_393 = vector.broadcast %parallel_loop3A_392 : i32 to vector<16xi32>
      %parallel_loop3A_394 = arith.shrsi %parallel_loop3A_359, %parallel_loop3A_393 : vector<16xi32>
      %parallel_loop3A_395 = arith.constant 255 : i32
      %parallel_loop3A_396 = vector.broadcast %parallel_loop3A_395 : i32 to vector<16xi32>
      %parallel_loop3A_397 = arith.andi %parallel_loop3A_394, %parallel_loop3A_396 : vector<16xi32>
      %parallel_loop3A_398 = arith.sitofp %parallel_loop3A_397 : vector<16xi32> to vector<16xf32>
      %parallel_loop3A_399 = arith.constant 48 : i32
      %parallel_loop3A_400 = arith.addi %parallel_loop3A_361, %parallel_loop3A_399 : i32
      %parallel_loop3A_401 = arith.index_cast %parallel_loop3A_400 : i32 to index
      %parallel_loop3A_402 = tpu.vector_load %arg10[%parallel_loop3A_401] {strides = array<i32>} : memref<512xf32, #tpu.memory_space<vmem>>, vector<16xf32>,
      tpu.vector_store %arg10[%parallel_loop3A_401], %parallel_loop3A_398 {strides = array<i32>} : memref<512xf32, #tpu.memory_space<vmem>>, vector<16xf32>,
    } {sc.loop_unroll_factor = 1 : i64, sc.parallel_access}
    %parallel_loop3A_277 = arith.constant 0 : i32
    %parallel_loop3A_278 = arith.constant 128 : i32
    %parallel_loop3A_279 = arith.constant 1 : i32
    scf.for %parallel_loop3A_348 = %parallel_loop3A_277 to %parallel_loop3A_278 step %parallel_loop3A_279  : i32 {
      %parallel_loop3A_349 = arith.constant 4 : i32
      %parallel_loop3A_350 = arith.shrsi %parallel_loop3A_348, %parallel_loop3A_349 : i32
      %parallel_loop3A_351 = arith.constant 64 : i32
      %parallel_loop3A_352 = arith.muli %parallel_loop3A_350, %parallel_loop3A_351 : i32
      %parallel_loop3A_353 = arith.constant 15 : i32
      %parallel_loop3A_354 = arith.andi %parallel_loop3A_348, %parallel_loop3A_353 : i32
      %parallel_loop3A_355 = arith.addi %parallel_loop3A_352, %parallel_loop3A_354 : i32
      %parallel_loop3A_356 = vector.broadcast %parallel_loop3A_355 : i32 to vector<16xi32>
      %parallel_loop3A_357 = arith.constant 0 : i32
      %parallel_loop3A_358 = vector.broadcast %parallel_loop3A_357 : i32 to vector<16xi32>
      %parallel_loop3A_359 = arith.addi %parallel_loop3A_356, %parallel_loop3A_358 : vector<16xi32>
      %parallel_loop3A_360 = tpu.vector_load_idx %arg10[%parallel_loop3A_359] : memref<512xf32, #tpu.memory_space<vmem>>[vector<16xi32>], vector<16xf32>,
      %parallel_loop3A_361 = arith.constant 16 : i32
      %parallel_loop3A_362 = vector.broadcast %parallel_loop3A_361 : i32 to vector<16xi32>
      %parallel_loop3A_363 = arith.addi %parallel_loop3A_356, %parallel_loop3A_362 : vector<16xi32>
      %parallel_loop3A_364 = tpu.vector_load_idx %arg10[%parallel_loop3A_363] : memref<512xf32, #tpu.memory_space<vmem>>[vector<16xi32>], vector<16xf32>,
      %parallel_loop3A_365 = arith.constant 32 : i32
      %parallel_loop3A_366 = vector.broadcast %parallel_loop3A_365 : i32 to vector<16xi32>
      %parallel_loop3A_367 = arith.addi %parallel_loop3A_356, %parallel_loop3A_366 : vector<16xi32>
      %parallel_loop3A_368 = tpu.vector_load_idx %arg10[%parallel_loop3A_367] : memref<512xf32, #tpu.memory_space<vmem>>[vector<16xi32>], vector<16xf32>,
      %parallel_loop3A_369 = arith.constant 48 : i32
      %parallel_loop3A_370 = vector.broadcast %parallel_loop3A_369 : i32 to vector<16xi32>
      %parallel_loop3A_371 = arith.addi %parallel_loop3A_356, %parallel_loop3A_370 : vector<16xi32>
      %parallel_loop3A_372 = tpu.vector_load_idx %arg10[%parallel_loop3A_371] : memref<512xf32, #tpu.memory_space<vmem>>[vector<16xi32>], vector<16xf32>,
      %parallel_loop3A_373 = arith.mulf %parallel_loop3A_360, %sub3A_75 : vector<16xf32>
      %parallel_loop3A_374 = arith.addf %mul3A_49, %parallel_loop3A_373 : vector<16xf32>
      %parallel_loop3A_375 = arith.mulf %parallel_loop3A_364, %sub3A_115 : vector<16xf32>
      %parallel_loop3A_376 = arith.addf %parallel_loop3A_374, %parallel_loop3A_375 : vector<16xf32>
      %parallel_loop3A_377 = arith.mulf %parallel_loop3A_368, %sub3A_155 : vector<16xf32>
      %parallel_loop3A_378 = arith.addf %parallel_loop3A_376, %parallel_loop3A_377 : vector<16xf32>
      %parallel_loop3A_379 = arith.mulf %parallel_loop3A_372, %sub3A_195 : vector<16xf32>
      %parallel_loop3A_380 = arith.addf %parallel_loop3A_378, %parallel_loop3A_379 : vector<16xf32>
      %parallel_loop3A_381 = arith.index_cast %parallel_loop3A_348 : i32 to index
      %parallel_loop3A_382 = arith.constant 0 : index
      %parallel_loop3A_383 = tpu.vector_load %arg8[%parallel_loop3A_381, %parallel_loop3A_382] {strides = array<i32>} : memref<128x128xf32, #tpu.memory_space<vmem>>, vector<16xf32>,
      tpu.vector_store %arg8[%parallel_loop3A_381, %parallel_loop3A_382], %parallel_loop3A_380 {strides = array<i32>} : memref<128x128xf32, #tpu.memory_space<vmem>>, vector<16xf32>,
      %parallel_loop3A_384 = arith.mulf %parallel_loop3A_360, %sub3A_80 : vector<16xf32>
      %parallel_loop3A_385 = arith.addf %mul3A_52, %parallel_loop3A_384 : vector<16xf32>
      %parallel_loop3A_386 = arith.mulf %parallel_loop3A_364, %sub3A_120 : vector<16xf32>
      %parallel_loop3A_387 = arith.addf %parallel_loop3A_385, %parallel_loop3A_386 : vector<16xf32>
      %parallel_loop3A_388 = arith.mulf %parallel_loop3A_368, %sub3A_160 : vector<16xf32>
      %parallel_loop3A_389 = arith.addf %parallel_loop3A_387, %parallel_loop3A_388 : vector<16xf32>
      %parallel_loop3A_390 = arith.mulf %parallel_loop3A_372, %sub3A_200 : vector<16xf32>
      %parallel_loop3A_391 = arith.addf %parallel_loop3A_389, %parallel_loop3A_390 : vector<16xf32>
      %parallel_loop3A_392 = arith.index_cast %parallel_loop3A_348 : i32 to index
      %parallel_loop3A_393 = arith.constant 16 : index
      %parallel_loop3A_394 = tpu.vector_load %arg8[%parallel_loop3A_392, %parallel_loop3A_393] {strides = array<i32>} : memref<128x128xf32, #tpu.memory_space<vmem>>, vector<16xf32>,
      tpu.vector_store %arg8[%parallel_loop3A_392, %parallel_loop3A_393], %parallel_loop3A_391 {strides = array<i32>} : memref<128x128xf32, #tpu.memory_space<vmem>>, vector<16xf32>,
      %parallel_loop3A_395 = arith.mulf %parallel_loop3A_360, %sub3A_85 : vector<16xf32>
      %parallel_loop3A_396 = arith.addf %mul3A_55, %parallel_loop3A_395 : vector<16xf32>
      %parallel_loop3A_397 = arith.mulf %parallel_loop3A_364, %sub3A_125 : vector<16xf32>
      %parallel_loop3A_398 = arith.addf %parallel_loop3A_396, %parallel_loop3A_397 : vector<16xf32>
      %parallel_loop3A_399 = arith.mulf %parallel_loop3A_368, %sub3A_165 : vector<16xf32>
      %parallel_loop3A_400 = arith.addf %parallel_loop3A_398, %parallel_loop3A_399 : vector<16xf32>
      %parallel_loop3A_401 = arith.mulf %parallel_loop3A_372, %sub3A_205 : vector<16xf32>
      %parallel_loop3A_402 = arith.addf %parallel_loop3A_400, %parallel_loop3A_401 : vector<16xf32>
      %parallel_loop3A_403 = arith.index_cast %parallel_loop3A_348 : i32 to index
      %parallel_loop3A_404 = arith.constant 32 : index
      %parallel_loop3A_405 = tpu.vector_load %arg8[%parallel_loop3A_403, %parallel_loop3A_404] {strides = array<i32>} : memref<128x128xf32, #tpu.memory_space<vmem>>, vector<16xf32>,
      tpu.vector_store %arg8[%parallel_loop3A_403, %parallel_loop3A_404], %parallel_loop3A_402 {strides = array<i32>} : memref<128x128xf32, #tpu.memory_space<vmem>>, vector<16xf32>,
      %parallel_loop3A_406 = arith.mulf %parallel_loop3A_360, %sub3A_90 : vector<16xf32>
      %parallel_loop3A_407 = arith.addf %mul3A_58, %parallel_loop3A_406 : vector<16xf32>
      %parallel_loop3A_408 = arith.mulf %parallel_loop3A_364, %sub3A_130 : vector<16xf32>
      %parallel_loop3A_409 = arith.addf %parallel_loop3A_407, %parallel_loop3A_408 : vector<16xf32>
      %parallel_loop3A_410 = arith.mulf %parallel_loop3A_368, %sub3A_170 : vector<16xf32>
      %parallel_loop3A_411 = arith.addf %parallel_loop3A_409, %parallel_loop3A_410 : vector<16xf32>
      %parallel_loop3A_412 = arith.mulf %parallel_loop3A_372, %sub3A_210 : vector<16xf32>
      %parallel_loop3A_413 = arith.addf %parallel_loop3A_411, %parallel_loop3A_412 : vector<16xf32>
      %parallel_loop3A_414 = arith.index_cast %parallel_loop3A_348 : i32 to index
      %parallel_loop3A_415 = arith.constant 48 : index
      %parallel_loop3A_416 = tpu.vector_load %arg8[%parallel_loop3A_414, %parallel_loop3A_415] {strides = array<i32>} : memref<128x128xf32, #tpu.memory_space<vmem>>, vector<16xf32>,
      tpu.vector_store %arg8[%parallel_loop3A_414, %parallel_loop3A_415], %parallel_loop3A_413 {strides = array<i32>} : memref<128x128xf32, #tpu.memory_space<vmem>>, vector<16xf32>,
      %parallel_loop3A_417 = arith.mulf %parallel_loop3A_360, %sub3A_95 : vector<16xf32>
      %parallel_loop3A_418 = arith.addf %mul3A_61, %parallel_loop3A_417 : vector<16xf32>
      %parallel_loop3A_419 = arith.mulf %parallel_loop3A_364, %sub3A_135 : vector<16xf32>
      %parallel_loop3A_420 = arith.addf %parallel_loop3A_418, %parallel_loop3A_419 : vector<16xf32>
      %parallel_loop3A_421 = arith.mulf %parallel_loop3A_368, %sub3A_175 : vector<16xf32>
      %parallel_loop3A_422 = arith.addf %parallel_loop3A_420, %parallel_loop3A_421 : vector<16xf32>
      %parallel_loop3A_423 = arith.mulf %parallel_loop3A_372, %sub3A_215 : vector<16xf32>
      %parallel_loop3A_424 = arith.addf %parallel_loop3A_422, %parallel_loop3A_423 : vector<16xf32>
      %parallel_loop3A_425 = arith.index_cast %parallel_loop3A_348 : i32 to index
      %parallel_loop3A_426 = arith.constant 64 : index
      %parallel_loop3A_427 = tpu.vector_load %arg8[%parallel_loop3A_425, %parallel_loop3A_426] {strides = array<i32>} : memref<128x128xf32, #tpu.memory_space<vmem>>, vector<16xf32>,
      tpu.vector_store %arg8[%parallel_loop3A_425, %parallel_loop3A_426], %parallel_loop3A_424 {strides = array<i32>} : memref<128x128xf32, #tpu.memory_space<vmem>>, vector<16xf32>,
      %parallel_loop3A_428 = arith.mulf %parallel_loop3A_360, %sub3A_100 : vector<16xf32>
      %parallel_loop3A_429 = arith.addf %mul3A_64, %parallel_loop3A_428 : vector<16xf32>
      %parallel_loop3A_430 = arith.mulf %parallel_loop3A_364, %sub3A_140 : vector<16xf32>
      %parallel_loop3A_431 = arith.addf %parallel_loop3A_429, %parallel_loop3A_430 : vector<16xf32>
      %parallel_loop3A_432 = arith.mulf %parallel_loop3A_368, %sub3A_180 : vector<16xf32>
      %parallel_loop3A_433 = arith.addf %parallel_loop3A_431, %parallel_loop3A_432 : vector<16xf32>
      %parallel_loop3A_434 = arith.mulf %parallel_loop3A_372, %sub3A_220 : vector<16xf32>
      %parallel_loop3A_435 = arith.addf %parallel_loop3A_433, %parallel_loop3A_434 : vector<16xf32>
      %parallel_loop3A_436 = arith.index_cast %parallel_loop3A_348 : i32 to index
      %parallel_loop3A_437 = arith.constant 80 : index
      %parallel_loop3A_438 = tpu.vector_load %arg8[%parallel_loop3A_436, %parallel_loop3A_437] {strides = array<i32>} : memref<128x128xf32, #tpu.memory_space<vmem>>, vector<16xf32>,
      tpu.vector_store %arg8[%parallel_loop3A_436, %parallel_loop3A_437], %parallel_loop3A_435 {strides = array<i32>} : memref<128x128xf32, #tpu.memory_space<vmem>>, vector<16xf32>,
      %parallel_loop3A_439 = arith.mulf %parallel_loop3A_360, %sub3A_105 : vector<16xf32>
      %parallel_loop3A_440 = arith.addf %mul3A_67, %parallel_loop3A_439 : vector<16xf32>
      %parallel_loop3A_441 = arith.mulf %parallel_loop3A_364, %sub3A_145 : vector<16xf32>
      %parallel_loop3A_442 = arith.addf %parallel_loop3A_440, %parallel_loop3A_441 : vector<16xf32>
      %parallel_loop3A_443 = arith.mulf %parallel_loop3A_368, %sub3A_185 : vector<16xf32>
      %parallel_loop3A_444 = arith.addf %parallel_loop3A_442, %parallel_loop3A_443 : vector<16xf32>
      %parallel_loop3A_445 = arith.mulf %parallel_loop3A_372, %sub3A_225 : vector<16xf32>
      %parallel_loop3A_446 = arith.addf %parallel_loop3A_444, %parallel_loop3A_445 : vector<16xf32>
      %parallel_loop3A_447 = arith.index_cast %parallel_loop3A_348 : i32 to index
      %parallel_loop3A_448 = arith.constant 96 : index
      %parallel_loop3A_449 = tpu.vector_load %arg8[%parallel_loop3A_447, %parallel_loop3A_448] {strides = array<i32>} : memref<128x128xf32, #tpu.memory_space<vmem>>, vector<16xf32>,
      tpu.vector_store %arg8[%parallel_loop3A_447, %parallel_loop3A_448], %parallel_loop3A_446 {strides = array<i32>} : memref<128x128xf32, #tpu.memory_space<vmem>>, vector<16xf32>,
      %parallel_loop3A_450 = arith.mulf %parallel_loop3A_360, %sub3A_110 : vector<16xf32>
      %parallel_loop3A_451 = arith.addf %mul3A_70, %parallel_loop3A_450 : vector<16xf32>
      %parallel_loop3A_452 = arith.mulf %parallel_loop3A_364, %sub3A_150 : vector<16xf32>
      %parallel_loop3A_453 = arith.addf %parallel_loop3A_451, %parallel_loop3A_452 : vector<16xf32>
      %parallel_loop3A_454 = arith.mulf %parallel_loop3A_368, %sub3A_190 : vector<16xf32>
      %parallel_loop3A_455 = arith.addf %parallel_loop3A_453, %parallel_loop3A_454 : vector<16xf32>
      %parallel_loop3A_456 = arith.mulf %parallel_loop3A_372, %sub3A_230 : vector<16xf32>
      %parallel_loop3A_457 = arith.addf %parallel_loop3A_455, %parallel_loop3A_456 : vector<16xf32>
      %parallel_loop3A_458 = arith.index_cast %parallel_loop3A_348 : i32 to index
      %parallel_loop3A_459 = arith.constant 112 : index
      %parallel_loop3A_460 = tpu.vector_load %arg8[%parallel_loop3A_458, %parallel_loop3A_459] {strides = array<i32>} : memref<128x128xf32, #tpu.memory_space<vmem>>, vector<16xf32>,
      tpu.vector_store %arg8[%parallel_loop3A_458, %parallel_loop3A_459], %parallel_loop3A_457 {strides = array<i32>} : memref<128x128xf32, #tpu.memory_space<vmem>>, vector<16xf32>,
    } {sc.loop_unroll_factor = 2 : i64, sc.parallel_access}
    %mul3A_280 = arith.constant 512 : i32
    %mul3A_281 = arith.muli %add3A, %mul3A_280 : i32
    %add3A_282 = arith.constant 128 : i32
    %add3A_283 = arith.addi %mul3A_281, %add3A_282 : i32
    %dma_start3A_284 = arith.constant 0 : i32
    %dma_start3A_285 = tpu.memref_slice %arg4[%add3A_283, %dma_start3A_284] : memref<16384x128xf32, #tpu.memory_space<hbm>> -> memref<128x128xf32, #tpu.memory_space<hbm>>
    %dma_start3A_286 = arith.constant 0 : i32
    %dma_start3A_287 = tpu.memref_slice %arg4[%add3A_283, %dma_start3A_286] : memref<16384x128xf32, #tpu.memory_space<hbm>> -> memref<128x128xf32, #tpu.memory_space<hbm>>
    tpu.enqueue_dma source(%arg8 : memref<128x128xf32, #tpu.memory_space<vmem>>) target(%dma_start3A_287 : memref<128x128xf32, #tpu.memory_space<hbm>>) target_semaphore(%arg15 : memref<!tpu.dma_semaphore, #tpu.memory_space<semaphore_mem>>)
    %mul3A_288 = arith.constant 512 : i32
    %mul3A_289 = arith.muli %add3A, %mul3A_288 : i32
    %add3A_290 = arith.constant 384 : i32
    %add3A_291 = arith.addi %mul3A_289, %add3A_290 : i32
    %dma_start3A_292 = arith.constant 0 : i32
    %dma_start3A_293 = tpu.memref_slice %arg2[%dma_start3A_292, %add3A_291] : memref<200x16384xi32, #tpu.memory_space<hbm>> -> memref<200x128xi32, #tpu.memory_space<hbm>>
    %dma_start3A_294 = arith.constant 0 : i32
    %dma_start3A_295 = tpu.memref_slice %arg2[%dma_start3A_294, %add3A_291] : memref<200x16384xi32, #tpu.memory_space<hbm>> -> memref<200x128xi32, #tpu.memory_space<hbm>>
    tpu.enqueue_dma source(%dma_start3A_295 : memref<200x128xi32, #tpu.memory_space<hbm>>) target(%arg6 : memref<200x128xi32, #tpu.memory_space<vmem>>) target_semaphore(%arg13 : memref<!tpu.dma_semaphore, #tpu.memory_space<semaphore_mem>>)
    %dma_wait3A_296 = arith.constant 0 : i32
    %dma_wait3A_297 = tpu.memref_slice %arg2[%dma_wait3A_296, %add3A_265] : memref<200x16384xi32, #tpu.memory_space<hbm>> -> memref<200x128xi32, #tpu.memory_space<hbm>>
    %dma_wait3A_298 = arith.constant 0 : i32
    %dma_wait3A_299 = tpu.memref_slice %arg2[%dma_wait3A_298, %add3A_265] : memref<200x16384xi32, #tpu.memory_space<hbm>> -> memref<200x128xi32, #tpu.memory_space<hbm>>
    tpu.wait_dma2 semaphore(%arg12 : memref<!tpu.dma_semaphore, #tpu.memory_space<semaphore_mem>>) src(%dma_wait3A_299 : memref<200x128xi32, #tpu.memory_space<hbm>>) dst(%arg5 : memref<200x128xi32, #tpu.memory_space<vmem>>)
    %dma_wait3A_300 = arith.constant 0 : i32
    %dma_wait3A_301 = tpu.memref_slice %arg4[%add3A_257, %dma_wait3A_300] : memref<16384x128xf32, #tpu.memory_space<hbm>> -> memref<128x128xf32, #tpu.memory_space<hbm>>
    %dma_wait3A_302 = arith.constant 0 : i32
    %dma_wait3A_303 = tpu.memref_slice %arg4[%add3A_257, %dma_wait3A_302] : memref<16384x128xf32, #tpu.memory_space<hbm>> -> memref<128x128xf32, #tpu.memory_space<hbm>>
    tpu.wait_dma2 semaphore(%arg14 : memref<!tpu.dma_semaphore, #tpu.memory_space<semaphore_mem>>) src(%arg7 : memref<128x128xf32, #tpu.memory_space<vmem>>) dst(%dma_wait3A_303 : memref<128x128xf32, #tpu.memory_space<hbm>>)
    %parallel_loop3A_304 = arith.constant 0 : i32
    %parallel_loop3A_305 = arith.constant 8 : i32
    %parallel_loop3A_306 = arith.constant 1 : i32
    scf.for %parallel_loop3A_348 = %parallel_loop3A_304 to %parallel_loop3A_305 step %parallel_loop3A_306  : i32 {
      %parallel_loop3A_349 = arith.constant 16 : i32
      %parallel_loop3A_350 = arith.muli %parallel_loop3A_348, %parallel_loop3A_349 : i32
      %parallel_loop3A_351 = arith.constant 0 : i32
      %parallel_loop3A_352 = vector.broadcast %parallel_loop3A_351 : i32 to vector<16xi32>
      %parallel_loop3A_353 = arith.constant 0 : i32
      %parallel_loop3A_354 = arith.constant 200 : i32
      %parallel_loop3A_355 = arith.constant 4 : i32
      %parallel_loop3A_356:4 = scf.for %parallel_loop3A_403 = %parallel_loop3A_353 to %parallel_loop3A_354 step %parallel_loop3A_355 iter_args(%parallel_loop3A_404 = %parallel_loop3A_352, %parallel_loop3A_405 = %parallel_loop3A_352, %parallel_loop3A_406 = %parallel_loop3A_352, %parallel_loop3A_407 = %parallel_loop3A_352) -> (vector<16xi32>, vector<16xi32>, vector<16xi32>, vector<16xi32>)  : i32 {
        %parallel_loop3A_408 = arith.index_cast %parallel_loop3A_403 : i32 to index
        %parallel_loop3A_409 = arith.index_cast %parallel_loop3A_350 : i32 to index
        %parallel_loop3A_410 = tpu.vector_load %arg5[%parallel_loop3A_408, %parallel_loop3A_409] {strides = array<i32>} : memref<200x128xi32, #tpu.memory_space<vmem>>, vector<16xi32>,
        %parallel_loop3A_411 = tpu.vector_load_idx %arg11[%parallel_loop3A_410] : memref<16xi32, #tpu.memory_space<vmem>>[vector<16xi32>], vector<16xi32>,
        %parallel_loop3A_412 = arith.addi %parallel_loop3A_404, %parallel_loop3A_411 : vector<16xi32>
        %parallel_loop3A_413 = arith.constant 1 : i32
        %parallel_loop3A_414 = arith.addi %parallel_loop3A_403, %parallel_loop3A_413 : i32
        %parallel_loop3A_415 = arith.index_cast %parallel_loop3A_414 : i32 to index
        %parallel_loop3A_416 = arith.index_cast %parallel_loop3A_350 : i32 to index
        %parallel_loop3A_417 = tpu.vector_load %arg5[%parallel_loop3A_415, %parallel_loop3A_416] {strides = array<i32>} : memref<200x128xi32, #tpu.memory_space<vmem>>, vector<16xi32>,
        %parallel_loop3A_418 = tpu.vector_load_idx %arg11[%parallel_loop3A_417] : memref<16xi32, #tpu.memory_space<vmem>>[vector<16xi32>], vector<16xi32>,
        %parallel_loop3A_419 = arith.addi %parallel_loop3A_405, %parallel_loop3A_418 : vector<16xi32>
        %parallel_loop3A_420 = arith.constant 2 : i32
        %parallel_loop3A_421 = arith.addi %parallel_loop3A_403, %parallel_loop3A_420 : i32
        %parallel_loop3A_422 = arith.index_cast %parallel_loop3A_421 : i32 to index
        %parallel_loop3A_423 = arith.index_cast %parallel_loop3A_350 : i32 to index
        %parallel_loop3A_424 = tpu.vector_load %arg5[%parallel_loop3A_422, %parallel_loop3A_423] {strides = array<i32>} : memref<200x128xi32, #tpu.memory_space<vmem>>, vector<16xi32>,
        %parallel_loop3A_425 = tpu.vector_load_idx %arg11[%parallel_loop3A_424] : memref<16xi32, #tpu.memory_space<vmem>>[vector<16xi32>], vector<16xi32>,
        %parallel_loop3A_426 = arith.addi %parallel_loop3A_406, %parallel_loop3A_425 : vector<16xi32>
        %parallel_loop3A_427 = arith.constant 3 : i32
        %parallel_loop3A_428 = arith.addi %parallel_loop3A_403, %parallel_loop3A_427 : i32
        %parallel_loop3A_429 = arith.index_cast %parallel_loop3A_428 : i32 to index
        %parallel_loop3A_430 = arith.index_cast %parallel_loop3A_350 : i32 to index
        %parallel_loop3A_431 = tpu.vector_load %arg5[%parallel_loop3A_429, %parallel_loop3A_430] {strides = array<i32>} : memref<200x128xi32, #tpu.memory_space<vmem>>, vector<16xi32>,
        %parallel_loop3A_432 = tpu.vector_load_idx %arg11[%parallel_loop3A_431] : memref<16xi32, #tpu.memory_space<vmem>>[vector<16xi32>], vector<16xi32>,
        %parallel_loop3A_433 = arith.addi %parallel_loop3A_407, %parallel_loop3A_432 : vector<16xi32>
        scf.yield %parallel_loop3A_412, %parallel_loop3A_419, %parallel_loop3A_426, %parallel_loop3A_433 : vector<16xi32>, vector<16xi32>, vector<16xi32>, vector<16xi32>
      } {sc.loop_unroll_factor = 1 : i64, sc.parallel_access}
      %parallel_loop3A_357 = arith.addi %parallel_loop3A_356#0, %parallel_loop3A_356#1 : vector<16xi32>
      %parallel_loop3A_358 = arith.addi %parallel_loop3A_356#2, %parallel_loop3A_356#3 : vector<16xi32>
      %parallel_loop3A_359 = arith.addi %parallel_loop3A_357, %parallel_loop3A_358 : vector<16xi32>
      %parallel_loop3A_360 = arith.constant 64 : i32
      %parallel_loop3A_361 = arith.muli %parallel_loop3A_348, %parallel_loop3A_360 : i32
      %parallel_loop3A_362 = arith.constant 255 : i32
      %parallel_loop3A_363 = vector.broadcast %parallel_loop3A_362 : i32 to vector<16xi32>
      %parallel_loop3A_364 = arith.andi %parallel_loop3A_359, %parallel_loop3A_363 : vector<16xi32>
      %parallel_loop3A_365 = arith.sitofp %parallel_loop3A_364 : vector<16xi32> to vector<16xf32>
      %parallel_loop3A_366 = arith.constant 0 : i32
      %parallel_loop3A_367 = arith.addi %parallel_loop3A_361, %parallel_loop3A_366 : i32
      %parallel_loop3A_368 = arith.index_cast %parallel_loop3A_367 : i32 to index
      %parallel_loop3A_369 = tpu.vector_load %arg10[%parallel_loop3A_368] {strides = array<i32>} : memref<512xf32, #tpu.memory_space<vmem>>, vector<16xf32>,
      tpu.vector_store %arg10[%parallel_loop3A_368], %parallel_loop3A_365 {strides = array<i32>} : memref<512xf32, #tpu.memory_space<vmem>>, vector<16xf32>,
      %parallel_loop3A_370 = arith.constant 8 : i32
      %parallel_loop3A_371 = vector.broadcast %parallel_loop3A_370 : i32 to vector<16xi32>
      %parallel_loop3A_372 = arith.shrsi %parallel_loop3A_359, %parallel_loop3A_371 : vector<16xi32>
      %parallel_loop3A_373 = arith.constant 255 : i32
      %parallel_loop3A_374 = vector.broadcast %parallel_loop3A_373 : i32 to vector<16xi32>
      %parallel_loop3A_375 = arith.andi %parallel_loop3A_372, %parallel_loop3A_374 : vector<16xi32>
      %parallel_loop3A_376 = arith.sitofp %parallel_loop3A_375 : vector<16xi32> to vector<16xf32>
      %parallel_loop3A_377 = arith.constant 16 : i32
      %parallel_loop3A_378 = arith.addi %parallel_loop3A_361, %parallel_loop3A_377 : i32
      %parallel_loop3A_379 = arith.index_cast %parallel_loop3A_378 : i32 to index
      %parallel_loop3A_380 = tpu.vector_load %arg10[%parallel_loop3A_379] {strides = array<i32>} : memref<512xf32, #tpu.memory_space<vmem>>, vector<16xf32>,
      tpu.vector_store %arg10[%parallel_loop3A_379], %parallel_loop3A_376 {strides = array<i32>} : memref<512xf32, #tpu.memory_space<vmem>>, vector<16xf32>,
      %parallel_loop3A_381 = arith.constant 16 : i32
      %parallel_loop3A_382 = vector.broadcast %parallel_loop3A_381 : i32 to vector<16xi32>
      %parallel_loop3A_383 = arith.shrsi %parallel_loop3A_359, %parallel_loop3A_382 : vector<16xi32>
      %parallel_loop3A_384 = arith.constant 255 : i32
      %parallel_loop3A_385 = vector.broadcast %parallel_loop3A_384 : i32 to vector<16xi32>
      %parallel_loop3A_386 = arith.andi %parallel_loop3A_383, %parallel_loop3A_385 : vector<16xi32>
      %parallel_loop3A_387 = arith.sitofp %parallel_loop3A_386 : vector<16xi32> to vector<16xf32>
      %parallel_loop3A_388 = arith.constant 32 : i32
      %parallel_loop3A_389 = arith.addi %parallel_loop3A_361, %parallel_loop3A_388 : i32
      %parallel_loop3A_390 = arith.index_cast %parallel_loop3A_389 : i32 to index
      %parallel_loop3A_391 = tpu.vector_load %arg10[%parallel_loop3A_390] {strides = array<i32>} : memref<512xf32, #tpu.memory_space<vmem>>, vector<16xf32>,
      tpu.vector_store %arg10[%parallel_loop3A_390], %parallel_loop3A_387 {strides = array<i32>} : memref<512xf32, #tpu.memory_space<vmem>>, vector<16xf32>,
      %parallel_loop3A_392 = arith.constant 24 : i32
      %parallel_loop3A_393 = vector.broadcast %parallel_loop3A_392 : i32 to vector<16xi32>
      %parallel_loop3A_394 = arith.shrsi %parallel_loop3A_359, %parallel_loop3A_393 : vector<16xi32>
      %parallel_loop3A_395 = arith.constant 255 : i32
      %parallel_loop3A_396 = vector.broadcast %parallel_loop3A_395 : i32 to vector<16xi32>
      %parallel_loop3A_397 = arith.andi %parallel_loop3A_394, %parallel_loop3A_396 : vector<16xi32>
      %parallel_loop3A_398 = arith.sitofp %parallel_loop3A_397 : vector<16xi32> to vector<16xf32>
      %parallel_loop3A_399 = arith.constant 48 : i32
      %parallel_loop3A_400 = arith.addi %parallel_loop3A_361, %parallel_loop3A_399 : i32
      %parallel_loop3A_401 = arith.index_cast %parallel_loop3A_400 : i32 to index
      %parallel_loop3A_402 = tpu.vector_load %arg10[%parallel_loop3A_401] {strides = array<i32>} : memref<512xf32, #tpu.memory_space<vmem>>, vector<16xf32>,
      tpu.vector_store %arg10[%parallel_loop3A_401], %parallel_loop3A_398 {strides = array<i32>} : memref<512xf32, #tpu.memory_space<vmem>>, vector<16xf32>,
    } {sc.loop_unroll_factor = 1 : i64, sc.parallel_access}
    %parallel_loop3A_307 = arith.constant 0 : i32
    %parallel_loop3A_308 = arith.constant 128 : i32
    %parallel_loop3A_309 = arith.constant 1 : i32
    scf.for %parallel_loop3A_348 = %parallel_loop3A_307 to %parallel_loop3A_308 step %parallel_loop3A_309  : i32 {
      %parallel_loop3A_349 = arith.constant 4 : i32
      %parallel_loop3A_350 = arith.shrsi %parallel_loop3A_348, %parallel_loop3A_349 : i32
      %parallel_loop3A_351 = arith.constant 64 : i32
      %parallel_loop3A_352 = arith.muli %parallel_loop3A_350, %parallel_loop3A_351 : i32
      %parallel_loop3A_353 = arith.constant 15 : i32
      %parallel_loop3A_354 = arith.andi %parallel_loop3A_348, %parallel_loop3A_353 : i32
      %parallel_loop3A_355 = arith.addi %parallel_loop3A_352, %parallel_loop3A_354 : i32
      %parallel_loop3A_356 = vector.broadcast %parallel_loop3A_355 : i32 to vector<16xi32>
      %parallel_loop3A_357 = arith.constant 0 : i32
      %parallel_loop3A_358 = vector.broadcast %parallel_loop3A_357 : i32 to vector<16xi32>
      %parallel_loop3A_359 = arith.addi %parallel_loop3A_356, %parallel_loop3A_358 : vector<16xi32>
      %parallel_loop3A_360 = tpu.vector_load_idx %arg10[%parallel_loop3A_359] : memref<512xf32, #tpu.memory_space<vmem>>[vector<16xi32>], vector<16xf32>,
      %parallel_loop3A_361 = arith.constant 16 : i32
      %parallel_loop3A_362 = vector.broadcast %parallel_loop3A_361 : i32 to vector<16xi32>
      %parallel_loop3A_363 = arith.addi %parallel_loop3A_356, %parallel_loop3A_362 : vector<16xi32>
      %parallel_loop3A_364 = tpu.vector_load_idx %arg10[%parallel_loop3A_363] : memref<512xf32, #tpu.memory_space<vmem>>[vector<16xi32>], vector<16xf32>,
      %parallel_loop3A_365 = arith.constant 32 : i32
      %parallel_loop3A_366 = vector.broadcast %parallel_loop3A_365 : i32 to vector<16xi32>
      %parallel_loop3A_367 = arith.addi %parallel_loop3A_356, %parallel_loop3A_366 : vector<16xi32>
      %parallel_loop3A_368 = tpu.vector_load_idx %arg10[%parallel_loop3A_367] : memref<512xf32, #tpu.memory_space<vmem>>[vector<16xi32>], vector<16xf32>,
      %parallel_loop3A_369 = arith.constant 48 : i32
      %parallel_loop3A_370 = vector.broadcast %parallel_loop3A_369 : i32 to vector<16xi32>
      %parallel_loop3A_371 = arith.addi %parallel_loop3A_356, %parallel_loop3A_370 : vector<16xi32>
      %parallel_loop3A_372 = tpu.vector_load_idx %arg10[%parallel_loop3A_371] : memref<512xf32, #tpu.memory_space<vmem>>[vector<16xi32>], vector<16xf32>,
      %parallel_loop3A_373 = arith.mulf %parallel_loop3A_360, %sub3A_75 : vector<16xf32>
      %parallel_loop3A_374 = arith.addf %mul3A_49, %parallel_loop3A_373 : vector<16xf32>
      %parallel_loop3A_375 = arith.mulf %parallel_loop3A_364, %sub3A_115 : vector<16xf32>
      %parallel_loop3A_376 = arith.addf %parallel_loop3A_374, %parallel_loop3A_375 : vector<16xf32>
      %parallel_loop3A_377 = arith.mulf %parallel_loop3A_368, %sub3A_155 : vector<16xf32>
      %parallel_loop3A_378 = arith.addf %parallel_loop3A_376, %parallel_loop3A_377 : vector<16xf32>
      %parallel_loop3A_379 = arith.mulf %parallel_loop3A_372, %sub3A_195 : vector<16xf32>
      %parallel_loop3A_380 = arith.addf %parallel_loop3A_378, %parallel_loop3A_379 : vector<16xf32>
      %parallel_loop3A_381 = arith.index_cast %parallel_loop3A_348 : i32 to index
      %parallel_loop3A_382 = arith.constant 0 : index
      %parallel_loop3A_383 = tpu.vector_load %arg7[%parallel_loop3A_381, %parallel_loop3A_382] {strides = array<i32>} : memref<128x128xf32, #tpu.memory_space<vmem>>, vector<16xf32>,
      tpu.vector_store %arg7[%parallel_loop3A_381, %parallel_loop3A_382], %parallel_loop3A_380 {strides = array<i32>} : memref<128x128xf32, #tpu.memory_space<vmem>>, vector<16xf32>,
      %parallel_loop3A_384 = arith.mulf %parallel_loop3A_360, %sub3A_80 : vector<16xf32>
      %parallel_loop3A_385 = arith.addf %mul3A_52, %parallel_loop3A_384 : vector<16xf32>
      %parallel_loop3A_386 = arith.mulf %parallel_loop3A_364, %sub3A_120 : vector<16xf32>
      %parallel_loop3A_387 = arith.addf %parallel_loop3A_385, %parallel_loop3A_386 : vector<16xf32>
      %parallel_loop3A_388 = arith.mulf %parallel_loop3A_368, %sub3A_160 : vector<16xf32>
      %parallel_loop3A_389 = arith.addf %parallel_loop3A_387, %parallel_loop3A_388 : vector<16xf32>
      %parallel_loop3A_390 = arith.mulf %parallel_loop3A_372, %sub3A_200 : vector<16xf32>
      %parallel_loop3A_391 = arith.addf %parallel_loop3A_389, %parallel_loop3A_390 : vector<16xf32>
      %parallel_loop3A_392 = arith.index_cast %parallel_loop3A_348 : i32 to index
      %parallel_loop3A_393 = arith.constant 16 : index
      %parallel_loop3A_394 = tpu.vector_load %arg7[%parallel_loop3A_392, %parallel_loop3A_393] {strides = array<i32>} : memref<128x128xf32, #tpu.memory_space<vmem>>, vector<16xf32>,
      tpu.vector_store %arg7[%parallel_loop3A_392, %parallel_loop3A_393], %parallel_loop3A_391 {strides = array<i32>} : memref<128x128xf32, #tpu.memory_space<vmem>>, vector<16xf32>,
      %parallel_loop3A_395 = arith.mulf %parallel_loop3A_360, %sub3A_85 : vector<16xf32>
      %parallel_loop3A_396 = arith.addf %mul3A_55, %parallel_loop3A_395 : vector<16xf32>
      %parallel_loop3A_397 = arith.mulf %parallel_loop3A_364, %sub3A_125 : vector<16xf32>
      %parallel_loop3A_398 = arith.addf %parallel_loop3A_396, %parallel_loop3A_397 : vector<16xf32>
      %parallel_loop3A_399 = arith.mulf %parallel_loop3A_368, %sub3A_165 : vector<16xf32>
      %parallel_loop3A_400 = arith.addf %parallel_loop3A_398, %parallel_loop3A_399 : vector<16xf32>
      %parallel_loop3A_401 = arith.mulf %parallel_loop3A_372, %sub3A_205 : vector<16xf32>
      %parallel_loop3A_402 = arith.addf %parallel_loop3A_400, %parallel_loop3A_401 : vector<16xf32>
      %parallel_loop3A_403 = arith.index_cast %parallel_loop3A_348 : i32 to index
      %parallel_loop3A_404 = arith.constant 32 : index
      %parallel_loop3A_405 = tpu.vector_load %arg7[%parallel_loop3A_403, %parallel_loop3A_404] {strides = array<i32>} : memref<128x128xf32, #tpu.memory_space<vmem>>, vector<16xf32>,
      tpu.vector_store %arg7[%parallel_loop3A_403, %parallel_loop3A_404], %parallel_loop3A_402 {strides = array<i32>} : memref<128x128xf32, #tpu.memory_space<vmem>>, vector<16xf32>,
      %parallel_loop3A_406 = arith.mulf %parallel_loop3A_360, %sub3A_90 : vector<16xf32>
      %parallel_loop3A_407 = arith.addf %mul3A_58, %parallel_loop3A_406 : vector<16xf32>
      %parallel_loop3A_408 = arith.mulf %parallel_loop3A_364, %sub3A_130 : vector<16xf32>
      %parallel_loop3A_409 = arith.addf %parallel_loop3A_407, %parallel_loop3A_408 : vector<16xf32>
      %parallel_loop3A_410 = arith.mulf %parallel_loop3A_368, %sub3A_170 : vector<16xf32>
      %parallel_loop3A_411 = arith.addf %parallel_loop3A_409, %parallel_loop3A_410 : vector<16xf32>
      %parallel_loop3A_412 = arith.mulf %parallel_loop3A_372, %sub3A_210 : vector<16xf32>
      %parallel_loop3A_413 = arith.addf %parallel_loop3A_411, %parallel_loop3A_412 : vector<16xf32>
      %parallel_loop3A_414 = arith.index_cast %parallel_loop3A_348 : i32 to index
      %parallel_loop3A_415 = arith.constant 48 : index
      %parallel_loop3A_416 = tpu.vector_load %arg7[%parallel_loop3A_414, %parallel_loop3A_415] {strides = array<i32>} : memref<128x128xf32, #tpu.memory_space<vmem>>, vector<16xf32>,
      tpu.vector_store %arg7[%parallel_loop3A_414, %parallel_loop3A_415], %parallel_loop3A_413 {strides = array<i32>} : memref<128x128xf32, #tpu.memory_space<vmem>>, vector<16xf32>,
      %parallel_loop3A_417 = arith.mulf %parallel_loop3A_360, %sub3A_95 : vector<16xf32>
      %parallel_loop3A_418 = arith.addf %mul3A_61, %parallel_loop3A_417 : vector<16xf32>
      %parallel_loop3A_419 = arith.mulf %parallel_loop3A_364, %sub3A_135 : vector<16xf32>
      %parallel_loop3A_420 = arith.addf %parallel_loop3A_418, %parallel_loop3A_419 : vector<16xf32>
      %parallel_loop3A_421 = arith.mulf %parallel_loop3A_368, %sub3A_175 : vector<16xf32>
      %parallel_loop3A_422 = arith.addf %parallel_loop3A_420, %parallel_loop3A_421 : vector<16xf32>
      %parallel_loop3A_423 = arith.mulf %parallel_loop3A_372, %sub3A_215 : vector<16xf32>
      %parallel_loop3A_424 = arith.addf %parallel_loop3A_422, %parallel_loop3A_423 : vector<16xf32>
      %parallel_loop3A_425 = arith.index_cast %parallel_loop3A_348 : i32 to index
      %parallel_loop3A_426 = arith.constant 64 : index
      %parallel_loop3A_427 = tpu.vector_load %arg7[%parallel_loop3A_425, %parallel_loop3A_426] {strides = array<i32>} : memref<128x128xf32, #tpu.memory_space<vmem>>, vector<16xf32>,
      tpu.vector_store %arg7[%parallel_loop3A_425, %parallel_loop3A_426], %parallel_loop3A_424 {strides = array<i32>} : memref<128x128xf32, #tpu.memory_space<vmem>>, vector<16xf32>,
      %parallel_loop3A_428 = arith.mulf %parallel_loop3A_360, %sub3A_100 : vector<16xf32>
      %parallel_loop3A_429 = arith.addf %mul3A_64, %parallel_loop3A_428 : vector<16xf32>
      %parallel_loop3A_430 = arith.mulf %parallel_loop3A_364, %sub3A_140 : vector<16xf32>
      %parallel_loop3A_431 = arith.addf %parallel_loop3A_429, %parallel_loop3A_430 : vector<16xf32>
      %parallel_loop3A_432 = arith.mulf %parallel_loop3A_368, %sub3A_180 : vector<16xf32>
      %parallel_loop3A_433 = arith.addf %parallel_loop3A_431, %parallel_loop3A_432 : vector<16xf32>
      %parallel_loop3A_434 = arith.mulf %parallel_loop3A_372, %sub3A_220 : vector<16xf32>
      %parallel_loop3A_435 = arith.addf %parallel_loop3A_433, %parallel_loop3A_434 : vector<16xf32>
      %parallel_loop3A_436 = arith.index_cast %parallel_loop3A_348 : i32 to index
      %parallel_loop3A_437 = arith.constant 80 : index
      %parallel_loop3A_438 = tpu.vector_load %arg7[%parallel_loop3A_436, %parallel_loop3A_437] {strides = array<i32>} : memref<128x128xf32, #tpu.memory_space<vmem>>, vector<16xf32>,
      tpu.vector_store %arg7[%parallel_loop3A_436, %parallel_loop3A_437], %parallel_loop3A_435 {strides = array<i32>} : memref<128x128xf32, #tpu.memory_space<vmem>>, vector<16xf32>,
      %parallel_loop3A_439 = arith.mulf %parallel_loop3A_360, %sub3A_105 : vector<16xf32>
      %parallel_loop3A_440 = arith.addf %mul3A_67, %parallel_loop3A_439 : vector<16xf32>
      %parallel_loop3A_441 = arith.mulf %parallel_loop3A_364, %sub3A_145 : vector<16xf32>
      %parallel_loop3A_442 = arith.addf %parallel_loop3A_440, %parallel_loop3A_441 : vector<16xf32>
      %parallel_loop3A_443 = arith.mulf %parallel_loop3A_368, %sub3A_185 : vector<16xf32>
      %parallel_loop3A_444 = arith.addf %parallel_loop3A_442, %parallel_loop3A_443 : vector<16xf32>
      %parallel_loop3A_445 = arith.mulf %parallel_loop3A_372, %sub3A_225 : vector<16xf32>
      %parallel_loop3A_446 = arith.addf %parallel_loop3A_444, %parallel_loop3A_445 : vector<16xf32>
      %parallel_loop3A_447 = arith.index_cast %parallel_loop3A_348 : i32 to index
      %parallel_loop3A_448 = arith.constant 96 : index
      %parallel_loop3A_449 = tpu.vector_load %arg7[%parallel_loop3A_447, %parallel_loop3A_448] {strides = array<i32>} : memref<128x128xf32, #tpu.memory_space<vmem>>, vector<16xf32>,
      tpu.vector_store %arg7[%parallel_loop3A_447, %parallel_loop3A_448], %parallel_loop3A_446 {strides = array<i32>} : memref<128x128xf32, #tpu.memory_space<vmem>>, vector<16xf32>,
      %parallel_loop3A_450 = arith.mulf %parallel_loop3A_360, %sub3A_110 : vector<16xf32>
      %parallel_loop3A_451 = arith.addf %mul3A_70, %parallel_loop3A_450 : vector<16xf32>
      %parallel_loop3A_452 = arith.mulf %parallel_loop3A_364, %sub3A_150 : vector<16xf32>
      %parallel_loop3A_453 = arith.addf %parallel_loop3A_451, %parallel_loop3A_452 : vector<16xf32>
      %parallel_loop3A_454 = arith.mulf %parallel_loop3A_368, %sub3A_190 : vector<16xf32>
      %parallel_loop3A_455 = arith.addf %parallel_loop3A_453, %parallel_loop3A_454 : vector<16xf32>
      %parallel_loop3A_456 = arith.mulf %parallel_loop3A_372, %sub3A_230 : vector<16xf32>
      %parallel_loop3A_457 = arith.addf %parallel_loop3A_455, %parallel_loop3A_456 : vector<16xf32>
      %parallel_loop3A_458 = arith.index_cast %parallel_loop3A_348 : i32 to index
      %parallel_loop3A_459 = arith.constant 112 : index
      %parallel_loop3A_460 = tpu.vector_load %arg7[%parallel_loop3A_458, %parallel_loop3A_459] {strides = array<i32>} : memref<128x128xf32, #tpu.memory_space<vmem>>, vector<16xf32>,
      tpu.vector_store %arg7[%parallel_loop3A_458, %parallel_loop3A_459], %parallel_loop3A_457 {strides = array<i32>} : memref<128x128xf32, #tpu.memory_space<vmem>>, vector<16xf32>,
    } {sc.loop_unroll_factor = 2 : i64, sc.parallel_access}
    %mul3A_310 = arith.constant 512 : i32
    %mul3A_311 = arith.muli %add3A, %mul3A_310 : i32
    %add3A_312 = arith.constant 256 : i32
    %add3A_313 = arith.addi %mul3A_311, %add3A_312 : i32
    %dma_start3A_314 = arith.constant 0 : i32
    %dma_start3A_315 = tpu.memref_slice %arg4[%add3A_313, %dma_start3A_314] : memref<16384x128xf32, #tpu.memory_space<hbm>> -> memref<128x128xf32, #tpu.memory_space<hbm>>
    %dma_start3A_316 = arith.constant 0 : i32
    %dma_start3A_317 = tpu.memref_slice %arg4[%add3A_313, %dma_start3A_316] : memref<16384x128xf32, #tpu.memory_space<hbm>> -> memref<128x128xf32, #tpu.memory_space<hbm>>
    tpu.enqueue_dma source(%arg7 : memref<128x128xf32, #tpu.memory_space<vmem>>) target(%dma_start3A_317 : memref<128x128xf32, #tpu.memory_space<hbm>>) target_semaphore(%arg14 : memref<!tpu.dma_semaphore, #tpu.memory_space<semaphore_mem>>)
    %dma_wait3A_318 = arith.constant 0 : i32
    %dma_wait3A_319 = tpu.memref_slice %arg2[%dma_wait3A_318, %add3A_291] : memref<200x16384xi32, #tpu.memory_space<hbm>> -> memref<200x128xi32, #tpu.memory_space<hbm>>
    %dma_wait3A_320 = arith.constant 0 : i32
    %dma_wait3A_321 = tpu.memref_slice %arg2[%dma_wait3A_320, %add3A_291] : memref<200x16384xi32, #tpu.memory_space<hbm>> -> memref<200x128xi32, #tpu.memory_space<hbm>>
    tpu.wait_dma2 semaphore(%arg13 : memref<!tpu.dma_semaphore, #tpu.memory_space<semaphore_mem>>) src(%dma_wait3A_321 : memref<200x128xi32, #tpu.memory_space<hbm>>) dst(%arg6 : memref<200x128xi32, #tpu.memory_space<vmem>>)
    %dma_wait3A_322 = arith.constant 0 : i32
    %dma_wait3A_323 = tpu.memref_slice %arg4[%add3A_283, %dma_wait3A_322] : memref<16384x128xf32, #tpu.memory_space<hbm>> -> memref<128x128xf32, #tpu.memory_space<hbm>>
    %dma_wait3A_324 = arith.constant 0 : i32
    %dma_wait3A_325 = tpu.memref_slice %arg4[%add3A_283, %dma_wait3A_324] : memref<16384x128xf32, #tpu.memory_space<hbm>> -> memref<128x128xf32, #tpu.memory_space<hbm>>
    tpu.wait_dma2 semaphore(%arg15 : memref<!tpu.dma_semaphore, #tpu.memory_space<semaphore_mem>>) src(%arg8 : memref<128x128xf32, #tpu.memory_space<vmem>>) dst(%dma_wait3A_325 : memref<128x128xf32, #tpu.memory_space<hbm>>)
    %parallel_loop3A_326 = arith.constant 0 : i32
    %parallel_loop3A_327 = arith.constant 8 : i32
    %parallel_loop3A_328 = arith.constant 1 : i32
    scf.for %parallel_loop3A_348 = %parallel_loop3A_326 to %parallel_loop3A_327 step %parallel_loop3A_328  : i32 {
      %parallel_loop3A_349 = arith.constant 16 : i32
      %parallel_loop3A_350 = arith.muli %parallel_loop3A_348, %parallel_loop3A_349 : i32
      %parallel_loop3A_351 = arith.constant 0 : i32
      %parallel_loop3A_352 = vector.broadcast %parallel_loop3A_351 : i32 to vector<16xi32>
      %parallel_loop3A_353 = arith.constant 0 : i32
      %parallel_loop3A_354 = arith.constant 200 : i32
      %parallel_loop3A_355 = arith.constant 4 : i32
      %parallel_loop3A_356:4 = scf.for %parallel_loop3A_403 = %parallel_loop3A_353 to %parallel_loop3A_354 step %parallel_loop3A_355 iter_args(%parallel_loop3A_404 = %parallel_loop3A_352, %parallel_loop3A_405 = %parallel_loop3A_352, %parallel_loop3A_406 = %parallel_loop3A_352, %parallel_loop3A_407 = %parallel_loop3A_352) -> (vector<16xi32>, vector<16xi32>, vector<16xi32>, vector<16xi32>)  : i32 {
        %parallel_loop3A_408 = arith.index_cast %parallel_loop3A_403 : i32 to index
        %parallel_loop3A_409 = arith.index_cast %parallel_loop3A_350 : i32 to index
        %parallel_loop3A_410 = tpu.vector_load %arg6[%parallel_loop3A_408, %parallel_loop3A_409] {strides = array<i32>} : memref<200x128xi32, #tpu.memory_space<vmem>>, vector<16xi32>,
        %parallel_loop3A_411 = tpu.vector_load_idx %arg11[%parallel_loop3A_410] : memref<16xi32, #tpu.memory_space<vmem>>[vector<16xi32>], vector<16xi32>,
        %parallel_loop3A_412 = arith.addi %parallel_loop3A_404, %parallel_loop3A_411 : vector<16xi32>
        %parallel_loop3A_413 = arith.constant 1 : i32
        %parallel_loop3A_414 = arith.addi %parallel_loop3A_403, %parallel_loop3A_413 : i32
        %parallel_loop3A_415 = arith.index_cast %parallel_loop3A_414 : i32 to index
        %parallel_loop3A_416 = arith.index_cast %parallel_loop3A_350 : i32 to index
        %parallel_loop3A_417 = tpu.vector_load %arg6[%parallel_loop3A_415, %parallel_loop3A_416] {strides = array<i32>} : memref<200x128xi32, #tpu.memory_space<vmem>>, vector<16xi32>,
        %parallel_loop3A_418 = tpu.vector_load_idx %arg11[%parallel_loop3A_417] : memref<16xi32, #tpu.memory_space<vmem>>[vector<16xi32>], vector<16xi32>,
        %parallel_loop3A_419 = arith.addi %parallel_loop3A_405, %parallel_loop3A_418 : vector<16xi32>
        %parallel_loop3A_420 = arith.constant 2 : i32
        %parallel_loop3A_421 = arith.addi %parallel_loop3A_403, %parallel_loop3A_420 : i32
        %parallel_loop3A_422 = arith.index_cast %parallel_loop3A_421 : i32 to index
        %parallel_loop3A_423 = arith.index_cast %parallel_loop3A_350 : i32 to index
        %parallel_loop3A_424 = tpu.vector_load %arg6[%parallel_loop3A_422, %parallel_loop3A_423] {strides = array<i32>} : memref<200x128xi32, #tpu.memory_space<vmem>>, vector<16xi32>,
        %parallel_loop3A_425 = tpu.vector_load_idx %arg11[%parallel_loop3A_424] : memref<16xi32, #tpu.memory_space<vmem>>[vector<16xi32>], vector<16xi32>,
        %parallel_loop3A_426 = arith.addi %parallel_loop3A_406, %parallel_loop3A_425 : vector<16xi32>
        %parallel_loop3A_427 = arith.constant 3 : i32
        %parallel_loop3A_428 = arith.addi %parallel_loop3A_403, %parallel_loop3A_427 : i32
        %parallel_loop3A_429 = arith.index_cast %parallel_loop3A_428 : i32 to index
        %parallel_loop3A_430 = arith.index_cast %parallel_loop3A_350 : i32 to index
        %parallel_loop3A_431 = tpu.vector_load %arg6[%parallel_loop3A_429, %parallel_loop3A_430] {strides = array<i32>} : memref<200x128xi32, #tpu.memory_space<vmem>>, vector<16xi32>,
        %parallel_loop3A_432 = tpu.vector_load_idx %arg11[%parallel_loop3A_431] : memref<16xi32, #tpu.memory_space<vmem>>[vector<16xi32>], vector<16xi32>,
        %parallel_loop3A_433 = arith.addi %parallel_loop3A_407, %parallel_loop3A_432 : vector<16xi32>
        scf.yield %parallel_loop3A_412, %parallel_loop3A_419, %parallel_loop3A_426, %parallel_loop3A_433 : vector<16xi32>, vector<16xi32>, vector<16xi32>, vector<16xi32>
      } {sc.loop_unroll_factor = 1 : i64, sc.parallel_access}
      %parallel_loop3A_357 = arith.addi %parallel_loop3A_356#0, %parallel_loop3A_356#1 : vector<16xi32>
      %parallel_loop3A_358 = arith.addi %parallel_loop3A_356#2, %parallel_loop3A_356#3 : vector<16xi32>
      %parallel_loop3A_359 = arith.addi %parallel_loop3A_357, %parallel_loop3A_358 : vector<16xi32>
      %parallel_loop3A_360 = arith.constant 64 : i32
      %parallel_loop3A_361 = arith.muli %parallel_loop3A_348, %parallel_loop3A_360 : i32
      %parallel_loop3A_362 = arith.constant 255 : i32
      %parallel_loop3A_363 = vector.broadcast %parallel_loop3A_362 : i32 to vector<16xi32>
      %parallel_loop3A_364 = arith.andi %parallel_loop3A_359, %parallel_loop3A_363 : vector<16xi32>
      %parallel_loop3A_365 = arith.sitofp %parallel_loop3A_364 : vector<16xi32> to vector<16xf32>
      %parallel_loop3A_366 = arith.constant 0 : i32
      %parallel_loop3A_367 = arith.addi %parallel_loop3A_361, %parallel_loop3A_366 : i32
      %parallel_loop3A_368 = arith.index_cast %parallel_loop3A_367 : i32 to index
      %parallel_loop3A_369 = tpu.vector_load %arg10[%parallel_loop3A_368] {strides = array<i32>} : memref<512xf32, #tpu.memory_space<vmem>>, vector<16xf32>,
      tpu.vector_store %arg10[%parallel_loop3A_368], %parallel_loop3A_365 {strides = array<i32>} : memref<512xf32, #tpu.memory_space<vmem>>, vector<16xf32>,
      %parallel_loop3A_370 = arith.constant 8 : i32
      %parallel_loop3A_371 = vector.broadcast %parallel_loop3A_370 : i32 to vector<16xi32>
      %parallel_loop3A_372 = arith.shrsi %parallel_loop3A_359, %parallel_loop3A_371 : vector<16xi32>
      %parallel_loop3A_373 = arith.constant 255 : i32
      %parallel_loop3A_374 = vector.broadcast %parallel_loop3A_373 : i32 to vector<16xi32>
      %parallel_loop3A_375 = arith.andi %parallel_loop3A_372, %parallel_loop3A_374 : vector<16xi32>
      %parallel_loop3A_376 = arith.sitofp %parallel_loop3A_375 : vector<16xi32> to vector<16xf32>
      %parallel_loop3A_377 = arith.constant 16 : i32
      %parallel_loop3A_378 = arith.addi %parallel_loop3A_361, %parallel_loop3A_377 : i32
      %parallel_loop3A_379 = arith.index_cast %parallel_loop3A_378 : i32 to index
      %parallel_loop3A_380 = tpu.vector_load %arg10[%parallel_loop3A_379] {strides = array<i32>} : memref<512xf32, #tpu.memory_space<vmem>>, vector<16xf32>,
      tpu.vector_store %arg10[%parallel_loop3A_379], %parallel_loop3A_376 {strides = array<i32>} : memref<512xf32, #tpu.memory_space<vmem>>, vector<16xf32>,
      %parallel_loop3A_381 = arith.constant 16 : i32
      %parallel_loop3A_382 = vector.broadcast %parallel_loop3A_381 : i32 to vector<16xi32>
      %parallel_loop3A_383 = arith.shrsi %parallel_loop3A_359, %parallel_loop3A_382 : vector<16xi32>
      %parallel_loop3A_384 = arith.constant 255 : i32
      %parallel_loop3A_385 = vector.broadcast %parallel_loop3A_384 : i32 to vector<16xi32>
      %parallel_loop3A_386 = arith.andi %parallel_loop3A_383, %parallel_loop3A_385 : vector<16xi32>
      %parallel_loop3A_387 = arith.sitofp %parallel_loop3A_386 : vector<16xi32> to vector<16xf32>
      %parallel_loop3A_388 = arith.constant 32 : i32
      %parallel_loop3A_389 = arith.addi %parallel_loop3A_361, %parallel_loop3A_388 : i32
      %parallel_loop3A_390 = arith.index_cast %parallel_loop3A_389 : i32 to index
      %parallel_loop3A_391 = tpu.vector_load %arg10[%parallel_loop3A_390] {strides = array<i32>} : memref<512xf32, #tpu.memory_space<vmem>>, vector<16xf32>,
      tpu.vector_store %arg10[%parallel_loop3A_390], %parallel_loop3A_387 {strides = array<i32>} : memref<512xf32, #tpu.memory_space<vmem>>, vector<16xf32>,
      %parallel_loop3A_392 = arith.constant 24 : i32
      %parallel_loop3A_393 = vector.broadcast %parallel_loop3A_392 : i32 to vector<16xi32>
      %parallel_loop3A_394 = arith.shrsi %parallel_loop3A_359, %parallel_loop3A_393 : vector<16xi32>
      %parallel_loop3A_395 = arith.constant 255 : i32
      %parallel_loop3A_396 = vector.broadcast %parallel_loop3A_395 : i32 to vector<16xi32>
      %parallel_loop3A_397 = arith.andi %parallel_loop3A_394, %parallel_loop3A_396 : vector<16xi32>
      %parallel_loop3A_398 = arith.sitofp %parallel_loop3A_397 : vector<16xi32> to vector<16xf32>
      %parallel_loop3A_399 = arith.constant 48 : i32
      %parallel_loop3A_400 = arith.addi %parallel_loop3A_361, %parallel_loop3A_399 : i32
      %parallel_loop3A_401 = arith.index_cast %parallel_loop3A_400 : i32 to index
      %parallel_loop3A_402 = tpu.vector_load %arg10[%parallel_loop3A_401] {strides = array<i32>} : memref<512xf32, #tpu.memory_space<vmem>>, vector<16xf32>,
      tpu.vector_store %arg10[%parallel_loop3A_401], %parallel_loop3A_398 {strides = array<i32>} : memref<512xf32, #tpu.memory_space<vmem>>, vector<16xf32>,
    } {sc.loop_unroll_factor = 1 : i64, sc.parallel_access}
    %parallel_loop3A_329 = arith.constant 0 : i32
    %parallel_loop3A_330 = arith.constant 128 : i32
    %parallel_loop3A_331 = arith.constant 1 : i32
    scf.for %parallel_loop3A_348 = %parallel_loop3A_329 to %parallel_loop3A_330 step %parallel_loop3A_331  : i32 {
      %parallel_loop3A_349 = arith.constant 4 : i32
      %parallel_loop3A_350 = arith.shrsi %parallel_loop3A_348, %parallel_loop3A_349 : i32
      %parallel_loop3A_351 = arith.constant 64 : i32
      %parallel_loop3A_352 = arith.muli %parallel_loop3A_350, %parallel_loop3A_351 : i32
      %parallel_loop3A_353 = arith.constant 15 : i32
      %parallel_loop3A_354 = arith.andi %parallel_loop3A_348, %parallel_loop3A_353 : i32
      %parallel_loop3A_355 = arith.addi %parallel_loop3A_352, %parallel_loop3A_354 : i32
      %parallel_loop3A_356 = vector.broadcast %parallel_loop3A_355 : i32 to vector<16xi32>
      %parallel_loop3A_357 = arith.constant 0 : i32
      %parallel_loop3A_358 = vector.broadcast %parallel_loop3A_357 : i32 to vector<16xi32>
      %parallel_loop3A_359 = arith.addi %parallel_loop3A_356, %parallel_loop3A_358 : vector<16xi32>
      %parallel_loop3A_360 = tpu.vector_load_idx %arg10[%parallel_loop3A_359] : memref<512xf32, #tpu.memory_space<vmem>>[vector<16xi32>], vector<16xf32>,
      %parallel_loop3A_361 = arith.constant 16 : i32
      %parallel_loop3A_362 = vector.broadcast %parallel_loop3A_361 : i32 to vector<16xi32>
      %parallel_loop3A_363 = arith.addi %parallel_loop3A_356, %parallel_loop3A_362 : vector<16xi32>
      %parallel_loop3A_364 = tpu.vector_load_idx %arg10[%parallel_loop3A_363] : memref<512xf32, #tpu.memory_space<vmem>>[vector<16xi32>], vector<16xf32>,
      %parallel_loop3A_365 = arith.constant 32 : i32
      %parallel_loop3A_366 = vector.broadcast %parallel_loop3A_365 : i32 to vector<16xi32>
      %parallel_loop3A_367 = arith.addi %parallel_loop3A_356, %parallel_loop3A_366 : vector<16xi32>
      %parallel_loop3A_368 = tpu.vector_load_idx %arg10[%parallel_loop3A_367] : memref<512xf32, #tpu.memory_space<vmem>>[vector<16xi32>], vector<16xf32>,
      %parallel_loop3A_369 = arith.constant 48 : i32
      %parallel_loop3A_370 = vector.broadcast %parallel_loop3A_369 : i32 to vector<16xi32>
      %parallel_loop3A_371 = arith.addi %parallel_loop3A_356, %parallel_loop3A_370 : vector<16xi32>
      %parallel_loop3A_372 = tpu.vector_load_idx %arg10[%parallel_loop3A_371] : memref<512xf32, #tpu.memory_space<vmem>>[vector<16xi32>], vector<16xf32>,
      %parallel_loop3A_373 = arith.mulf %parallel_loop3A_360, %sub3A_75 : vector<16xf32>
      %parallel_loop3A_374 = arith.addf %mul3A_49, %parallel_loop3A_373 : vector<16xf32>
      %parallel_loop3A_375 = arith.mulf %parallel_loop3A_364, %sub3A_115 : vector<16xf32>
      %parallel_loop3A_376 = arith.addf %parallel_loop3A_374, %parallel_loop3A_375 : vector<16xf32>
      %parallel_loop3A_377 = arith.mulf %parallel_loop3A_368, %sub3A_155 : vector<16xf32>
      %parallel_loop3A_378 = arith.addf %parallel_loop3A_376, %parallel_loop3A_377 : vector<16xf32>
      %parallel_loop3A_379 = arith.mulf %parallel_loop3A_372, %sub3A_195 : vector<16xf32>
      %parallel_loop3A_380 = arith.addf %parallel_loop3A_378, %parallel_loop3A_379 : vector<16xf32>
      %parallel_loop3A_381 = arith.index_cast %parallel_loop3A_348 : i32 to index
      %parallel_loop3A_382 = arith.constant 0 : index
      %parallel_loop3A_383 = tpu.vector_load %arg8[%parallel_loop3A_381, %parallel_loop3A_382] {strides = array<i32>} : memref<128x128xf32, #tpu.memory_space<vmem>>, vector<16xf32>,
      tpu.vector_store %arg8[%parallel_loop3A_381, %parallel_loop3A_382], %parallel_loop3A_380 {strides = array<i32>} : memref<128x128xf32, #tpu.memory_space<vmem>>, vector<16xf32>,
      %parallel_loop3A_384 = arith.mulf %parallel_loop3A_360, %sub3A_80 : vector<16xf32>
      %parallel_loop3A_385 = arith.addf %mul3A_52, %parallel_loop3A_384 : vector<16xf32>
      %parallel_loop3A_386 = arith.mulf %parallel_loop3A_364, %sub3A_120 : vector<16xf32>
      %parallel_loop3A_387 = arith.addf %parallel_loop3A_385, %parallel_loop3A_386 : vector<16xf32>
      %parallel_loop3A_388 = arith.mulf %parallel_loop3A_368, %sub3A_160 : vector<16xf32>
      %parallel_loop3A_389 = arith.addf %parallel_loop3A_387, %parallel_loop3A_388 : vector<16xf32>
      %parallel_loop3A_390 = arith.mulf %parallel_loop3A_372, %sub3A_200 : vector<16xf32>
      %parallel_loop3A_391 = arith.addf %parallel_loop3A_389, %parallel_loop3A_390 : vector<16xf32>
      %parallel_loop3A_392 = arith.index_cast %parallel_loop3A_348 : i32 to index
      %parallel_loop3A_393 = arith.constant 16 : index
      %parallel_loop3A_394 = tpu.vector_load %arg8[%parallel_loop3A_392, %parallel_loop3A_393] {strides = array<i32>} : memref<128x128xf32, #tpu.memory_space<vmem>>, vector<16xf32>,
      tpu.vector_store %arg8[%parallel_loop3A_392, %parallel_loop3A_393], %parallel_loop3A_391 {strides = array<i32>} : memref<128x128xf32, #tpu.memory_space<vmem>>, vector<16xf32>,
      %parallel_loop3A_395 = arith.mulf %parallel_loop3A_360, %sub3A_85 : vector<16xf32>
      %parallel_loop3A_396 = arith.addf %mul3A_55, %parallel_loop3A_395 : vector<16xf32>
      %parallel_loop3A_397 = arith.mulf %parallel_loop3A_364, %sub3A_125 : vector<16xf32>
      %parallel_loop3A_398 = arith.addf %parallel_loop3A_396, %parallel_loop3A_397 : vector<16xf32>
      %parallel_loop3A_399 = arith.mulf %parallel_loop3A_368, %sub3A_165 : vector<16xf32>
      %parallel_loop3A_400 = arith.addf %parallel_loop3A_398, %parallel_loop3A_399 : vector<16xf32>
      %parallel_loop3A_401 = arith.mulf %parallel_loop3A_372, %sub3A_205 : vector<16xf32>
      %parallel_loop3A_402 = arith.addf %parallel_loop3A_400, %parallel_loop3A_401 : vector<16xf32>
      %parallel_loop3A_403 = arith.index_cast %parallel_loop3A_348 : i32 to index
      %parallel_loop3A_404 = arith.constant 32 : index
      %parallel_loop3A_405 = tpu.vector_load %arg8[%parallel_loop3A_403, %parallel_loop3A_404] {strides = array<i32>} : memref<128x128xf32, #tpu.memory_space<vmem>>, vector<16xf32>,
      tpu.vector_store %arg8[%parallel_loop3A_403, %parallel_loop3A_404], %parallel_loop3A_402 {strides = array<i32>} : memref<128x128xf32, #tpu.memory_space<vmem>>, vector<16xf32>,
      %parallel_loop3A_406 = arith.mulf %parallel_loop3A_360, %sub3A_90 : vector<16xf32>
      %parallel_loop3A_407 = arith.addf %mul3A_58, %parallel_loop3A_406 : vector<16xf32>
      %parallel_loop3A_408 = arith.mulf %parallel_loop3A_364, %sub3A_130 : vector<16xf32>
      %parallel_loop3A_409 = arith.addf %parallel_loop3A_407, %parallel_loop3A_408 : vector<16xf32>
      %parallel_loop3A_410 = arith.mulf %parallel_loop3A_368, %sub3A_170 : vector<16xf32>
      %parallel_loop3A_411 = arith.addf %parallel_loop3A_409, %parallel_loop3A_410 : vector<16xf32>
      %parallel_loop3A_412 = arith.mulf %parallel_loop3A_372, %sub3A_210 : vector<16xf32>
      %parallel_loop3A_413 = arith.addf %parallel_loop3A_411, %parallel_loop3A_412 : vector<16xf32>
      %parallel_loop3A_414 = arith.index_cast %parallel_loop3A_348 : i32 to index
      %parallel_loop3A_415 = arith.constant 48 : index
      %parallel_loop3A_416 = tpu.vector_load %arg8[%parallel_loop3A_414, %parallel_loop3A_415] {strides = array<i32>} : memref<128x128xf32, #tpu.memory_space<vmem>>, vector<16xf32>,
      tpu.vector_store %arg8[%parallel_loop3A_414, %parallel_loop3A_415], %parallel_loop3A_413 {strides = array<i32>} : memref<128x128xf32, #tpu.memory_space<vmem>>, vector<16xf32>,
      %parallel_loop3A_417 = arith.mulf %parallel_loop3A_360, %sub3A_95 : vector<16xf32>
      %parallel_loop3A_418 = arith.addf %mul3A_61, %parallel_loop3A_417 : vector<16xf32>
      %parallel_loop3A_419 = arith.mulf %parallel_loop3A_364, %sub3A_135 : vector<16xf32>
      %parallel_loop3A_420 = arith.addf %parallel_loop3A_418, %parallel_loop3A_419 : vector<16xf32>
      %parallel_loop3A_421 = arith.mulf %parallel_loop3A_368, %sub3A_175 : vector<16xf32>
      %parallel_loop3A_422 = arith.addf %parallel_loop3A_420, %parallel_loop3A_421 : vector<16xf32>
      %parallel_loop3A_423 = arith.mulf %parallel_loop3A_372, %sub3A_215 : vector<16xf32>
      %parallel_loop3A_424 = arith.addf %parallel_loop3A_422, %parallel_loop3A_423 : vector<16xf32>
      %parallel_loop3A_425 = arith.index_cast %parallel_loop3A_348 : i32 to index
      %parallel_loop3A_426 = arith.constant 64 : index
      %parallel_loop3A_427 = tpu.vector_load %arg8[%parallel_loop3A_425, %parallel_loop3A_426] {strides = array<i32>} : memref<128x128xf32, #tpu.memory_space<vmem>>, vector<16xf32>,
      tpu.vector_store %arg8[%parallel_loop3A_425, %parallel_loop3A_426], %parallel_loop3A_424 {strides = array<i32>} : memref<128x128xf32, #tpu.memory_space<vmem>>, vector<16xf32>,
      %parallel_loop3A_428 = arith.mulf %parallel_loop3A_360, %sub3A_100 : vector<16xf32>
      %parallel_loop3A_429 = arith.addf %mul3A_64, %parallel_loop3A_428 : vector<16xf32>
      %parallel_loop3A_430 = arith.mulf %parallel_loop3A_364, %sub3A_140 : vector<16xf32>
      %parallel_loop3A_431 = arith.addf %parallel_loop3A_429, %parallel_loop3A_430 : vector<16xf32>
      %parallel_loop3A_432 = arith.mulf %parallel_loop3A_368, %sub3A_180 : vector<16xf32>
      %parallel_loop3A_433 = arith.addf %parallel_loop3A_431, %parallel_loop3A_432 : vector<16xf32>
      %parallel_loop3A_434 = arith.mulf %parallel_loop3A_372, %sub3A_220 : vector<16xf32>
      %parallel_loop3A_435 = arith.addf %parallel_loop3A_433, %parallel_loop3A_434 : vector<16xf32>
      %parallel_loop3A_436 = arith.index_cast %parallel_loop3A_348 : i32 to index
      %parallel_loop3A_437 = arith.constant 80 : index
      %parallel_loop3A_438 = tpu.vector_load %arg8[%parallel_loop3A_436, %parallel_loop3A_437] {strides = array<i32>} : memref<128x128xf32, #tpu.memory_space<vmem>>, vector<16xf32>,
      tpu.vector_store %arg8[%parallel_loop3A_436, %parallel_loop3A_437], %parallel_loop3A_435 {strides = array<i32>} : memref<128x128xf32, #tpu.memory_space<vmem>>, vector<16xf32>,
      %parallel_loop3A_439 = arith.mulf %parallel_loop3A_360, %sub3A_105 : vector<16xf32>
      %parallel_loop3A_440 = arith.addf %mul3A_67, %parallel_loop3A_439 : vector<16xf32>
      %parallel_loop3A_441 = arith.mulf %parallel_loop3A_364, %sub3A_145 : vector<16xf32>
      %parallel_loop3A_442 = arith.addf %parallel_loop3A_440, %parallel_loop3A_441 : vector<16xf32>
      %parallel_loop3A_443 = arith.mulf %parallel_loop3A_368, %sub3A_185 : vector<16xf32>
      %parallel_loop3A_444 = arith.addf %parallel_loop3A_442, %parallel_loop3A_443 : vector<16xf32>
      %parallel_loop3A_445 = arith.mulf %parallel_loop3A_372, %sub3A_225 : vector<16xf32>
      %parallel_loop3A_446 = arith.addf %parallel_loop3A_444, %parallel_loop3A_445 : vector<16xf32>
      %parallel_loop3A_447 = arith.index_cast %parallel_loop3A_348 : i32 to index
      %parallel_loop3A_448 = arith.constant 96 : index
      %parallel_loop3A_449 = tpu.vector_load %arg8[%parallel_loop3A_447, %parallel_loop3A_448] {strides = array<i32>} : memref<128x128xf32, #tpu.memory_space<vmem>>, vector<16xf32>,
      tpu.vector_store %arg8[%parallel_loop3A_447, %parallel_loop3A_448], %parallel_loop3A_446 {strides = array<i32>} : memref<128x128xf32, #tpu.memory_space<vmem>>, vector<16xf32>,
      %parallel_loop3A_450 = arith.mulf %parallel_loop3A_360, %sub3A_110 : vector<16xf32>
      %parallel_loop3A_451 = arith.addf %mul3A_70, %parallel_loop3A_450 : vector<16xf32>
      %parallel_loop3A_452 = arith.mulf %parallel_loop3A_364, %sub3A_150 : vector<16xf32>
      %parallel_loop3A_453 = arith.addf %parallel_loop3A_451, %parallel_loop3A_452 : vector<16xf32>
      %parallel_loop3A_454 = arith.mulf %parallel_loop3A_368, %sub3A_190 : vector<16xf32>
      %parallel_loop3A_455 = arith.addf %parallel_loop3A_453, %parallel_loop3A_454 : vector<16xf32>
      %parallel_loop3A_456 = arith.mulf %parallel_loop3A_372, %sub3A_230 : vector<16xf32>
      %parallel_loop3A_457 = arith.addf %parallel_loop3A_455, %parallel_loop3A_456 : vector<16xf32>
      %parallel_loop3A_458 = arith.index_cast %parallel_loop3A_348 : i32 to index
      %parallel_loop3A_459 = arith.constant 112 : index
      %parallel_loop3A_460 = tpu.vector_load %arg8[%parallel_loop3A_458, %parallel_loop3A_459] {strides = array<i32>} : memref<128x128xf32, #tpu.memory_space<vmem>>, vector<16xf32>,
      tpu.vector_store %arg8[%parallel_loop3A_458, %parallel_loop3A_459], %parallel_loop3A_457 {strides = array<i32>} : memref<128x128xf32, #tpu.memory_space<vmem>>, vector<16xf32>,
    } {sc.loop_unroll_factor = 2 : i64, sc.parallel_access}
    %mul3A_332 = arith.constant 512 : i32
    %mul3A_333 = arith.muli %add3A, %mul3A_332 : i32
    %add3A_334 = arith.constant 384 : i32
    %add3A_335 = arith.addi %mul3A_333, %add3A_334 : i32
    %dma_start3A_336 = arith.constant 0 : i32
    %dma_start3A_337 = tpu.memref_slice %arg4[%add3A_335, %dma_start3A_336] : memref<16384x128xf32, #tpu.memory_space<hbm>> -> memref<128x128xf32, #tpu.memory_space<hbm>>
    %dma_start3A_338 = arith.constant 0 : i32
    %dma_start3A_339 = tpu.memref_slice %arg4[%add3A_335, %dma_start3A_338] : memref<16384x128xf32, #tpu.memory_space<hbm>> -> memref<128x128xf32, #tpu.memory_space<hbm>>
    tpu.enqueue_dma source(%arg8 : memref<128x128xf32, #tpu.memory_space<vmem>>) target(%dma_start3A_339 : memref<128x128xf32, #tpu.memory_space<hbm>>) target_semaphore(%arg15 : memref<!tpu.dma_semaphore, #tpu.memory_space<semaphore_mem>>)
    %dma_wait3A_340 = arith.constant 0 : i32
    %dma_wait3A_341 = tpu.memref_slice %arg4[%add3A_313, %dma_wait3A_340] : memref<16384x128xf32, #tpu.memory_space<hbm>> -> memref<128x128xf32, #tpu.memory_space<hbm>>
    %dma_wait3A_342 = arith.constant 0 : i32
    %dma_wait3A_343 = tpu.memref_slice %arg4[%add3A_313, %dma_wait3A_342] : memref<16384x128xf32, #tpu.memory_space<hbm>> -> memref<128x128xf32, #tpu.memory_space<hbm>>
    tpu.wait_dma2 semaphore(%arg14 : memref<!tpu.dma_semaphore, #tpu.memory_space<semaphore_mem>>) src(%arg7 : memref<128x128xf32, #tpu.memory_space<vmem>>) dst(%dma_wait3A_343 : memref<128x128xf32, #tpu.memory_space<hbm>>)
    %dma_wait3A_344 = arith.constant 0 : i32
    %dma_wait3A_345 = tpu.memref_slice %arg4[%add3A_335, %dma_wait3A_344] : memref<16384x128xf32, #tpu.memory_space<hbm>> -> memref<128x128xf32, #tpu.memory_space<hbm>>
    %dma_wait3A_346 = arith.constant 0 : i32
    %dma_wait3A_347 = tpu.memref_slice %arg4[%add3A_335, %dma_wait3A_346] : memref<16384x128xf32, #tpu.memory_space<hbm>> -> memref<128x128xf32, #tpu.memory_space<hbm>>
    tpu.wait_dma2 semaphore(%arg15 : memref<!tpu.dma_semaphore, #tpu.memory_space<semaphore_mem>>) src(%arg8 : memref<128x128xf32, #tpu.memory_space<vmem>>) dst(%dma_wait3A_347 : memref<128x128xf32, #tpu.memory_space<hbm>>)
    return
  }
}

</mosaic_0001>

<sc_bundles>
// kernel: kernel.3.cloned.1.call-start
scs
__scs_entry_jumppad:
0x0: {  	(pc) =	sbr.rel $0x88, $3  }
0x1: {  	(tag) =	ssettag $0x0;
	lr =	simm.s32 $0x1  }
0x2: {  	[smem:$0x3F9F] =	sst lr;
	_ =	strace $0xD0000000  }
0x3: {  	_ = 	snop  }
0x4: {  	_ = 	snop  }
0x5: {  	_ = 	snop  }
0x6: {  	_ = 	snop  }
0x7: {  	_ = 	snop  }
__scs_overlays_trampoline_lowered:
0x8: {  	[smem:$0x3FAE] =	sst s0  }
0x9: {  	[smem:$0x3FAF] =	sst s1  }
0xa: {  	[smem:$0x3FB0] =	sst s2  }
0xb: {  	[smem:$0x3FB1] =	sst s3  }
0xc: {  	[smem:$0x3FB2] =	sst s4  }
0xd: {  	[smem:$0x3FB3] =	sst s5  }
0xe: {  	[smem:$0x3FB4] =	sst s6  }
0xf: {  	[smem:$0x3FB5] =	sst s7  }
0x10: {  	[smem:$0x3FB6] =	sst s8  }
0x11: {  	[smem:$0x3FB7] =	sst s9;
	s0 =	simm.s32 @!p0 $0x0  }
0x12: {  	s1 =	sld [smem:$0x3F9D];
	s0 =	simm.s32 @p0 $0x1  }
0x13: {  	[smem:$0x3FB8] =	sst s0;
	s0 =	simm.s32 @!p1 $0x0  }
0x14: {  	s2 =	sld [smem:$0x3F9C];
	s0 =	simm.s32 @p1 $0x1  }
0x15: {  	[smem:$0x3FB9] =	sst s0;
	s0 =	simm.s32 @!p2 $0x0  }
0x16: {  	s3 =	sld [smem:$0x3FDB];
	s0 =	simm.s32 @p2 $0x1  }
0x17: {  	s4 =	simm.s32 $0x1BF5;
	[smem:$0x3FBB] =	sst s0  }
0x18: {  	s0 =	sld [smem:$0x3F9E];
	_ =	swait.ge [sflag:s4], $0x0  }
0x19: {  	s7 =	sld [smem:$0x3F9F]  }
0x1a: {  	s8 =	sadd.s32 $0xFFFFE003, lr  }
0x1b: {  	s9 =	sadd.s32 $0xFFFFFEF7, lr;
	s5 =	simm.s32 $0xFFFFFFFF;
	p2 =	slt.u32 s8, $0xFFFFF086  }
0x1c: {  	p1 =	slt.u32 s9, $0xF7A;
	s5 =	simm.s32 @!p2 $0x0  }
0x1d: {  	s5 =	simm.s32 @p1 $0x1;
	p0 =	seq.s32 s7, s2  }
0x1e: {  	s7 =	smul.u32 @!p0 $0xF7A, s2;
	p2 =	seq.s32 @!p0 s5, $0x0  }
0x1f: {  	s9 =	smul.u32 $0xF7A, s1;
	s8 =	simm.s32 @!p0 $0x1BF5;
	p2 =	por !p2, p0  }
0x20: {  	[sflag:s8] =	ssyncset.s32 @!p0 $0xFFFFF086;
	s6 =	sadd.s32 @!p0 s3, s7;
	s7 =	simm.s32 @!p0 $0x108  }
0x21: {  	s3 =	sadd.s32 s3, s9;
	s6 =	sadd.s32 @!p0 $0x88, s6;
	s7 =	simm.s32 @p2 $0x1082  }
0x22: {  	[simem:s7], [sflag:s8] =	dma.local @!p0 [hbm:s6], $0xF7A  }
0x23: {  	s9 =	sor.u32 $0xD0000000, s2;
	s6 =	simm.s32 $0x108;
	_ =	swait.ge @!p0 [sflag:s8], $0x0  }
0x24: {  	s3 =	sadd.s32 $0x88, s3;
	s6 =	simm.s32 @!p1 $0x1082;
	[sflag:s4] =	ssyncset.s32 $0xFFFFF086  }
0x25: {  	[simem:s6], [sflag:s4] =	dma.local [hbm:s3], $0xF7A  }
0x26: {  	[smem:$0x3F9F] =	sst s1;
	(tag) =	ssettag s2;
	_ =	strace s9  }
0x27: {  	s1 =	sld [smem:$0x3FAF]  }
0x28: {  	s2 =	sld [smem:$0x3FB0]  }
0x29: {  	s4 =	sld [smem:$0x3FB2]  }
0x2a: {  	p0 =	seq.s32 s5, $0x0;
	s5 =	sld [smem:$0x3FB3]  }
0x2b: {  	s6 =	sld [smem:$0x3FB4]  }
0x2c: {  	s7 =	sld [smem:$0x3FB5]  }
0x2d: {  	s3 =	simm.s32 $0x108;
	s8 =	sld [smem:$0x3FB6]  }
0x2e: {  	s3 =	simm.s32 @!p0 $0x1082;
	s9 =	sld [smem:$0x3FB7]  }
0x2f: {  	lr =	sadd.s32 s0, s3;
	s0 =	sld [smem:$0x3FAE]  }
0x30: {  	s3 =	sld [smem:$0x3FB1]  }
0x31: {  	[smem:$0x3FBA] =	sst s10  }
0x32: {  	s10 =	sld [smem:$0x3FB8];
	_ =	sdelay $0x3  }
0x33: {  	p0 =	seq.s32 s10, $0x1;
	s10 =	sld [smem:$0x3FBA];
	_ =	sdelay $0x3  }
0x34: {  	[smem:$0x3FBA] =	sst s10  }
0x35: {  	s10 =	sld [smem:$0x3FB9];
	_ =	sdelay $0x3  }
0x36: {  	p1 =	seq.s32 s10, $0x1;
	s10 =	sld [smem:$0x3FBA];
	_ =	sdelay $0x3  }
0x37: {  	[smem:$0x3FBA] =	sst s10  }
0x38: {  	s10 =	sld [smem:$0x3FBB]  }
0x39: {  	_ = 	snop;
	(pc) =	sbr.ind lr, $3  }
0x3a: {  	_ = 	snop  }
0x3b: {  	_ = 	snop  }
0x3c: {  	p2 =	seq.s32 s10, $0x1;
	s10 =	sld [smem:$0x3FBA]  }
0x3d: {  	_ =	shalt  }
0x3e: {  	_ =	shalt  }
0x3f: {  	_ =	shalt  }
0x40: {  	_ =	shalt  }
0x41: {  	_ =	shalt  }
0x42: {  	_ =	shalt  }
0x43: {  	_ =	shalt  }
0x44: {  	_ =	shalt  }
0x45: {  	_ =	shalt  }
0x46: {  	_ =	shalt  }
0x47: {  	_ =	shalt  }
0x48: {  	_ =	shalt  }
0x49: {  	_ =	shalt  }
0x4a: {  	_ =	shalt  }
0x4b: {  	_ =	shalt  }
0x4c: {  	_ =	shalt  }
0x4d: {  	_ =	shalt  }
0x4e: {  	_ =	shalt  }
0x4f: {  	_ =	shalt  }
0x50: {  	_ =	shalt  }
0x51: {  	_ =	shalt  }
0x52: {  	_ =	shalt  }
0x53: {  	_ =	shalt  }
0x54: {  	_ =	shalt  }
0x55: {  	_ =	shalt  }
0x56: {  	_ =	shalt  }
0x57: {  	_ =	shalt  }
0x58: {  	_ =	shalt  }
0x59: {  	_ =	shalt  }
0x5a: {  	_ =	shalt  }
0x5b: {  	_ =	shalt  }
0x5c: {  	_ =	shalt  }
0x5d: {  	_ =	shalt  }
0x5e: {  	_ =	shalt  }
0x5f: {  	_ =	shalt  }
0x60: {  	_ =	shalt  }
0x61: {  	_ =	shalt  }
0x62: {  	_ =	shalt  }
0x63: {  	_ =	shalt  }
0x64: {  	_ =	shalt  }
0x65: {  	_ =	shalt  }
0x66: {  	_ =	shalt  }
0x67: {  	_ =	shalt  }
0x68: {  	_ =	shalt  }
0x69: {  	_ =	shalt  }
0x6a: {  	_ =	shalt  }
0x6b: {  	_ =	shalt  }
0x6c: {  	_ =	shalt  }
0x6d: {  	_ =	shalt  }
0x6e: {  	_ =	shalt  }
0x6f: {  	_ =	shalt  }
0x70: {  	_ =	shalt  }
0x71: {  	_ =	shalt  }
0x72: {  	_ =	shalt  }
0x73: {  	_ =	shalt  }
0x74: {  	_ =	shalt  }
0x75: {  	_ =	shalt  }
0x76: {  	_ =	shalt  }
0x77: {  	_ =	shalt  }
0x78: {  	_ =	shalt  }
0x79: {  	_ =	shalt  }
0x7a: {  	_ =	shalt  }
0x7b: {  	_ =	shalt  }
0x7c: {  	_ =	shalt  }
0x7d: {  	_ =	shalt  }
0x7e: {  	_ =	shalt  }
0x7f: {  	_ =	shalt  }
0x80: {  	_ =	shalt  }
0x81: {  	_ =	shalt  }
0x82: {  	_ =	shalt  }
0x83: {  	_ =	shalt  }
0x84: {  	_ =	shalt  }
0x85: {  	_ =	shalt  }
0x86: {  	_ =	shalt  }
0x87: {  	_ =	shalt  }
.Lfunc_end0:
.L_simem_size_0:
called_computation_lowered:
.L_overlay_start_0:
0x88: {  	s2 =	sld [smem:$0x3FD9]  }
0x89: {  	s3 =	sld [smem:$0x3FFE];
	_ =	sdelay $0x1  }
0x8a: {  	s1 =	srdreg.scid  }
0x8b: {  	s0 =	sand.u32 $0x1, s1  }
0x8c: {  	s18 =	sshll.u32 s0, $0xA;
	s2 =	sadd.s32 s3, s2  }
0x8d: {  	s2 =	sadd.s32 s2, s18  }
0x8e: {  	[smem:$0x3FC6] =	sst s2  }
0x8f: {  	_ = 	snop  }
0x90: {  	s2 =	sld [smem:$0x3FC9]  }
0x91: {  	s19 =	sld [smem:$0x3FC8]  }
0x92: {  	s4 =	sld [smem:$0x3FD0];
	(tm) =	ssettm $0x1  }
0x93: {  	s5 =	sld [smem:$0x3FFB];
	_ =	sdelay $0x3  }
0x94: {  	_ =	strace s5  }
0x95: {  	s5 =	sld [smem:$0x3FFC];
	_ =	sdelay $0x3  }
0x96: {  	_ =	strace s5  }
0x97: {  	s5 =	sld [smem:$0x3FFD];
	_ =	sdelay $0x3  }
0x98: {  	_ =	strace s5  }
0x99: {  	_ =	strace $0x8FFFFFFF  }
0x9a: {  	s20 =	sld [smem:$0x3FDB];
	_ =	sdelay $0x1  }
0x9b: {  	s6 =	simm.s32 $_scs_section_size  }
0x9c: {  	s7 =	simm.s32 $_size__tile_overlayer_lowered;
	s8 =	simm.s32 $_tile_overlayer_lowered  }
0x9d: {  	s23 =	simm.s32 $0x1BFF;
	s22 =	sshll.u32 s8, $0x1;
	s5 =	sadd.s32 s6, s20  }
0x9e: {  	s9 =	simm.s32 $0x0;
	s21 =	sshll.u32 s7, $0x1;
	s7 =	sadd.s32 s22, s5  }
0x9f: {  	[timem:s9], [sflag:s23] =	dma.local [hbm:s7], s21  }
0xa0: {  	_ =	swait.ge [sflag:s23], s21  }
0xa1: {  	s6 =	ssub.s32 $0x0, s21;
	[sflag:s23] =	ssyncset.done $0x0  }
0xa2: {  	[sflag:s23] =	ssyncadd.s32 s6;
	_ =	sdelay $0x1  }
0xa3: {  	s24 =	simm.s32 $0x1B8B  }
0xa4: {  	_ =	swait.ge [sflag:s24], $0x1  }
0xa5: {  	[sflag:s24] =	ssyncset.done $0x0  }
0xa6: {  	s25 =	simm.s32 $0x1B8E;
	[sflag:s24] =	ssyncadd.s32 $0xFFFFFFFF  }
0xa7: {  	s26 =	simm.s32 $execute0_lowered;
	[smem:$0x3FD2] =	sst s25  }
0xa8: {  	s6 =	sshll.u32 s26, $0x1;
	_ =	strace $0x80000046;
	[dreg:$0x1] =	wrdreg $0xFFFFFFFF  }
0xa9: {  	s28 =	simm.s32 $_size_execute0_lowered;
	s5 =	sadd.s32 s5, s6;
	[dreg:$0x0] =	wrdreg $0x0  }
0xaa: {  	s6 =	sshll.u32 s28, $0x1;
	[dreg:$0x2] =	wrdreg s5  }
0xab: {  	[dreg:$0x3] =	wrdreg s6  }
0xac: {  	[dreg:$0x4] =	wrdreg $0xC0  }
0xad: {  	_ =	task [dreg:s9], $0x5FFFF  }
0xae: {  	[dreg:$0x1] =	wrdreg $0xFFFFFFFF  }
0xaf: {  	[dreg:$0x0] =	wrdreg $0x60  }
0xb0: {  	[dreg:$0x2] =	wrdreg s2  }
0xb1: {  	[dreg:$0x3] =	wrdreg s19  }
0xb2: {  	[dreg:$0x4] =	wrdreg s4  }
0xb3: {  	[dreg:$0x5] =	wrdreg $0x9  }
0xb4: {  	_ =	task.clear_ibuf [dreg:s9], $0x6FFFF;
	_ =	strace $0x90000046  }
0xb5: {  	s29 =	simm.s32 $0x9;
	_ =	strace $0x80000048  }
0xb6: {  	_ =	swait.ge [sflag:s29], $0x1  }
0xb7: {  	[sflag:s29] =	ssyncadd.s32 $0xFFFFFFFF  }
0xb8: {  	_ =	strace $0x90000048  }
0xb9: {  	_ =	sfence  }
0xba: {  	s30 =	sld [smem:$0x0];
	_ =	sdelay $0x2  }
0xbb: {  	s31 =	sshll.u32 s1, $0xD;
	s1 =	sshrl.u32 s1, $0x2  }
0xbc: {  	s3 =	sand.u32 $0x4000, s31;
	s1 =	sadd.s32 s1, s30  }
0xbd: {  	s0 =	sor.u32 s3, s0;
	s1 =	sshll.u32 s1, $0x11  }
0xbe: {  	s0 =	sor.u32 s1, s0  }
0xbf: {  	s0 =	sadd.s32 $0x8F2B, s0  }
0xc0: {  	[sflag:s0] =	ssyncadd.remote.s32 $0x1  }
0xc1: {  	_ =	sfence.sel $0xFFFF  }
0xc2: {  	[dreg:$0x0] =	wrdreg $0xFFFFFFFF;
	(pc) =	sbr.abs _section_cstart, $3  }
0xc3: {  	[dreg:$0x1] =	wrdreg $0xFFFFFFFF  }
0xc4: {  	_ =	task.clear_ibuf [dreg:s9], $0x2FFFF;
	_ =	strace $0x9FFFFFFF  }
0xc5: {  	(tm) =	ssettm $0x7FFFFFFF  }
tec
execute0_lowered:
.L_overlay_start_1:
0x0: {  	(tag) =	ssettag $0x1  }
0x1: {  	s9 =	rddreg [dreg:$0x0]  }
0x2: {  	s1 =	rddreg [dreg:$0x1]  }
0x3: {  	s11 =	rddreg [dreg:$0x2]  }
0x4: {  	s2 =	srdreg.scid;
	s3 =	simm.s32 $0x0;
	s0 =	stileid.u32  }
0x5: {  	s15 =	simm.s32 $0x400;
	s16 =	simm.s32 $0x20000;
	s17 =	simm.s32 $0x6400  }
0x6: {  	s18 =	simm.s32 $0x1;
	s19 =	simm.s32 $0x14E00;
	s20 =	simm.s32 $0x14C00  }
0x7: {  	s21 =	simm.s32 $0xC800;
	s22 =	simm.s32 $0x2;
	s23 =	simm.s32 $0x10800  }
0x8: {  	s24 =	simm.s32 $0x3;
	s25 =	simm.s32 $0x4;
	s4 =	sand.u32 $0x1, s2  }
0x9: {  	s26 =	simm.s32 $0x0;
	[smem:$0x7FF] =	sst s3;
	s5 =	ssub.s32 $0x2, s4  }
0xa: {  	s7 =	sshll.u32 s0, $0xA;
	s4 =	sshll.u32 s4, $0x9;
	s6 =	sshrl.u32 s5, $0x1  }
0xb: {  	_ =	strace $0x80000047;
	s8 =	sor.u32 s4, s7;
	s12 =	ssub.s32 s5, s6  }
0xc: {  	v0 =	vimm.s32 $0x0;
	vm0 =	vcmask $0x704;
	s4 =	sadd.s32 s9, s8;
	s10 =	sor.u32 $0x80, s8;
	s29 =	sshll.u32 s8, $0x4  }
0xd: {  	vm13 =	vcmask $0xB08;
	v0 =	vsel vm0, $0x1, v0;
	s13 =	sor.u32 $0x100, s8;
	s14 =	sor.u32 $0x180, s8;
	s5 =	sadd.s32 s9, s10  }
0xe: {  	vm14 =	vcmask $0xF0C;
	v0 =	vsel vm13, $0x100, v0;
	s6 =	sadd.s32 s11, s29;
	s7 =	sadd.s32 s9, s13;
	s10 =	sshll.u32 s10, $0x4  }
0xf: {  	vm15 =	vcmask $0x1310;
	v0 =	vsel vm14, $0x10000, v0;
	s30 =	sshll.u32 s13, $0x4;
	s31 =	sshll.u32 s14, $0x4;
	s9 =	sadd.s32 s9, s14  }
0x10: {  	v0 =	vsel vm15, $0x1000000, v0;
	s12 =	smax.u32 s12, $0x1;
	s13 =	simm.s32 $0x14800;
	s14 =	simm.s32 $0x5  }
0x11: {  	[tilespmem:$0x1FFF0] =	vst v0;
	s8 =	sadd.s32 s11, s10;
	s10 =	sadd.s32 s11, s30;
	s11 =	sadd.s32 s11, s31  }
.LBB2_1:
0x12: {  	[tilespmem:s13], [sflag:$0x5] =	stream.linear.gather [hbm4b:s1+s3], $0x280, $0x38;
	[tilespmem:$0x14E80] =	vst v63  }
0x13: {  	_ =	swait.ge [sflag:s14], $0x280  }
0x14: {  	[sflag:s14] =	ssyncset.done $0x0  }
0x15: {  	v0 =	vld [tilespmem:$0x1FFF0];
	[sflag:s14] =	ssyncadd.s32 $0xFFFFFD80  }
0x16: {  	v23 =	vld [tilespmem:$0x14800]  }
0x17: {  	v24 =	vld [tilespmem:$0x14810]  }
0x18: {  	v19 =	vld [tilespmem:$0x14820]  }
0x19: {  	v20 =	vld [tilespmem:$0x14830]  }
0x1a: {  	v14 =	vld [tilespmem:$0x14840]  }
0x1b: {  	v16 =	vld [tilespmem:$0x14850]  }
0x1c: {  	v56 =	vld [tilespmem:$0x14860]  }
0x1d: {  	v41 =	vld [tilespmem:$0x14870]  }
0x1e: {  	v1 =	vld [tilespmem:$0x14880]  }
0x1f: {  	v2 =	vld [tilespmem:$0x14890]  }
0x20: {  	v3 =	vld [tilespmem:$0x148A0]  }
0x21: {  	v4 =	vld [tilespmem:$0x148B0]  }
0x22: {  	v6 =	vld [tilespmem:$0x148C0]  }
0x23: {  	v7 =	vld [tilespmem:$0x148D0]  }
0x24: {  	v9 =	vld [tilespmem:$0x148E0]  }
0x25: {  	v10 =	vld [tilespmem:$0x148F0]  }
0x26: {  	v12 =	vld [tilespmem:$0x14900]  }
0x27: {  	v13 =	vld [tilespmem:$0x14910]  }
0x28: {  	v17 =	vld [tilespmem:$0x14920]  }
0x29: {  	v18 =	vld [tilespmem:$0x14930]  }
0x2a: {  	v21 =	vld [tilespmem:$0x14940]  }
0x2b: {  	v22 =	vld [tilespmem:$0x14950]  }
0x2c: {  	v26 =	vld [tilespmem:$0x14960]  }
0x2d: {  	v27 =	vld [tilespmem:$0x14970]  }
0x2e: {  	v28 =	vld [tilespmem:$0x14980]  }
0x2f: {  	v29 =	vld [tilespmem:$0x14990]  }
0x30: {  	v31 =	vld [tilespmem:$0x149A0]  }
0x31: {  	v39 =	vld [tilespmem:$0x149B0]  }
0x32: {  	v33 =	vld [tilespmem:$0x149C0]  }
0x33: {  	v34 =	vld [tilespmem:$0x149D0]  }
0x34: {  	v36 =	vld [tilespmem:$0x149E0]  }
0x35: {  	v55 =	vld [tilespmem:$0x149F0]  }
0x36: {  	v25 =	vld [tilespmem:$0x14A00]  }
0x37: {  	v57 =	vld [tilespmem:$0x14A10]  }
0x38: {  	v58 =	vld [tilespmem:$0x14A20]  }
0x39: {  	v46 =	vld [tilespmem:$0x14A30]  }
0x3a: {  	v42 =	vld [tilespmem:$0x14A40]  }
0x3b: {  	v59 =	vld [tilespmem:$0x14A50]  }
0x3c: {  	v44 =	vld [tilespmem:$0x14A60];
	[tilespmem:$0x14E00] =	vst v0  }
0x3d: {  	v45 =	vld [tilespmem:$0x14A70];
	[tilespmem:s3], [sflag:$0x1] =	stream.strided.gather [hbm4b:s4+s15], $0x6400, s16, s15, $0x38  }
0x3e: {  	_ = 	snop  }
0x3f: {  	[tilespmem:s17], [sflag:$0x2] =	stream.strided.gather [hbm4b:s5+s15], $0x6400, s16, s15, $0x38;
	[tilespmem:$0x14E80] =	vst v63  }
0x40: {  	_ =	swait.ge [sflag:s18], $0x6400  }
0x41: {  	[sflag:s18] =	ssyncset.done $0x0  }
0x42: {  	s28 =	simm.s32 $0x100;
	s29 =	simm.s32 $0x0;
	[sflag:s18] =	ssyncadd.s32 $0xFFFF9C00  }
.LBB2_2:
0x43: {  	v0 =	vld [tilespmem:s28+$0x80];
	_ =	sdelay $0x1  }
0x44: {  	v5 =	vld [tilespmem:s28+$0xFFFFFF00]  }
0x45: {  	v11 =	vld [tilespmem:s28+$0xFFFFFF80]  }
0x46: {  	v30 =	vld [tilespmem:s28+$0x0];
	s31 =	sadd.s32 $0x200, s28  }
0x47: {  	v35 =	vld [tilespmem:s31+$0x80]  }
0x48: {  	v15 =	vld [tilespmem:s31+$0xFFFFFF80]  }
0x49: {  	v8 =	vld [tilespmem:s31+$0x0]  }
0x4a: {  	v47 =	vld.idx.msk [tilespmem:v0+s19+$0x0], $0xffff  }
0x4b: {  	v50 =	vld [tilespmem:s31+$0xFFFFFF00]  }
0x4c: {  	v48 =	vld.idx.msk [tilespmem:v5+s19+$0x0], $0xffff  }
0x4d: {  	v0 =	vld.idx.msk [tilespmem:v11+s19+$0x0], $0xffff  }
0x4e: {  	v11 =	vimm.s32 $0x0;
	v49 =	vld.idx.msk [tilespmem:v30+s19+$0x0], $0xffff  }
0x4f: {  	s30 =	simm.s32 $0x4;
	s31 =	sadd.s32 $0x200, s31;
	v30 =	vld.idx.msk [tilespmem:v35+s19+$0x0], $0xffff;
	v35 =	vimm.s32 $0x0;
	v5 =	vadd.s32 v11, v47;
	v47 =	vimm.s32 $0x0  }
.LBB2_3:
0x50: {  	v51 =	vld [tilespmem:s31+$0x80];
	s30 =	sadd.s32 $0x4, s30  }
0x51: {  	v11 =	vadd.s32 v11, v48;
	v52 =	vld [tilespmem:s31+$0xFFFFFF80];
	p0 =	slt.u32 s30, $0xC4  }
0x52: {  	v35 =	vadd.s32 v35, v0;
	v53 =	vld [tilespmem:s31+$0x0]  }
0x53: {  	v47 =	vadd.s32 v47, v49;
	v54 =	vld [tilespmem:s31+$0xFFFFFF00]  }
.Ltmp0:
0x54: {  	v48 =	vld.idx.msk [tilespmem:v50+s19+$0x0], $0xffff;
	(pc) =	sbr.rel @p0 .LBB2_3-.Ltmp0, $4  }
0x55: {  	v5 =	vadd.s32 v5, v30;
	v0 =	vld.idx.msk [tilespmem:v15+s19+$0x0], $0xffff  }
0x56: {  	v49 =	vld.idx.msk [tilespmem:v8+s19+$0x0], $0xffff;
	v15 =	vmov v52  }
0x57: {  	v8 =	vmov v53  }
0x58: {  	s31 =	sadd.s32 $0x200, s31;
	v30 =	vld.idx.msk [tilespmem:v51+s19+$0x0], $0xffff;
	v50 =	vmov v54  }
0x59: {  	_ =	sdelay $0x3  }
0x5a: {  	v50 =	vld.idx.msk [tilespmem:v50+s19+$0x0], $0xffff  }
0x5b: {  	v15 =	vld.idx.msk [tilespmem:v15+s19+$0x0], $0xffff  }
0x5c: {  	v8 =	vld.idx.msk [tilespmem:v8+s19+$0x0], $0xffff;
	_ =	sdelay $0x2  }
0x5d: {  	v11 =	vadd.s32 v11, v48;
	v0 =	vadd.s32 v35, v0  }
0x5e: {  	v63 =	vadd.s32 v47, v49;
	v11 =	vadd.s32 v11, v50;
	v0 =	vadd.s32 v0, v15  }
0x5f: {  	v8 =	vadd.s32 v63, v8;
	v0 =	vadd.s32 v11, v0  }
0x60: {  	v5 =	vadd.s32 v5, v30;
	v0 =	vadd.s32 v8, v0  }
0x61: {  	v0 =	vadd.s32 v5, v0  }
0x62: {  	s30 =	sshll.u32 s29, $0x6;
	s29 =	sadd.s32 $0x1, s29;
	v5 =	vand.u32 $0xFF, v0;
	v8 =	vshrl.u32 v0, $0x8  }
0x63: {  	p0 =	sne.s32 s29, $0x8;
	v11 =	vshrl.u32 v0, $0x10;
	v0 =	vshrl.u32 v0, $0x18;
	v5 =	vcvt.s32.f32 v5  }
.Ltmp1:
0x64: {  	s30 =	sand.u32 $0x3FFFFFC0, s30;
	v8 =	vand.u32 $0xFF, v8;
	v0 =	vcvt.s32.f32 v0;
	(pc) =	sbr.rel @p0 .LBB2_2-.Ltmp1, $4  }
0x65: {  	v11 =	vand.u32 $0xFF, v11;
	v8 =	vcvt.s32.f32 v8;
	[tilespmem:s30+$0x14C00] =	vst v5  }
0x66: {  	v5 =	vcvt.s32.f32 v11;
	[tilespmem:s30+$0x14C30] =	vst v0  }
0x67: {  	[tilespmem:s30+$0x14C10] =	vst v8  }
0x68: {  	s28 =	sadd.s32 $0x10, s28;
	[tilespmem:s30+$0x14C20] =	vst v5  }
0x69: {  	v0 =	vsub.f32 v1, v23;
	v52 =	vsub.f32 v2, v24  }
0x6a: {  	v32 =	vsub.f32 v3, v19;
	v2 =	vsub.f32 v4, v20  }
0x6b: {  	v35 =	vmul.f32 $2.000000000e+02, v23;
	v40 =	vsub.f32 v6, v14;
	v5 =	vsub.f32 v7, v16  }
0x6c: {  	v6 =	vmul.f32 $2.000000000e+02, v24;
	v7 =	vsub.f32 v9, v56;
	v8 =	vsub.f32 v10, v41;
	s28 =	simm.s32 $0x0;
	s30 =	simm.s32 $0x1  }
0x6d: {  	v9 =	vmul.f32 $2.000000000e+02, v19;
	v10 =	vsub.f32 v12, v23;
	v11 =	vsub.f32 v13, v24;
	s29 =	simm.s32 $0x0;
	s31 =	sand.u32 $0x1C0, s28;
	s30 =	sand.u32 $0xF, s30  }
0x6e: {  	v63 =	vmul.f32 $2.000000000e+02, v20;
	v30 =	vsub.f32 v17, v19;
	v3 =	vsub.f32 v18, v20;
	s0 =	sand.u32 $0xE, s29;
	s30 =	sor.u32 s30, s31  }
0x6f: {  	v4 =	vsub.f32 v21, v14;
	v13 =	vsub.f32 v28, v23;
	v12 =	vmovc v0;
	s0 =	sor.u32 s0, s31;
	v0 =	vmov s30  }
0x70: {  	v37 =	vsub.f32 v29, v24;
	v15 =	vsub.f32 v31, v19;
	v47 =	vmov s0  }
0x71: {  	v38 =	vmul.f32 $2.000000000e+02, v14;
	v1 =	vsub.f32 v33, v14;
	v17 =	vsub.f32 v55, v41  }
0x72: {  	v28 =	vsub.f32 v25, v23;
	v43 =	vmul.f32 $2.000000000e+02, v56;
	v31 =	vsub.f32 v45, v41  }
0x73: {  	v21 =	vmovc v7;
	v7 =	vsub.f32 v22, v16;
	v18 =	vmovc v8;
	v8 =	vsub.f32 v26, v56;
	v48 =	vor.u32 $0x10, v0  }
0x74: {  	v26 =	vsub.f32 v27, v41;
	v27 =	vsub.f32 v34, v16;
	v49 =	vor.u32 $0x20, v0;
	v50 =	vld.idx.msk [tilespmem:v0+s20+$0x0], $0xffff  }
0x75: {  	v33 =	vmovc v4;
	v22 =	vmul.f32 $2.000000000e+02, v16;
	v4 =	vsub.f32 v36, v56;
	v51 =	vld.idx.msk [tilespmem:v47+s20+$0x0], $0xffff;
	v0 =	vor.u32 $0x30, v0  }
0x76: {  	v29 =	vmovc v30;
	v23 =	vmovc v9;
	v36 =	vsub.f32 v58, v19;
	v9 =	vsub.f32 v42, v14;
	v42 =	vor.u32 $0x10, v47  }
0x77: {  	v19 =	vmovc v5;
	v5 =	vmul.f32 $2.000000000e+02, v41;
	v14 =	vsub.f32 v44, v56;
	v30 =	vmovc v3;
	v3 =	vsub.f32 v39, v20  }
0x78: {  	v34 =	vmovc v7;
	v39 =	vsub.f32 v57, v24;
	v24 =	vmov v10;
	v7 =	vsub.f32 v46, v20;
	v46 =	vld.idx.msk [tilespmem:v48+s20+$0x0], $0xffff  }
0x79: {  	v10 =	vsub.f32 v59, v16;
	v48 =	vld.idx.msk [tilespmem:v49+s20+$0x0], $0xffff;
	v44 =	vmul.f32 v50, v12;
	v59 =	vmul.f32 v50, v18  }
0x7a: {  	v16 =	vmov v2;
	v41 =	vld.idx.msk [tilespmem:v0+s20+$0x0], $0xffff;
	v0 =	vmul.f32 v51, v12;
	v60 =	vmul.f32 v51, v52  }
0x7b: {  	v42 =	vld.idx.msk [tilespmem:v42+s20+$0x0], $0xffff;
	v61 =	vmul.f32 v51, v32;
	v54 =	vmul.f32 v51, v16  }
0x7c: {  	v25 =	vmovc v11;
	v2 =	vor.u32 $0x30, v47;
	v55 =	vmul.f32 v51, v40;
	v56 =	vmul.f32 v51, v19  }
0x7d: {  	v11 =	vmovc v13;
	v13 =	vmovc v52;
	v49 =	vor.u32 $0x20, v47;
	v57 =	vmul.f32 v51, v21;
	v51 =	vmul.f32 v51, v18  }
0x7e: {  	v58 =	vmul.f32 v50, v13;
	v53 =	vmul.f32 v46, v26;
	v45 =	vadd.f32 v59, v5  }
0x7f: {  	v62 =	vmul.f32 v48, v17;
	v0 =	vadd.f32 v0, v35;
	v47 =	vadd.f32 v60, v6  }
0x80: {  	[tilespmem:$0x1FF20] =	vst v32;
	v52 =	vadd.f32 v61, v23;
	v59 =	vmul.f32 v50, v32;
	v32 =	vmul.f32 v42, v24  }
0x81: {  	v60 =	vmul.f32 v50, v16;
	v51 =	vadd.f32 v51, v5;
	v45 =	vadd.f32 v53, v45  }
0x82: {  	[tilespmem:$0x1FF30] =	vst v5;
	v61 =	vmul.f32 v50, v40;
	v44 =	vadd.f32 v44, v35;
	v5 =	vadd.f32 v32, v0  }
0x83: {  	v20 =	vmovc v6;
	v32 =	vmul.f32 v42, v29;
	v53 =	vmul.f32 v41, v31;
	v45 =	vadd.f32 v62, v45  }
0x84: {  	[tilespmem:$0x1FF40] =	vst v35;
	v58 =	vadd.f32 v58, v20;
	v35 =	vmul.f32 v42, v30;
	v59 =	vadd.f32 v59, v23  }
0x85: {  	[tilespmem:$0x1FF10] =	vst v18;
	v62 =	vmul.f32 v50, v19;
	v52 =	vadd.f32 v32, v52;
	v6 =	vadd.f32 v53, v45  }
0x86: {  	[tilespmem:$0x1FF50] =	vst v63;
	v50 =	vmul.f32 v50, v21;
	v45 =	vadd.f32 v54, v63;
	v53 =	vadd.f32 v55, v38  }
0x87: {  	v49 =	vld.idx.msk [tilespmem:v49+s20+$0x0], $0xffff;
	v55 =	vadd.f32 v56, v22;
	v56 =	vadd.f32 v57, v43;
	v57 =	vmul.f32 v42, v25  }
0x88: {  	v32 =	vmul.f32 v42, v33;
	v62 =	vadd.f32 v62, v22;
	v50 =	vadd.f32 v50, v43  }
0x89: {  	v54 =	vmul.f32 v46, v29;
	v18 =	vadd.f32 v57, v47;
	v57 =	vadd.f32 v60, v63  }
0x8a: {  	v60 =	vadd.f32 v61, v38;
	v0 =	vadd.f32 v35, v45;
	v35 =	vmul.f32 v42, v34  }
0x8b: {  	v53 =	vadd.f32 v32, v53;
	v63 =	vmul.f32 v42, v8;
	v42 =	vmul.f32 v42, v26  }
0x8c: {  	[tilespmem:$0x1FF60] =	vst v26;
	v32 =	vmul.f32 v46, v24;
	v26 =	vadd.f32 v54, v59;
	v54 =	vmul.f32 v49, v11  }
0x8d: {  	v55 =	vadd.f32 v35, v55;
	v61 =	vadd.f32 v63, v56;
	v35 =	vmul.f32 v46, v25  }
0x8e: {  	[tilespmem:$0x1FF70] =	vst v43;
	v43 =	vadd.f32 v42, v51;
	v63 =	vadd.f32 v32, v44;
	v56 =	vmul.f32 v46, v30  }
0x8f: {  	v42 =	vmul.f32 v46, v34;
	v32 =	vadd.f32 v35, v58;
	v58 =	vmul.f32 v46, v33  }
0x90: {  	v59 =	vmul.f32 v49, v1;
	v35 =	vmul.f32 v46, v8;
	v47 =	vadd.f32 v56, v57  }
0x91: {  	[tilespmem:$0x1FF80] =	vst v8;
	v45 =	vadd.f32 v42, v62;
	v46 =	vadd.f32 v58, v60;
	v60 =	vmul.f32 v49, v37  }
0x92: {  	v57 =	vadd.f32 v54, v5;
	v42 =	vld.idx.msk [tilespmem:v2+s20+$0x0], $0xffff;
	v2 =	vmul.f32 v48, v15;
	v58 =	vmul.f32 v49, v15  }
0x93: {  	v44 =	vadd.f32 v35, v50;
	v35 =	vmul.f32 v49, v3;
	v56 =	vadd.f32 v60, v18  }
0x94: {  	[tilespmem:$0x1FF90] =	vst v11;
	v60 =	vmul.f32 v49, v27;
	v50 =	vadd.f32 v58, v52;
	v58 =	vmul.f32 v49, v4  }
0x95: {  	[tilespmem:$0x1FFA0] =	vst v3;
	v49 =	vmul.f32 v49, v17;
	v54 =	vadd.f32 v35, v0;
	v35 =	vmul.f32 v48, v11  }
0x96: {  	[tilespmem:$0x1FFB0] =	vst v1;
	v52 =	vadd.f32 v59, v53;
	v0 =	vmul.f32 v48, v37;
	v59 =	vmul.f32 v48, v27  }
0x97: {  	[tilespmem:$0x1FFC0] =	vst v4;
	v62 =	vmul.f32 v42, v36;
	v55 =	vadd.f32 v60, v55;
	v51 =	vadd.f32 v58, v61  }
0x98: {  	s30 =	simm.s32 $0xC880;
	[tilespmem:$0x1FFD0] =	vst v28;
	v61 =	vmul.f32 v48, v3;
	v53 =	vadd.f32 v49, v43;
	v60 =	vmul.f32 v48, v1  }
0x99: {  	[tilespmem:s30+$0x70] =	vst v6;
	v43 =	vadd.f32 v35, v63;
	v58 =	vmul.f32 v48, v4;
	v49 =	vadd.f32 v0, v32  }
0x9a: {  	[tilespmem:$0x1FFE0] =	vst v13;
	v0 =	vmul.f32 v42, v28;
	v63 =	vmul.f32 v42, v39;
	v48 =	vadd.f32 v2, v26  }
.LBB2_6:
0x9b: {  	s0 =	sadd.s32 $0x3, s29;
	s28 =	sadd.s32 $0x8, s28  }
0x9c: {  	s29 =	sadd.s32 $0x2, s29;
	s31 =	sand.u32 $0x1C0, s28;
	s0 =	sand.u32 $0xF, s0  }
0x9d: {  	s2 =	sand.u32 $0xE, s29;
	s0 =	sor.u32 s0, s31  }
0x9e: {  	v47 =	vadd.f32 v61, v47;
	s2 =	sor.u32 s2, s31;
	v61 =	vmov s0  }
0x9f: {  	v45 =	vadd.f32 v59, v45;
	v0 =	vadd.f32 v0, v57;
	v59 =	vmov s2  }
0xa0: {  	v1 =	vmul.f32 v42, v7;
	v6 =	vmul.f32 v41, v39  }
0xa1: {  	v28 =	vld [tilespmem:$0x1FFD0];
	v32 =	vmovc v7;
	v7 =	vmul.f32 v41, v7;
	v46 =	vadd.f32 v60, v46;
	[tilespmem:s30+$0xFFFFFF80] =	vst v0;
	v0 =	vor.u32 $0x10, v61  }
0xa2: {  	v60 =	vmul.f32 v42, v9;
	v1 =	vadd.f32 v1, v54;
	v54 =	vld [tilespmem:$0x1FF40];
	v2 =	vor.u32 $0x10, v59  }
0xa3: {  	v56 =	vadd.f32 v63, v56;
	v50 =	vadd.f32 v62, v50;
	v8 =	vor.u32 $0x20, v61;
	v11 =	vld.idx.msk [tilespmem:v61+s20+$0x0], $0xffff  }
0xa4: {  	v3 =	vor.u32 $0x20, v59;
	v4 =	vor.u32 $0x30, v59;
	v35 =	vor.u32 $0x30, v61;
	v59 =	vld.idx.msk [tilespmem:v59+s20+$0x0], $0xffff  }
0xa5: {  	v44 =	vadd.f32 v58, v44;
	v57 =	vmul.f32 v42, v10;
	v58 =	vmul.f32 v42, v14;
	[tilespmem:s30+$0xFFFFFF90] =	vst v56;
	v56 =	vld [tilespmem:$0x1FF60]  }
0xa6: {  	v42 =	vmul.f32 v42, v31;
	v5 =	vmul.f32 v41, v28;
	[tilespmem:s30+$0xFFFFFFA0] =	vst v50;
	v0 =	vld.idx.msk [tilespmem:v0+s20+$0x0], $0xffff  }
0xa7: {  	v18 =	vmov v9;
	v63 =	vmul.f32 v41, v36;
	v9 =	vmul.f32 v41, v9;
	v2 =	vld.idx.msk [tilespmem:v2+s20+$0x0], $0xffff  }
0xa8: {  	v26 =	vmov v10;
	v52 =	vadd.f32 v60, v52;
	[tilespmem:s30+$0xFFFFFFB0] =	vst v1;
	v1 =	vadd.f32 v5, v43;
	v43 =	vld.idx.msk [tilespmem:v8+s20+$0x0], $0xffff  }
0xa9: {  	v10 =	vmul.f32 v41, v10;
	v62 =	vmul.f32 v41, v14;
	v55 =	vadd.f32 v57, v55;
	v41 =	vld.idx.msk [tilespmem:v35+s20+$0x0], $0xffff  }
0xaa: {  	v57 =	vadd.f32 v58, v51;
	v51 =	vadd.f32 v42, v53;
	[tilespmem:s30+$0xFFFFFFC0] =	vst v52;
	v52 =	vld [tilespmem:$0x1FF10]  }
0xab: {  	v5 =	vadd.f32 v6, v49;
	v8 =	vadd.f32 v9, v46;
	v35 =	vld [tilespmem:$0x1FF20]  }
0xac: {  	v9 =	vadd.f32 v10, v45;
	v3 =	vld.idx.msk [tilespmem:v3+s20+$0x0], $0xffff;
	[tilespmem:s30+$0xFFFFFFD0] =	vst v55;
	v10 =	vmul.f32 v11, v12  }
0xad: {  	v6 =	vadd.f32 v63, v48;
	v42 =	vld.idx.msk [tilespmem:v4+s20+$0x0], $0xffff;
	v4 =	vmul.f32 v59, v12;
	v60 =	vmul.f32 v59, v13  }
0xae: {  	[tilespmem:s30+$0x0] =	vst v1;
	v49 =	vmul.f32 v59, v16;
	v63 =	vmul.f32 v59, v40  }
0xaf: {  	[tilespmem:s30+$0x20] =	vst v6;
	v1 =	vmul.f32 v59, v19;
	v6 =	vmul.f32 v11, v13  }
0xb0: {  	v7 =	vadd.f32 v7, v47;
	[tilespmem:s30+$0x40] =	vst v8;
	v8 =	vmul.f32 v11, v40;
	v58 =	vmul.f32 v11, v52  }
0xb1: {  	v44 =	vadd.f32 v62, v44;
	v55 =	vld [tilespmem:$0x1FF30];
	[tilespmem:s30+$0xFFFFFFE0] =	vst v57;
	v61 =	vmul.f32 v59, v35;
	v62 =	vmul.f32 v0, v56  }
0xb2: {  	[tilespmem:s30+$0xFFFFFFF0] =	vst v51;
	v57 =	vmul.f32 v43, v17;
	v51 =	vmul.f32 v59, v52;
	v4 =	vadd.f32 v4, v54  }
0xb3: {  	[tilespmem:s30+$0x10] =	vst v5;
	v5 =	vadd.f32 v60, v20;
	v60 =	vmul.f32 v11, v35;
	v48 =	vadd.f32 v63, v38  }
0xb4: {  	v63 =	vmul.f32 v2, v24;
	v1 =	vadd.f32 v1, v22;
	v10 =	vadd.f32 v10, v54  }
0xb5: {  	v13 =	vld [tilespmem:$0x1FF50];
	v6 =	vadd.f32 v6, v20;
	v8 =	vadd.f32 v8, v38;
	v35 =	vmul.f32 v0, v25  }
0xb6: {  	v54 =	vmul.f32 v0, v34;
	v45 =	vadd.f32 v58, v55;
	v58 =	vmul.f32 v59, v21  }
0xb7: {  	[tilespmem:s30+$0x30] =	vst v7;
	v59 =	vmul.f32 v41, v31;
	v7 =	vadd.f32 v61, v23;
	v61 =	vmul.f32 v11, v16  }
0xb8: {  	v47 =	vadd.f32 v60, v23;
	v60 =	vmul.f32 v2, v30;
	v4 =	vadd.f32 v63, v4  }
0xb9: {  	v6 =	vadd.f32 v35, v6;
	v45 =	vadd.f32 v62, v45;
	v62 =	vmul.f32 v11, v19  }
0xba: {  	[tilespmem:s30+$0x50] =	vst v9;
	v9 =	vadd.f32 v49, v13;
	v11 =	vmul.f32 v11, v21;
	v52 =	vadd.f32 v61, v13;
	v13 =	vld [tilespmem:$0x1FF80]  }
0xbb: {  	v49 =	vadd.f32 v51, v55;
	v61 =	vmul.f32 v2, v33;
	v45 =	vadd.f32 v57, v45;
	v57 =	vld [tilespmem:$0x1FF70]  }
0xbc: {  	v51 =	vmul.f32 v0, v30;
	v53 =	vadd.f32 v62, v22;
	v62 =	vmul.f32 v2, v34  }
0xbd: {  	v9 =	vadd.f32 v60, v9;
	v45 =	vadd.f32 v59, v45;
	v59 =	vmul.f32 v2, v29  }
0xbe: {  	[tilespmem:s30+$0x60] =	vst v44;
	s30 =	sadd.s32 $0x100, s30;
	v55 =	vmul.f32 v3, v37;
	v48 =	vadd.f32 v61, v48;
	v1 =	vadd.f32 v62, v1  }
0xbf: {  	v60 =	vld [tilespmem:$0x1FFA0];
	v63 =	vmul.f32 v2, v13;
	[tilespmem:s30+$0x70] =	vst v45;
	v45 =	vmul.f32 v0, v24;
	v7 =	vadd.f32 v59, v7  }
0xc0: {  	v46 =	vadd.f32 v58, v57;
	v58 =	vmul.f32 v2, v25;
	v2 =	vmul.f32 v2, v56  }
0xc1: {  	v11 =	vadd.f32 v11, v57;
	v56 =	vmul.f32 v0, v29;
	v57 =	vmul.f32 v0, v33  }
0xc2: {  	v0 =	vmul.f32 v0, v13;
	v13 =	vld [tilespmem:$0x1FF90];
	v10 =	vadd.f32 v45, v10;
	v45 =	vadd.f32 v54, v53  }
0xc3: {  	v35 =	vmovc v14;
	v59 =	vmul.f32 v43, v27;
	v5 =	vadd.f32 v58, v5;
	v62 =	vadd.f32 v63, v46  }
0xc4: {  	v14 =	vmovc v12;
	v61 =	vmul.f32 v43, v60;
	v12 =	vadd.f32 v56, v47;
	v47 =	vadd.f32 v51, v52;
	v51 =	vld [tilespmem:$0x1FFB0]  }
0xc5: {  	v2 =	vadd.f32 v2, v49;
	v49 =	vmul.f32 v3, v15;
	v44 =	vadd.f32 v0, v11;
	v0 =	vld [tilespmem:$0x1FFC0]  }
0xc6: {  	v63 =	vmul.f32 v3, v60;
	v46 =	vadd.f32 v57, v8;
	v56 =	vadd.f32 v55, v5  }
0xc7: {  	v50 =	vadd.f32 v49, v7;
	v7 =	vmul.f32 v43, v37;
	v58 =	vmul.f32 v3, v13  }
0xc8: {  	v54 =	vadd.f32 v63, v9;
	v5 =	vmul.f32 v43, v13;
	v13 =	vmul.f32 v43, v15  }
0xc9: {  	p0 =	slt.u32 s29, $0x7E;
	v8 =	vmul.f32 v3, v51;
	v57 =	vadd.f32 v58, v4;
	v4 =	vmul.f32 v3, v27  }
.Ltmp2:
0xca: {  	v49 =	vadd.f32 v7, v6;
	v11 =	vmul.f32 v3, v0;
	v3 =	vmul.f32 v3, v17;
	(pc) =	sbr.rel @p0 .LBB2_6-.Ltmp2, $4  }
0xcb: {  	v60 =	vmul.f32 v43, v51;
	v58 =	vmul.f32 v43, v0;
	v43 =	vadd.f32 v5, v10  }
0xcc: {  	v9 =	vmovc v18;
	v63 =	vmul.f32 v42, v39;
	v52 =	vadd.f32 v8, v48;
	v55 =	vadd.f32 v4, v1  }
0xcd: {  	v0 =	vmul.f32 v42, v28;
	v10 =	vmovc v26;
	v51 =	vadd.f32 v11, v62;
	v53 =	vadd.f32 v3, v2  }
0xce: {  	v7 =	vmovc v32;
	v62 =	vmul.f32 v42, v36;
	v48 =	vadd.f32 v13, v12;
	v12 =	vmovc v14;
	v14 =	vmov v35;
	v13 =	vld [tilespmem:$0x1FFE0]  }
0xcf: {  	[tilespmem:$0x1FDE0] =	vst v17  }
0xd0: {  	[tilespmem:$0x1FDF0] =	vst v22  }
0xd1: {  	[tilespmem:$0x1FE00] =	vst v27  }
0xd2: {  	[tilespmem:$0x1FE10] =	vst v15  }
0xd3: {  	[tilespmem:$0x1FE20] =	vst v38  }
0xd4: {  	[tilespmem:$0x1FE30] =	vst v37  }
0xd5: {  	[tilespmem:$0x1FE40] =	vst v34  }
0xd6: {  	[tilespmem:$0x1FE50] =	vst v30  }
0xd7: {  	[tilespmem:$0x1FE60] =	vst v29  }
0xd8: {  	[tilespmem:$0x1FE70] =	vst v25  }
0xd9: {  	[tilespmem:$0x1FE80] =	vst v24  }
0xda: {  	[tilespmem:$0x1FE90] =	vst v23  }
0xdb: {  	[tilespmem:$0x1FEA0] =	vst v21  }
0xdc: {  	[tilespmem:$0x1FEB0] =	vst v20  }
0xdd: {  	[tilespmem:$0x1FEC0] =	vst v19  }
0xde: {  	[tilespmem:$0x1FED0] =	vst v40;
	v0 =	vadd.f32 v0, v57  }
0xdf: {  	[tilespmem:$0x1FEE0] =	vst v16;
	v1 =	vmul.f32 v42, v7;
	v2 =	vadd.f32 v63, v56  }
0xe0: {  	v3 =	vmul.f32 v42, v9;
	v38 =	vadd.f32 v62, v50;
	[tilespmem:s30+$0xFFFFFF80] =	vst v0  }
0xe1: {  	v1 =	vadd.f32 v1, v54;
	[tilespmem:s30+$0xFFFFFF90] =	vst v2  }
0xe2: {  	v4 =	vmul.f32 v42, v10;
	v3 =	vadd.f32 v3, v52;
	[tilespmem:s30+$0xFFFFFFA0] =	vst v38  }
0xe3: {  	[tilespmem:s30+$0xFFFFFFB0] =	vst v1  }
0xe4: {  	v40 =	vmul.f32 v42, v14;
	v4 =	vadd.f32 v4, v55;
	v38 =	vld [tilespmem:$0x1FFD0];
	[tilespmem:s30+$0xFFFFFFC0] =	vst v3  }
0xe5: {  	v50 =	vmul.f32 v42, v31;
	[tilespmem:$0x1FEF0] =	vst v39  }
0xe6: {  	v2 =	vadd.f32 v40, v51;
	v54 =	vmul.f32 v41, v39;
	[tilespmem:s30+$0xFFFFFFD0] =	vst v4  }
0xe7: {  	v56 =	vadd.f32 v61, v47;
	v55 =	vmul.f32 v41, v36;
	v0 =	vadd.f32 v50, v53;
	[tilespmem:$0x1FF00] =	vst v36  }
0xe8: {  	v61 =	vadd.f32 v58, v44;
	v62 =	vmul.f32 v41, v14;
	v3 =	vadd.f32 v54, v49;
	[tilespmem:s30+$0xFFFFFFE0] =	vst v2  }
0xe9: {  	v5 =	vmul.f32 v41, v7;
	v4 =	vadd.f32 v55, v48;
	[tilespmem:s30+$0xFFFFFFF0] =	vst v0  }
0xea: {  	v63 =	vadd.f32 v62, v61;
	[tilespmem:s30+$0x10] =	vst v3;
	v52 =	vmul.f32 v41, v38  }
0xeb: {  	v57 =	vadd.f32 v60, v46;
	v6 =	vmul.f32 v41, v9;
	v2 =	vadd.f32 v5, v56;
	[tilespmem:s30+$0x20] =	vst v4  }
0xec: {  	v59 =	vadd.f32 v59, v45;
	v60 =	vmul.f32 v41, v10;
	[tilespmem:s30+$0x60] =	vst v63;
	v1 =	vadd.f32 v52, v43  }
0xed: {  	v0 =	vadd.f32 v6, v57;
	[tilespmem:s30+$0x30] =	vst v2  }
0xee: {  	[tilespmem:s30+$0x0] =	vst v1;
	v1 =	vadd.f32 v60, v59  }
0xef: {  	[tilespmem:s30+$0x40] =	vst v0  }
0xf0: {  	s28 =	simm.s32 $0x0;
	[tilespmem:s30+$0x50] =	vst v1  }
0xf1: {  	[hbm4b:s6+s28] =	stream.linear.scatter [tilespmem:s21], [sflag:$0x3], $0x4000, $0x38;
	[tilespmem:$0x14E80] =	vst v63  }
0xf2: {  	_ = 	snop  }
0xf3: {  	[tilespmem:s28], [sflag:$0x1] =	stream.strided.gather [hbm4b:s7+s15], $0x6400, s16, s15, $0x38;
	[tilespmem:$0x14E80] =	vst v63  }
0xf4: {  	_ =	swait.ge [sflag:s22], $0x6400  }
0xf5: {  	v29 =	vld [tilespmem:$0x1FFA0]  }
0xf6: {  	v15 =	vld [tilespmem:$0x1FFB0]  }
0xf7: {  	v14 =	vld [tilespmem:$0x1FFC0]  }
0xf8: {  	v16 =	vld [tilespmem:$0x1FF70]  }
0xf9: {  	v17 =	vld [tilespmem:$0x1FF30]  }
0xfa: {  	v39 =	vld [tilespmem:$0x1FF60]  }
0xfb: {  	v40 =	vld [tilespmem:$0x1FF90]  }
0xfc: {  	v37 =	vld [tilespmem:$0x1FF80]  }
0xfd: {  	v20 =	vld [tilespmem:$0x1FF20]  }
0xfe: {  	v28 =	vld [tilespmem:$0x1FF50]  }
0xff: {  	[sflag:s22] =	ssyncset.done $0x0;
	v22 =	vld [tilespmem:$0x1FF10]  }
0x100: {  	s29 =	simm.s32 $0x6500;
	v19 =	vld [tilespmem:$0x1FF40];
	[sflag:s22] =	ssyncadd.s32 $0xFFFF9C00  }
.LBB2_8:
0x101: {  	v0 =	vld [tilespmem:s29+$0x80];
	_ =	sdelay $0x1  }
0x102: {  	v1 =	vld [tilespmem:s29+$0xFFFFFF00]  }
0x103: {  	v2 =	vld [tilespmem:s29+$0xFFFFFF80]  }
0x104: {  	v3 =	vld [tilespmem:s29+$0x0];
	s0 =	sadd.s32 $0x200, s29  }
0x105: {  	v4 =	vld [tilespmem:s0+$0x80]  }
0x106: {  	v44 =	vld [tilespmem:s0+$0xFFFFFF80]  }
0x107: {  	v42 =	vld [tilespmem:s0+$0x0]  }
0x108: {  	v0 =	vld.idx.msk [tilespmem:v0+s19+$0x0], $0xffff  }
0x109: {  	v50 =	vld [tilespmem:s0+$0xFFFFFF00]  }
0x10a: {  	v48 =	vld.idx.msk [tilespmem:v1+s19+$0x0], $0xffff  }
0x10b: {  	v45 =	vld.idx.msk [tilespmem:v2+s19+$0x0], $0xffff  }
0x10c: {  	v43 =	vimm.s32 $0x0;
	v49 =	vld.idx.msk [tilespmem:v3+s19+$0x0], $0xffff  }
0x10d: {  	s30 =	simm.s32 $0x4;
	v46 =	vimm.s32 $0x0;
	v47 =	vimm.s32 $0x0;
	s31 =	sadd.s32 $0x200, s0;
	v41 =	vadd.s32 v43, v0;
	v0 =	vld.idx.msk [tilespmem:v4+s19+$0x0], $0xffff  }
.LBB2_9:
0x10e: {  	v1 =	vld [tilespmem:s31+$0x80];
	s30 =	sadd.s32 $0x4, s30  }
0x10f: {  	v43 =	vadd.s32 v43, v48;
	v2 =	vld [tilespmem:s31+$0xFFFFFF80];
	p0 =	slt.u32 s30, $0xC4  }
0x110: {  	v46 =	vadd.s32 v46, v45;
	v3 =	vld [tilespmem:s31+$0x0]  }
0x111: {  	v47 =	vadd.s32 v47, v49;
	v4 =	vld [tilespmem:s31+$0xFFFFFF00]  }
.Ltmp3:
0x112: {  	v48 =	vld.idx.msk [tilespmem:v50+s19+$0x0], $0xffff;
	(pc) =	sbr.rel @p0 .LBB2_9-.Ltmp3, $4  }
0x113: {  	v41 =	vadd.s32 v41, v0;
	v45 =	vld.idx.msk [tilespmem:v44+s19+$0x0], $0xffff  }
0x114: {  	v49 =	vld.idx.msk [tilespmem:v42+s19+$0x0], $0xffff;
	v44 =	vmov v2  }
0x115: {  	v42 =	vmov v3  }
0x116: {  	s31 =	sadd.s32 $0x200, s31;
	v0 =	vld.idx.msk [tilespmem:v1+s19+$0x0], $0xffff;
	v50 =	vmov v4  }
0x117: {  	_ =	sdelay $0x3  }
0x118: {  	v1 =	vld.idx.msk [tilespmem:v50+s19+$0x0], $0xffff  }
0x119: {  	v2 =	vld.idx.msk [tilespmem:v44+s19+$0x0], $0xffff  }
0x11a: {  	v3 =	vld.idx.msk [tilespmem:v42+s19+$0x0], $0xffff;
	_ =	sdelay $0x2  }
0x11b: {  	v4 =	vadd.s32 v43, v48;
	v5 =	vadd.s32 v46, v45  }
0x11c: {  	v6 =	vadd.s32 v47, v49;
	v1 =	vadd.s32 v4, v1;
	v2 =	vadd.s32 v5, v2  }
0x11d: {  	v3 =	vadd.s32 v6, v3;
	v1 =	vadd.s32 v1, v2  }
0x11e: {  	v0 =	vadd.s32 v41, v0;
	v1 =	vadd.s32 v3, v1  }
0x11f: {  	v0 =	vadd.s32 v0, v1  }
0x120: {  	s0 =	sshll.u32 s28, $0x6;
	s28 =	sadd.s32 $0x1, s28;
	v1 =	vand.u32 $0xFF, v0;
	v61 =	vshrl.u32 v0, $0x8  }
0x121: {  	p0 =	sne.s32 s28, $0x8;
	v62 =	vshrl.u32 v0, $0x10;
	v0 =	vshrl.u32 v0, $0x18;
	v1 =	vcvt.s32.f32 v1  }
.Ltmp4:
0x122: {  	s0 =	sand.u32 $0x3FFFFFC0, s0;
	v2 =	vand.u32 $0xFF, v61;
	v0 =	vcvt.s32.f32 v0;
	(pc) =	sbr.rel @p0 .LBB2_8-.Ltmp4, $4  }
0x123: {  	v3 =	vand.u32 $0xFF, v62;
	v2 =	vcvt.s32.f32 v2;
	[tilespmem:s0+$0x14C00] =	vst v1  }
0x124: {  	v63 =	vcvt.s32.f32 v3;
	[tilespmem:s0+$0x14C30] =	vst v0  }
0x125: {  	[tilespmem:s0+$0x14C10] =	vst v2  }
0x126: {  	s29 =	sadd.s32 $0x10, s29;
	[tilespmem:s0+$0x14C20] =	vst v63  }
0x127: {  	s28 =	simm.s32 $0x0;
	s0 =	simm.s32 $0x1  }
0x128: {  	s29 =	simm.s32 $0x0;
	s2 =	sand.u32 $0x1C0, s28;
	s0 =	sand.u32 $0xF, s0  }
0x129: {  	s30 =	sand.u32 $0xE, s29;
	s0 =	sor.u32 s0, s2  }
0x12a: {  	s2 =	sor.u32 s30, s2;
	v0 =	vmov s0  }
0x12b: {  	v1 =	vmov s2;
	_ =	sdelay $0x1  }
0x12c: {  	v30 =	vld [tilespmem:$0x1FED0];
	v2 =	vor.u32 $0x10, v0  }
0x12d: {  	v34 =	vld [tilespmem:$0x1FDE0];
	v3 =	vor.u32 $0x20, v0  }
0x12e: {  	v4 =	vld.idx.msk [tilespmem:v0+s20+$0x0], $0xffff;
	v0 =	vor.u32 $0x30, v0  }
0x12f: {  	v5 =	vld.idx.msk [tilespmem:v1+s20+$0x0], $0xffff  }
0x130: {  	v21 =	vld [tilespmem:$0x1FEB0]  }
0x131: {  	v2 =	vld.idx.msk [tilespmem:v2+s20+$0x0], $0xffff  }
0x132: {  	v3 =	vld.idx.msk [tilespmem:v3+s20+$0x0], $0xffff  }
0x133: {  	v6 =	vor.u32 $0x10, v1;
	v41 =	vld.idx.msk [tilespmem:v0+s20+$0x0], $0xffff  }
0x134: {  	v25 =	vmov v20;
	v11 =	vmul.f32 v5, v20;
	v20 =	vld [tilespmem:$0x1FEC0]  }
0x135: {  	v24 =	vmov v22;
	v9 =	vmul.f32 v4, v22;
	v22 =	vld [tilespmem:$0x1FEA0]  }
0x136: {  	v8 =	vmul.f32 v4, v12;
	v46 =	vmul.f32 v4, v25;
	v25 =	vld [tilespmem:$0x1FE80]  }
0x137: {  	v27 =	vmov v13;
	[tilespmem:$0x1FD80] =	vst v12;
	v42 =	vmul.f32 v5, v30;
	v48 =	vmul.f32 v4, v30;
	v30 =	vld [tilespmem:$0x1FE60]  }
0x138: {  	v0 =	vmul.f32 v5, v12;
	v12 =	vmul.f32 v2, v39;
	v6 =	vld.idx.msk [tilespmem:v6+s20+$0x0], $0xffff;
	v9 =	vadd.f32 v9, v17  }
0x139: {  	v7 =	vor.u32 $0x20, v1;
	v10 =	vmul.f32 v5, v13;
	v45 =	vmul.f32 v4, v27;
	[tilespmem:$0x1FDA0] =	vst v26;
	v26 =	vld [tilespmem:$0x1FE70]  }
0x13a: {  	v36 =	vld [tilespmem:$0x1FDF0];
	v58 =	vmul.f32 v2, v33;
	v9 =	vadd.f32 v12, v9;
	v12 =	vmul.f32 v3, v34  }
0x13b: {  	v1 =	vor.u32 $0x30, v1;
	[tilespmem:$0x1FDB0] =	vst v35;
	v35 =	vld [tilespmem:$0x1FE40];
	v43 =	vmul.f32 v5, v20;
	v44 =	vmul.f32 v5, v22  }
0x13c: {  	v27 =	vld [tilespmem:$0x1FE20];
	v0 =	vadd.f32 v0, v19;
	v49 =	vmul.f32 v4, v20;
	v54 =	vmul.f32 v2, v25  }
0x13d: {  	v23 =	vmovc v19;
	v19 =	vld [tilespmem:$0x1FEE0];
	v56 =	vmul.f32 v2, v30;
	v9 =	vadd.f32 v12, v9;
	v12 =	vmul.f32 v41, v31  }
0x13e: {  	v10 =	vadd.f32 v10, v21;
	v60 =	vmul.f32 v6, v25;
	v50 =	vmul.f32 v6, v26  }
0x13f: {  	[tilespmem:$0x1FD90] =	vst v31;
	v8 =	vadd.f32 v8, v23;
	v61 =	vmul.f32 v6, v30;
	v63 =	vmul.f32 v6, v33  }
0x140: {  	[tilespmem:$0x1FDC0] =	vst v18;
	v45 =	vadd.f32 v45, v21;
	v52 =	vmul.f32 v6, v35;
	v53 =	vmul.f32 v6, v37  }
0x141: {  	v7 =	vld.idx.msk [tilespmem:v7+s20+$0x0], $0xffff;
	v48 =	vadd.f32 v48, v27;
	v55 =	vmul.f32 v2, v26;
	v59 =	vmul.f32 v2, v35  }
0x142: {  	v13 =	vmul.f32 v5, v19;
	v43 =	vadd.f32 v43, v36;
	v44 =	vadd.f32 v44, v16  }
0x143: {  	v31 =	vld [tilespmem:$0x1FE50];
	v5 =	vmul.f32 v5, v24;
	v49 =	vadd.f32 v49, v36;
	v8 =	vadd.f32 v54, v8  }
0x144: {  	v47 =	vmul.f32 v4, v19;
	v9 =	vadd.f32 v12, v9;
	v0 =	vadd.f32 v60, v0  }
0x145: {  	v24 =	vld [tilespmem:$0x1FE90];
	v4 =	vmul.f32 v4, v22;
	v10 =	vadd.f32 v50, v10;
	v12 =	vadd.f32 v13, v28  }
0x146: {  	[tilespmem:$0x1FDD0] =	vst v33;
	v23 =	vld [tilespmem:$0x1FE10];
	v60 =	vmul.f32 v7, v40;
	v13 =	vadd.f32 v42, v27;
	v5 =	vadd.f32 v5, v17  }
0x147: {  	v47 =	vadd.f32 v47, v28;
	v51 =	vadd.f32 v53, v44;
	v42 =	vld.idx.msk [tilespmem:v1+s20+$0x0], $0xffff;
	v1 =	vmul.f32 v7, v14  }
0x148: {  	v43 =	vadd.f32 v52, v43;
	v4 =	vadd.f32 v4, v16;
	v62 =	vmul.f32 v6, v31  }
0x149: {  	v13 =	vadd.f32 v63, v13;
	v6 =	vmul.f32 v6, v39;
	v51 =	vadd.f32 v1, v51  }
0x14a: {  	v33 =	vld [tilespmem:$0x1FE00];
	v57 =	vmul.f32 v2, v31;
	v11 =	vadd.f32 v11, v24;
	v46 =	vadd.f32 v46, v24  }
0x14b: {  	v18 =	vld [tilespmem:$0x1FE30];
	v2 =	vmul.f32 v2, v37;
	v12 =	vadd.f32 v62, v12;
	v5 =	vadd.f32 v6, v5  }
0x14c: {  	v63 =	vmul.f32 v7, v23;
	v62 =	vadd.f32 v55, v45;
	v47 =	vadd.f32 v57, v47  }
0x14d: {  	s30 =	simm.s32 $0x10880;
	v45 =	vadd.f32 v59, v49;
	v44 =	vadd.f32 v2, v4;
	v2 =	vmul.f32 v7, v29  }
0x14e: {  	[tilespmem:s30+$0x70] =	vst v9;
	v57 =	vadd.f32 v60, v0;
	v0 =	vmul.f32 v7, v15;
	v60 =	vmul.f32 v3, v15  }
0x14f: {  	v36 =	vld [tilespmem:$0x1FEF0];
	v59 =	vmul.f32 v3, v33;
	v11 =	vadd.f32 v61, v11;
	v6 =	vadd.f32 v56, v46  }
0x150: {  	v27 =	vmovc v15;
	v46 =	vadd.f32 v58, v48;
	v61 =	vmul.f32 v7, v18;
	v58 =	vmul.f32 v3, v14  }
0x151: {  	v15 =	vmovc v37;
	v37 =	vld [tilespmem:$0x1FF00];
	v54 =	vadd.f32 v2, v12;
	v2 =	vmul.f32 v3, v40;
	v52 =	vadd.f32 v0, v13  }
0x152: {  	v0 =	vmul.f32 v3, v18;
	v56 =	vadd.f32 v61, v10;
	v10 =	vmul.f32 v7, v33  }
0x153: {  	v50 =	vadd.f32 v63, v11;
	v7 =	vmul.f32 v7, v34;
	v11 =	vmul.f32 v3, v23  }
0x154: {  	v61 =	vmul.f32 v3, v29;
	v63 =	vmul.f32 v42, v36;
	v49 =	vadd.f32 v0, v62  }
0x155: {  	v0 =	vmul.f32 v42, v38;
	v55 =	vadd.f32 v10, v43;
	v53 =	vadd.f32 v7, v5  }
0x156: {  	v43 =	vadd.f32 v2, v8;
	v48 =	vadd.f32 v11, v6;
	v62 =	vmul.f32 v42, v37  }
.LBB2_12:
0x157: {  	v19 =	vld [tilespmem:$0x1FDB0]  }
0x158: {  	s0 =	sadd.s32 $0x3, s29;
	s28 =	sadd.s32 $0x8, s28  }
0x159: {  	s29 =	sadd.s32 $0x2, s29;
	v2 =	vadd.f32 v61, v47;
	v3 =	vadd.f32 v60, v46;
	s2 =	sand.u32 $0x1C0, s28;
	s0 =	sand.u32 $0xF, s0;
	v60 =	vld [tilespmem:$0x1FDC0]  }
0x15a: {  	s31 =	sand.u32 $0xE, s29;
	v5 =	vadd.f32 v59, v45;
	v59 =	vld [tilespmem:$0x1FDA0];
	v46 =	vadd.f32 v63, v56;
	v56 =	vmul.f32 v41, v32;
	s0 =	sor.u32 s0, s2  }
0x15b: {  	v1 =	vmul.f32 v42, v32;
	v61 =	vld [tilespmem:$0x1FD90];
	s31 =	sor.u32 s31, s2;
	v10 =	vmov s0  }
0x15c: {  	v9 =	vmov s31;
	v2 =	vadd.f32 v56, v2;
	v56 =	vld [tilespmem:$0x1FD80];
	v8 =	vmul.f32 v42, v19  }
0x15d: {  	v6 =	vadd.f32 v58, v44;
	v0 =	vadd.f32 v0, v57;
	v63 =	vmul.f32 v41, v19;
	v19 =	vld [tilespmem:$0x1FF20]  }
0x15e: {  	v50 =	vadd.f32 v62, v50;
	v12 =	vor.u32 $0x10, v9;
	v8 =	vadd.f32 v8, v51;
	v51 =	vld [tilespmem:$0x1FF40]  }
0x15f: {  	[tilespmem:s30+$0xFFFFFF80] =	vst v0;
	v13 =	vor.u32 $0x20, v9;
	v0 =	vor.u32 $0x10, v10;
	v6 =	vadd.f32 v63, v6;
	v63 =	vld [tilespmem:$0x1FED0]  }
0x160: {  	v57 =	vor.u32 $0x20, v10;
	v4 =	vmul.f32 v42, v60;
	v58 =	vmul.f32 v41, v60;
	v60 =	vld.idx.msk [tilespmem:v10+s20+$0x0], $0xffff  }
0x161: {  	v7 =	vmul.f32 v42, v59;
	v11 =	vmul.f32 v42, v61;
	v42 =	vor.u32 $0x30, v9;
	v9 =	vld.idx.msk [tilespmem:v9+s20+$0x0], $0xffff  }
0x162: {  	[tilespmem:s30+$0xFFFFFFA0] =	vst v50;
	v50 =	vld [tilespmem:$0x1FFE0]  }
0x163: {  	v4 =	vadd.f32 v4, v52;
	v52 =	vld [tilespmem:$0x1FEE0]  }
0x164: {  	v44 =	vmul.f32 v41, v38;
	v1 =	vadd.f32 v1, v54;
	[tilespmem:s30+$0xFFFFFF90] =	vst v46;
	v0 =	vld.idx.msk [tilespmem:v0+s20+$0x0], $0xffff  }
0x165: {  	v45 =	vmul.f32 v41, v36;
	v47 =	vmul.f32 v41, v37;
	v10 =	vor.u32 $0x30, v10;
	v12 =	vld.idx.msk [tilespmem:v12+s20+$0x0], $0xffff  }
0x166: {  	v7 =	vadd.f32 v7, v55;
	[tilespmem:s30+$0xFFFFFFB0] =	vst v1;
	v1 =	vadd.f32 v44, v43;
	v43 =	vld.idx.msk [tilespmem:v57+s20+$0x0], $0xffff  }
0x167: {  	v59 =	vmul.f32 v41, v59;
	v3 =	vadd.f32 v58, v3;
	v44 =	vadd.f32 v45, v49;
	v49 =	vld [tilespmem:$0x1FF10];
	[tilespmem:s30+$0xFFFFFFC0] =	vst v4  }
0x168: {  	v4 =	vadd.f32 v47, v48;
	v13 =	vld.idx.msk [tilespmem:v13+s20+$0x0], $0xffff;
	[tilespmem:s30+$0xFFFFFFD0] =	vst v7;
	v7 =	vmul.f32 v60, v56  }
0x169: {  	v42 =	vld.idx.msk [tilespmem:v42+s20+$0x0], $0xffff;
	[tilespmem:s30+$0xFFFFFFE0] =	vst v8;
	v45 =	vmul.f32 v9, v56;
	v58 =	vmul.f32 v9, v50  }
0x16a: {  	v41 =	vld.idx.msk [tilespmem:v10+s20+$0x0], $0xffff;
	v8 =	vmul.f32 v9, v19;
	v62 =	vmul.f32 v9, v52;
	[tilespmem:s30+$0x0] =	vst v1  }
0x16b: {  	v56 =	vmul.f32 v9, v63;
	v1 =	vmul.f32 v9, v20;
	[tilespmem:s30+$0x20] =	vst v4  }
0x16c: {  	v11 =	vadd.f32 v11, v53;
	v4 =	vmul.f32 v60, v50;
	[tilespmem:s30+$0x40] =	vst v3;
	v3 =	vmul.f32 v60, v63  }
0x16d: {  	v50 =	vmul.f32 v60, v20;
	v63 =	vmul.f32 v60, v22  }
0x16e: {  	v5 =	vadd.f32 v59, v5;
	[tilespmem:s30+$0xFFFFFFF0] =	vst v11;
	v57 =	vmul.f32 v60, v49;
	v59 =	vmul.f32 v0, v39  }
0x16f: {  	[tilespmem:s30+$0x10] =	vst v44;
	v48 =	vmul.f32 v0, v26;
	v11 =	vadd.f32 v45, v51;
	v44 =	vadd.f32 v58, v21  }
0x170: {  	[tilespmem:s30+$0x30] =	vst v2;
	v58 =	vmul.f32 v9, v22;
	v9 =	vmul.f32 v9, v49;
	v2 =	vadd.f32 v8, v24  }
0x171: {  	[tilespmem:s30+$0x50] =	vst v5;
	v8 =	vmul.f32 v60, v19;
	v5 =	vadd.f32 v62, v28;
	v7 =	vadd.f32 v7, v51  }
0x172: {  	v4 =	vadd.f32 v4, v21;
	v53 =	vadd.f32 v63, v16;
	v63 =	vmul.f32 v0, v30  }
0x173: {  	v62 =	vld [tilespmem:$0x1FE20];
	v51 =	vmul.f32 v0, v31;
	v10 =	vadd.f32 v57, v17;
	v57 =	vmul.f32 v43, v34  }
0x174: {  	v19 =	vld [tilespmem:$0x1FDD0];
	v46 =	vadd.f32 v58, v16;
	v58 =	vmul.f32 v12, v26;
	v9 =	vadd.f32 v9, v17  }
0x175: {  	v8 =	vadd.f32 v8, v24;
	v10 =	vadd.f32 v59, v10;
	v59 =	vmul.f32 v41, v61  }
0x176: {  	v4 =	vadd.f32 v48, v4;
	v61 =	vmul.f32 v60, v52;
	v60 =	vmul.f32 v12, v31  }
0x177: {  	v8 =	vadd.f32 v63, v8;
	v63 =	vmul.f32 v13, v29;
	v10 =	vadd.f32 v57, v10  }
0x178: {  	v45 =	vadd.f32 v56, v62;
	v56 =	vmul.f32 v12, v25;
	v49 =	vadd.f32 v61, v28  }
0x179: {  	v3 =	vadd.f32 v3, v62;
	v61 =	vmul.f32 v12, v19;
	v62 =	vmul.f32 v12, v15  }
0x17a: {  	v5 =	vadd.f32 v60, v5;
	v55 =	vmul.f32 v0, v19;
	v60 =	vmul.f32 v0, v35  }
0x17b: {  	[tilespmem:s30+$0x60] =	vst v6;
	v10 =	vadd.f32 v59, v10;
	v59 =	vmul.f32 v12, v30;
	v6 =	vadd.f32 v56, v11  }
0x17c: {  	v57 =	vld [tilespmem:$0x1FDF0];
	v11 =	vmul.f32 v12, v35;
	v12 =	vmul.f32 v12, v39;
	v52 =	vadd.f32 v61, v45  }
0x17d: {  	s30 =	sadd.s32 $0x100, s30;
	v61 =	vmul.f32 v13, v40;
	v47 =	vadd.f32 v51, v49;
	v49 =	vmul.f32 v13, v14  }
0x17e: {  	v54 =	vadd.f32 v63, v5;
	v63 =	vmul.f32 v42, v36;
	[tilespmem:s30+$0x70] =	vst v10;
	v10 =	vadd.f32 v58, v44  }
0x17f: {  	v44 =	vmul.f32 v0, v25;
	v2 =	vadd.f32 v59, v2;
	v0 =	vmul.f32 v0, v15  }
0x180: {  	v9 =	vadd.f32 v12, v9;
	v12 =	vmul.f32 v13, v23;
	v59 =	vmul.f32 v43, v33  }
0x181: {  	v58 =	vmul.f32 v43, v14;
	v1 =	vadd.f32 v1, v57;
	v50 =	vadd.f32 v50, v57  }
0x182: {  	v57 =	vadd.f32 v61, v6;
	v6 =	vmul.f32 v13, v33;
	v61 =	vmul.f32 v43, v29  }
0x183: {  	v7 =	vadd.f32 v44, v7;
	v44 =	vadd.f32 v0, v53;
	v0 =	vmul.f32 v42, v38  }
0x184: {  	v1 =	vadd.f32 v11, v1;
	v11 =	vadd.f32 v62, v46;
	v62 =	vmul.f32 v13, v18  }
0x185: {  	p0 =	slt.u32 s29, $0x7E;
	v46 =	vadd.f32 v55, v3;
	v3 =	vmul.f32 v13, v27;
	v45 =	vadd.f32 v60, v50  }
.Ltmp5:
0x186: {  	v50 =	vadd.f32 v12, v2;
	v2 =	vmul.f32 v43, v18;
	v12 =	vmul.f32 v43, v23;
	(pc) =	sbr.rel @p0 .LBB2_12-.Ltmp5, $4  }
0x187: {  	v56 =	vadd.f32 v62, v10;
	v10 =	vmul.f32 v13, v34;
	v52 =	vadd.f32 v3, v52  }
0x188: {  	v13 =	vmul.f32 v43, v40;
	v55 =	vadd.f32 v6, v1;
	v51 =	vadd.f32 v49, v11  }
0x189: {  	v60 =	vmul.f32 v43, v27;
	v49 =	vadd.f32 v2, v4;
	v48 =	vadd.f32 v12, v8  }
0x18a: {  	v62 =	vmul.f32 v42, v37;
	v53 =	vadd.f32 v10, v9;
	v43 =	vadd.f32 v13, v7  }
0x18b: {  	v0 =	vadd.f32 v0, v57  }
0x18c: {  	v2 =	vadd.f32 v63, v56  }
0x18d: {  	v33 =	vld [tilespmem:$0x1FDC0];
	[tilespmem:s30+$0xFFFFFF80] =	vst v0  }
0x18e: {  	v39 =	vadd.f32 v62, v50;
	v29 =	vld [tilespmem:$0x1FDA0];
	[tilespmem:s30+$0xFFFFFF90] =	vst v2  }
0x18f: {  	v27 =	vld [tilespmem:$0x1FDB0]  }
0x190: {  	[tilespmem:s30+$0xFFFFFFA0] =	vst v39  }
0x191: {  	v1 =	vmul.f32 v42, v32;
	v8 =	vld [tilespmem:$0x1FD90]  }
0x192: {  	v3 =	vmul.f32 v42, v33  }
0x193: {  	v1 =	vadd.f32 v1, v54;
	v4 =	vmul.f32 v42, v29  }
0x194: {  	v3 =	vadd.f32 v3, v52;
	v40 =	vmul.f32 v42, v27  }
0x195: {  	[tilespmem:s30+$0xFFFFFFB0] =	vst v1;
	v4 =	vadd.f32 v4, v55  }
0x196: {  	[tilespmem:s30+$0xFFFFFFC0] =	vst v3;
	v50 =	vmul.f32 v42, v8;
	v2 =	vadd.f32 v40, v51  }
0x197: {  	v52 =	vmul.f32 v41, v38;
	[tilespmem:s30+$0xFFFFFFD0] =	vst v4  }
0x198: {  	v54 =	vmul.f32 v41, v36;
	v0 =	vadd.f32 v50, v53;
	[tilespmem:s30+$0xFFFFFFE0] =	vst v2  }
0x199: {  	v1 =	vadd.f32 v52, v43;
	v55 =	vmul.f32 v41, v37;
	[tilespmem:$0x1FD70] =	vst v32  }
0x19a: {  	v56 =	vadd.f32 v61, v47;
	v5 =	vmul.f32 v41, v32;
	v3 =	vadd.f32 v54, v49;
	[tilespmem:s30+$0xFFFFFFF0] =	vst v0  }
0x19b: {  	v61 =	vadd.f32 v58, v44;
	v62 =	vmul.f32 v41, v27;
	v4 =	vadd.f32 v55, v48;
	[tilespmem:s30+$0x0] =	vst v1  }
0x19c: {  	v57 =	vadd.f32 v60, v46;
	v6 =	vmul.f32 v41, v33;
	v2 =	vadd.f32 v5, v56;
	[tilespmem:s30+$0x10] =	vst v3  }
0x19d: {  	v60 =	vadd.f32 v59, v45;
	v7 =	vmul.f32 v41, v29;
	v63 =	vadd.f32 v62, v61;
	[tilespmem:s30+$0x20] =	vst v4  }
0x19e: {  	v0 =	vadd.f32 v6, v57;
	[tilespmem:s30+$0x30] =	vst v2  }
0x19f: {  	v1 =	vadd.f32 v7, v60;
	[tilespmem:s30+$0x60] =	vst v63  }
0x1a0: {  	[tilespmem:s30+$0x40] =	vst v0  }
0x1a1: {  	s28 =	simm.s32 $0x0;
	[tilespmem:s30+$0x50] =	vst v1  }
0x1a2: {  	[hbm4b:s8+s28] =	stream.linear.scatter [tilespmem:s23], [sflag:$0x4], $0x4000, $0x38;
	[tilespmem:$0x14E80] =	vst v63  }
0x1a3: {  	_ = 	snop  }
0x1a4: {  	[tilespmem:s17], [sflag:$0x2] =	stream.strided.gather [hbm4b:s9+s15], $0x6400, s16, s15, $0x38;
	[tilespmem:$0x14E80] =	vst v63  }
0x1a5: {  	_ =	swait.ge [sflag:s18], $0x6400  }
0x1a6: {  	[sflag:s18] =	ssyncset.done $0x0  }
0x1a7: {  	[sflag:s18] =	ssyncadd.s32 $0xFFFF9C00  }
0x1a8: {  	_ =	swait.ge [sflag:s24], $0x4000  }
0x1a9: {  	v14 =	vld [tilespmem:$0x1FD80]  }
0x1aa: {  	v18 =	vld [tilespmem:$0x1FF40]  }
0x1ab: {  	v22 =	vld [tilespmem:$0x1FF10]  }
0x1ac: {  	v34 =	vld [tilespmem:$0x1FDD0]  }
0x1ad: {  	[sflag:s24] =	ssyncset.done $0x0;
	v23 =	vld [tilespmem:$0x1FE20]  }
0x1ae: {  	s29 =	simm.s32 $0x100;
	v39 =	vmov v15;
	v15 =	vmov v8;
	v16 =	vld [tilespmem:$0x1FDF0];
	[sflag:s24] =	ssyncadd.s32 $0xFFFFC000  }
.LBB2_14:
0x1af: {  	v0 =	vld [tilespmem:s29+$0x80];
	_ =	sdelay $0x1  }
0x1b0: {  	v1 =	vld [tilespmem:s29+$0xFFFFFF00]  }
0x1b1: {  	v2 =	vld [tilespmem:s29+$0xFFFFFF80]  }
0x1b2: {  	v3 =	vld [tilespmem:s29+$0x0];
	s0 =	sadd.s32 $0x200, s29  }
0x1b3: {  	v4 =	vld [tilespmem:s0+$0x80]  }
0x1b4: {  	v44 =	vld [tilespmem:s0+$0xFFFFFF80]  }
0x1b5: {  	v42 =	vld [tilespmem:s0+$0x0]  }
0x1b6: {  	v0 =	vld.idx.msk [tilespmem:v0+s19+$0x0], $0xffff  }
0x1b7: {  	v50 =	vld [tilespmem:s0+$0xFFFFFF00]  }
0x1b8: {  	v48 =	vld.idx.msk [tilespmem:v1+s19+$0x0], $0xffff  }
0x1b9: {  	v45 =	vld.idx.msk [tilespmem:v2+s19+$0x0], $0xffff  }
0x1ba: {  	v43 =	vimm.s32 $0x0;
	v49 =	vld.idx.msk [tilespmem:v3+s19+$0x0], $0xffff  }
0x1bb: {  	s30 =	simm.s32 $0x4;
	v46 =	vimm.s32 $0x0;
	v47 =	vimm.s32 $0x0;
	s31 =	sadd.s32 $0x200, s0;
	v41 =	vadd.s32 v43, v0;
	v0 =	vld.idx.msk [tilespmem:v4+s19+$0x0], $0xffff  }
.LBB2_15:
0x1bc: {  	v1 =	vld [tilespmem:s31+$0x80];
	s30 =	sadd.s32 $0x4, s30  }
0x1bd: {  	v43 =	vadd.s32 v43, v48;
	v2 =	vld [tilespmem:s31+$0xFFFFFF80];
	p0 =	slt.u32 s30, $0xC4  }
0x1be: {  	v46 =	vadd.s32 v46, v45;
	v3 =	vld [tilespmem:s31+$0x0]  }
0x1bf: {  	v47 =	vadd.s32 v47, v49;
	v4 =	vld [tilespmem:s31+$0xFFFFFF00]  }
.Ltmp6:
0x1c0: {  	v48 =	vld.idx.msk [tilespmem:v50+s19+$0x0], $0xffff;
	(pc) =	sbr.rel @p0 .LBB2_15-.Ltmp6, $4  }
0x1c1: {  	v41 =	vadd.s32 v41, v0;
	v45 =	vld.idx.msk [tilespmem:v44+s19+$0x0], $0xffff  }
0x1c2: {  	v49 =	vld.idx.msk [tilespmem:v42+s19+$0x0], $0xffff;
	v44 =	vmov v2  }
0x1c3: {  	v42 =	vmov v3  }
0x1c4: {  	s31 =	sadd.s32 $0x200, s31;
	v0 =	vld.idx.msk [tilespmem:v1+s19+$0x0], $0xffff;
	v50 =	vmov v4  }
0x1c5: {  	_ =	sdelay $0x3  }
0x1c6: {  	v1 =	vld.idx.msk [tilespmem:v50+s19+$0x0], $0xffff  }
0x1c7: {  	v2 =	vld.idx.msk [tilespmem:v44+s19+$0x0], $0xffff  }
0x1c8: {  	v3 =	vld.idx.msk [tilespmem:v42+s19+$0x0], $0xffff;
	_ =	sdelay $0x2  }
0x1c9: {  	v4 =	vadd.s32 v43, v48;
	v5 =	vadd.s32 v46, v45  }
0x1ca: {  	v6 =	vadd.s32 v47, v49;
	v1 =	vadd.s32 v4, v1;
	v2 =	vadd.s32 v5, v2  }
0x1cb: {  	v3 =	vadd.s32 v6, v3;
	v1 =	vadd.s32 v1, v2  }
0x1cc: {  	v0 =	vadd.s32 v41, v0;
	v1 =	vadd.s32 v3, v1  }
0x1cd: {  	v0 =	vadd.s32 v0, v1  }
0x1ce: {  	s0 =	sshll.u32 s28, $0x6;
	s28 =	sadd.s32 $0x1, s28;
	v1 =	vand.u32 $0xFF, v0;
	v61 =	vshrl.u32 v0, $0x8  }
0x1cf: {  	p0 =	sne.s32 s28, $0x8;
	v62 =	vshrl.u32 v0, $0x10;
	v0 =	vshrl.u32 v0, $0x18;
	v1 =	vcvt.s32.f32 v1  }
.Ltmp7:
0x1d0: {  	s0 =	sand.u32 $0x3FFFFFC0, s0;
	v2 =	vand.u32 $0xFF, v61;
	v0 =	vcvt.s32.f32 v0;
	(pc) =	sbr.rel @p0 .LBB2_14-.Ltmp7, $4  }
0x1d1: {  	v3 =	vand.u32 $0xFF, v62;
	v2 =	vcvt.s32.f32 v2;
	[tilespmem:s0+$0x14C00] =	vst v1  }
0x1d2: {  	v63 =	vcvt.s32.f32 v3;
	[tilespmem:s0+$0x14C30] =	vst v0  }
0x1d3: {  	[tilespmem:s0+$0x14C10] =	vst v2  }
0x1d4: {  	s29 =	sadd.s32 $0x10, s29;
	[tilespmem:s0+$0x14C20] =	vst v63  }
0x1d5: {  	s28 =	simm.s32 $0x0;
	s0 =	simm.s32 $0x1  }
0x1d6: {  	s29 =	simm.s32 $0x0;
	v17 =	vld [tilespmem:$0x1FFE0];
	s2 =	sand.u32 $0x1C0, s28;
	s0 =	sand.u32 $0xF, s0  }
0x1d7: {  	v19 =	vld [tilespmem:$0x1FF20];
	s30 =	sand.u32 $0xE, s29;
	s0 =	sor.u32 s0, s2  }
0x1d8: {  	v30 =	vld [tilespmem:$0x1FF30];
	s2 =	sor.u32 s30, s2;
	v0 =	vmov s0  }
0x1d9: {  	v32 =	vld [tilespmem:$0x1FF60];
	v1 =	vmov s2  }
0x1da: {  	v25 =	vld [tilespmem:$0x1FEE0]  }
0x1db: {  	v26 =	vld [tilespmem:$0x1FED0]  }
0x1dc: {  	v20 =	vld [tilespmem:$0x1FEC0]  }
0x1dd: {  	v4 =	vld.idx.msk [tilespmem:v0+s20+$0x0], $0xffff  }
0x1de: {  	v2 =	vor.u32 $0x10, v0;
	v3 =	vor.u32 $0x20, v0;
	v5 =	vld.idx.msk [tilespmem:v1+s20+$0x0], $0xffff;
	v0 =	vor.u32 $0x30, v0  }
0x1df: {  	v36 =	vld [tilespmem:$0x1FDE0]  }
0x1e0: {  	v21 =	vld [tilespmem:$0x1FEB0];
	v6 =	vor.u32 $0x10, v1  }
0x1e1: {  	v24 =	vld [tilespmem:$0x1FE90]  }
0x1e2: {  	v31 =	vld [tilespmem:$0x1FE50];
	v8 =	vmul.f32 v4, v14;
	v9 =	vmul.f32 v4, v22  }
0x1e3: {  	v41 =	vld.idx.msk [tilespmem:v0+s20+$0x0], $0xffff;
	v0 =	vmul.f32 v5, v14;
	v10 =	vmul.f32 v5, v17  }
0x1e4: {  	v2 =	vld.idx.msk [tilespmem:v2+s20+$0x0], $0xffff;
	v11 =	vmul.f32 v5, v19;
	v13 =	vmul.f32 v5, v25  }
0x1e5: {  	v7 =	vor.u32 $0x20, v1;
	v6 =	vld.idx.msk [tilespmem:v6+s20+$0x0], $0xffff;
	v42 =	vmul.f32 v5, v26;
	v43 =	vmul.f32 v5, v20  }
0x1e6: {  	v1 =	vor.u32 $0x30, v1;
	v14 =	vmovc v22;
	v22 =	vld [tilespmem:$0x1FEA0];
	v45 =	vmul.f32 v4, v17;
	v46 =	vmul.f32 v4, v19  }
0x1e7: {  	v28 =	vld [tilespmem:$0x1FF50];
	v47 =	vmul.f32 v4, v25;
	v48 =	vmul.f32 v4, v26;
	v9 =	vadd.f32 v9, v30  }
0x1e8: {  	v3 =	vld.idx.msk [tilespmem:v3+s20+$0x0], $0xffff;
	v49 =	vmul.f32 v4, v20;
	v0 =	vadd.f32 v0, v18;
	v10 =	vadd.f32 v10, v21  }
0x1e9: {  	v25 =	vld [tilespmem:$0x1FE80];
	v12 =	vmul.f32 v2, v32;
	v11 =	vadd.f32 v11, v24;
	v43 =	vadd.f32 v43, v16  }
0x1ea: {  	v26 =	vld [tilespmem:$0x1FE70];
	v37 =	vmul.f32 v6, v31;
	v8 =	vadd.f32 v8, v18;
	v45 =	vadd.f32 v45, v21  }
0x1eb: {  	v46 =	vadd.f32 v46, v24;
	v44 =	vmul.f32 v5, v22;
	v5 =	vmul.f32 v5, v14  }
0x1ec: {  	v17 =	vld [tilespmem:$0x1FF70];
	v38 =	vmul.f32 v6, v34;
	v47 =	vadd.f32 v47, v28;
	v48 =	vadd.f32 v48, v23  }
0x1ed: {  	v57 =	vmul.f32 v2, v31;
	v49 =	vadd.f32 v49, v16;
	v5 =	vadd.f32 v5, v30;
	v30 =	vld [tilespmem:$0x1FE60]  }
0x1ee: {  	v9 =	vadd.f32 v12, v9;
	v12 =	vmul.f32 v3, v36;
	v4 =	vmul.f32 v4, v22  }
0x1ef: {  	v7 =	vld.idx.msk [tilespmem:v7+s20+$0x0], $0xffff;
	v47 =	vadd.f32 v57, v47;
	v33 =	vmul.f32 v6, v25;
	v50 =	vmul.f32 v6, v26  }
0x1f0: {  	v18 =	vld [tilespmem:$0x1FE10];
	v54 =	vmul.f32 v2, v25;
	v55 =	vmul.f32 v2, v26;
	v9 =	vadd.f32 v12, v9  }
0x1f1: {  	v40 =	vld [tilespmem:$0x1FFC0];
	v12 =	vmul.f32 v41, v15;
	v44 =	vadd.f32 v44, v17;
	v0 =	vadd.f32 v33, v0  }
0x1f2: {  	v15 =	vld [tilespmem:$0x1FF90];
	v10 =	vadd.f32 v50, v10;
	v4 =	vadd.f32 v4, v17;
	v35 =	vmul.f32 v6, v30  }
0x1f3: {  	v53 =	vmul.f32 v6, v39;
	v14 =	vld [tilespmem:$0x1FE30];
	v8 =	vadd.f32 v54, v8;
	v62 =	vadd.f32 v55, v45  }
0x1f4: {  	v58 =	vmul.f32 v2, v34;
	v9 =	vadd.f32 v12, v9;
	v11 =	vadd.f32 v35, v11;
	v35 =	vld [tilespmem:$0x1FE40]  }
0x1f5: {  	v27 =	vld [tilespmem:$0x1FFB0];
	v63 =	vmul.f32 v7, v18;
	v12 =	vadd.f32 v13, v28;
	v13 =	vadd.f32 v42, v23  }
0x1f6: {  	v33 =	vmul.f32 v3, v18;
	v42 =	vld.idx.msk [tilespmem:v1+s20+$0x0], $0xffff;
	v1 =	vmul.f32 v7, v40;
	v51 =	vadd.f32 v53, v44  }
0x1f7: {  	v12 =	vadd.f32 v37, v12;
	v13 =	vadd.f32 v38, v13;
	v60 =	vmul.f32 v7, v15  }
0x1f8: {  	v29 =	vld [tilespmem:$0x1FFA0];
	v61 =	vmul.f32 v7, v14;
	v51 =	vadd.f32 v1, v51;
	v56 =	vmul.f32 v2, v30  }
0x1f9: {  	v57 =	vadd.f32 v60, v0;
	v52 =	vmul.f32 v6, v35;
	v6 =	vmul.f32 v6, v32;
	v32 =	vld [tilespmem:$0x1FE00]  }
0x1fa: {  	v0 =	vmul.f32 v7, v27;
	v50 =	vadd.f32 v63, v11;
	v59 =	vmul.f32 v2, v35  }
0x1fb: {  	s30 =	simm.s32 $0xC880;
	v2 =	vmul.f32 v2, v39;
	v43 =	vadd.f32 v52, v43;
	v5 =	vadd.f32 v6, v5  }
0x1fc: {  	v38 =	vld [tilespmem:$0x1FFD0];
	v60 =	vmul.f32 v3, v27;
	[tilespmem:s30+$0x70] =	vst v9;
	v6 =	vadd.f32 v56, v46;
	v46 =	vadd.f32 v58, v48  }
0x1fd: {  	v37 =	vld [tilespmem:$0x1FF00];
	v45 =	vadd.f32 v59, v49;
	v44 =	vadd.f32 v2, v4;
	v2 =	vmul.f32 v7, v29  }
0x1fe: {  	v56 =	vadd.f32 v61, v10;
	v10 =	vmul.f32 v7, v32;
	v7 =	vmul.f32 v7, v36;
	v36 =	vld [tilespmem:$0x1FEF0]  }
0x1ff: {  	v52 =	vadd.f32 v0, v13;
	v0 =	vmul.f32 v3, v14;
	v61 =	vmul.f32 v3, v29  }
0x200: {  	v58 =	vmul.f32 v3, v40;
	v54 =	vadd.f32 v2, v12;
	v2 =	vmul.f32 v3, v15  }
0x201: {  	v49 =	vadd.f32 v0, v62;
	v0 =	vmul.f32 v42, v38;
	v48 =	vadd.f32 v33, v6;
	v33 =	vld [tilespmem:$0x1FD70]  }
0x202: {  	v59 =	vmul.f32 v3, v32;
	v62 =	vmul.f32 v42, v37;
	v55 =	vadd.f32 v10, v43  }
0x203: {  	v53 =	vadd.f32 v7, v5;
	v43 =	vadd.f32 v2, v8;
	v63 =	vmul.f32 v42, v36  }
.LBB2_18:
0x204: {  	s0 =	sadd.s32 $0x3, s29;
	s28 =	sadd.s32 $0x8, s28  }
0x205: {  	s29 =	sadd.s32 $0x2, s29;
	v19 =	vld [tilespmem:$0x1FDB0];
	s2 =	sand.u32 $0x1C0, s28;
	s0 =	sand.u32 $0xF, s0  }
0x206: {  	v1 =	vmul.f32 v42, v33;
	v3 =	vadd.f32 v60, v46;
	s31 =	sand.u32 $0xE, s29;
	v60 =	vld [tilespmem:$0x1FDC0];
	s0 =	sor.u32 s0, s2  }
0x207: {  	v2 =	vadd.f32 v61, v47;
	v5 =	vadd.f32 v59, v45;
	v59 =	vld [tilespmem:$0x1FDA0];
	s31 =	sor.u32 s31, s2;
	v10 =	vmov s0  }
0x208: {  	v6 =	vadd.f32 v58, v44;
	v0 =	vadd.f32 v0, v57;
	v61 =	vld [tilespmem:$0x1FD90];
	v9 =	vmov s31  }
0x209: {  	v46 =	vadd.f32 v63, v56;
	v50 =	vadd.f32 v62, v50;
	v62 =	vld [tilespmem:$0x1FED0]  }
0x20a: {  	v1 =	vadd.f32 v1, v54;
	v54 =	vld [tilespmem:$0x1FF60];
	[tilespmem:s30+$0xFFFFFF80] =	vst v0;
	v12 =	vor.u32 $0x10, v9;
	v0 =	vor.u32 $0x10, v10  }
0x20b: {  	v13 =	vor.u32 $0x20, v9;
	v8 =	vmul.f32 v42, v19;
	v63 =	vmul.f32 v41, v19;
	v19 =	vld [tilespmem:$0x1FFE0]  }
0x20c: {  	v57 =	vor.u32 $0x20, v10;
	v4 =	vmul.f32 v42, v60;
	v58 =	vmul.f32 v41, v60;
	v60 =	vld.idx.msk [tilespmem:v10+s20+$0x0], $0xffff  }
0x20d: {  	v7 =	vmul.f32 v42, v59;
	v11 =	vmul.f32 v42, v61;
	v42 =	vor.u32 $0x30, v9;
	v9 =	vld.idx.msk [tilespmem:v9+s20+$0x0], $0xffff  }
0x20e: {  	[tilespmem:s30+$0xFFFFFFA0] =	vst v50;
	v50 =	vld [tilespmem:$0x1FF20]  }
0x20f: {  	v44 =	vmul.f32 v41, v38;
	[tilespmem:s30+$0xFFFFFF90] =	vst v46;
	v0 =	vld.idx.msk [tilespmem:v0+s20+$0x0], $0xffff  }
0x210: {  	v45 =	vmul.f32 v41, v36;
	v12 =	vld.idx.msk [tilespmem:v12+s20+$0x0], $0xffff  }
0x211: {  	v10 =	vor.u32 $0x30, v10;
	v4 =	vadd.f32 v4, v52;
	[tilespmem:s30+$0xFFFFFFB0] =	vst v1;
	v1 =	vadd.f32 v44, v43;
	v43 =	vld.idx.msk [tilespmem:v57+s20+$0x0], $0xffff  }
0x212: {  	v47 =	vmul.f32 v41, v37;
	v56 =	vmul.f32 v41, v33;
	v7 =	vadd.f32 v7, v55;
	v57 =	vld [tilespmem:$0x1FD80]  }
0x213: {  	v59 =	vmul.f32 v41, v59;
	v8 =	vadd.f32 v8, v51;
	v44 =	vadd.f32 v45, v49;
	v49 =	vld [tilespmem:$0x1FF10];
	[tilespmem:s30+$0xFFFFFFC0] =	vst v4  }
0x214: {  	v6 =	vadd.f32 v63, v6;
	v3 =	vadd.f32 v58, v3;
	v13 =	vld.idx.msk [tilespmem:v13+s20+$0x0], $0xffff;
	[tilespmem:s30+$0xFFFFFFD0] =	vst v7  }
0x215: {  	v4 =	vadd.f32 v47, v48;
	v42 =	vld.idx.msk [tilespmem:v42+s20+$0x0], $0xffff;
	[tilespmem:s30+$0xFFFFFFE0] =	vst v8;
	v46 =	vmul.f32 v9, v19  }
0x216: {  	v41 =	vld.idx.msk [tilespmem:v10+s20+$0x0], $0xffff;
	v8 =	vmul.f32 v9, v50;
	v63 =	vmul.f32 v9, v62;
	[tilespmem:s30+$0x0] =	vst v1  }
0x217: {  	v1 =	vmul.f32 v9, v20;
	[tilespmem:s30+$0x20] =	vst v4;
	v4 =	vmul.f32 v60, v19  }
0x218: {  	v2 =	vadd.f32 v56, v2;
	v51 =	vld [tilespmem:$0x1FF40];
	[tilespmem:s30+$0x40] =	vst v3;
	v3 =	vmul.f32 v60, v62;
	v62 =	vmul.f32 v60, v20  }
0x219: {  	v11 =	vadd.f32 v11, v53;
	v52 =	vld [tilespmem:$0x1FF30];
	v7 =	vmul.f32 v60, v57;
	v58 =	vmul.f32 v60, v49  }
0x21a: {  	v5 =	vadd.f32 v59, v5;
	v53 =	vld [tilespmem:$0x1FEE0];
	v45 =	vmul.f32 v9, v57;
	v59 =	vmul.f32 v0, v54  }
0x21b: {  	[tilespmem:s30+$0x10] =	vst v44;
	v57 =	vmul.f32 v9, v22;
	v48 =	vmul.f32 v0, v26  }
0x21c: {  	[tilespmem:s30+$0x30] =	vst v2;
	v55 =	vmul.f32 v0, v34;
	v44 =	vadd.f32 v46, v21;
	v2 =	vadd.f32 v8, v24  }
0x21d: {  	v8 =	vmul.f32 v60, v50;
	v1 =	vadd.f32 v1, v16;
	v4 =	vadd.f32 v4, v21  }
0x21e: {  	v3 =	vadd.f32 v3, v23;
	v50 =	vadd.f32 v62, v16;
	v62 =	vmul.f32 v12, v39  }
0x21f: {  	[tilespmem:s30+$0xFFFFFFF0] =	vst v11;
	v10 =	vadd.f32 v58, v52;
	v11 =	vadd.f32 v45, v51;
	v45 =	vmul.f32 v9, v53  }
0x220: {  	v9 =	vmul.f32 v9, v49;
	v46 =	vadd.f32 v57, v17;
	v57 =	vmul.f32 v12, v26  }
0x221: {  	v7 =	vadd.f32 v7, v51;
	v51 =	vmul.f32 v0, v31;
	v10 =	vadd.f32 v59, v10;
	v59 =	vld [tilespmem:$0x1FDE0]  }
0x222: {  	v8 =	vadd.f32 v8, v24;
	v58 =	vmul.f32 v41, v61;
	v61 =	vmul.f32 v60, v53  }
0x223: {  	[tilespmem:s30+$0x50] =	vst v5;
	v5 =	vadd.f32 v45, v28;
	v45 =	vadd.f32 v63, v23;
	v63 =	vmul.f32 v60, v22  }
0x224: {  	v4 =	vadd.f32 v48, v4;
	v9 =	vadd.f32 v9, v52;
	v60 =	vmul.f32 v12, v31  }
0x225: {  	v49 =	vadd.f32 v61, v28;
	v61 =	vmul.f32 v12, v34;
	v53 =	vadd.f32 v63, v17  }
0x226: {  	v63 =	vmul.f32 v0, v30;
	v5 =	vadd.f32 v60, v5;
	v56 =	vmul.f32 v43, v59  }
0x227: {  	v60 =	vmul.f32 v0, v35;
	v52 =	vadd.f32 v61, v45;
	v61 =	vmul.f32 v13, v15  }
0x228: {  	v8 =	vadd.f32 v63, v8;
	v63 =	vmul.f32 v13, v29;
	v10 =	vadd.f32 v56, v10  }
0x229: {  	v47 =	vadd.f32 v51, v49;
	v45 =	vadd.f32 v60, v50;
	v56 =	vmul.f32 v12, v25  }
0x22a: {  	v49 =	vmul.f32 v13, v40;
	v60 =	vmul.f32 v43, v27;
	v10 =	vadd.f32 v58, v10  }
0x22b: {  	[tilespmem:s30+$0x60] =	vst v6;
	v58 =	vmul.f32 v12, v30;
	v6 =	vadd.f32 v56, v11;
	v11 =	vmul.f32 v12, v35  }
0x22c: {  	s30 =	sadd.s32 $0x100, s30;
	v12 =	vmul.f32 v12, v54;
	v54 =	vadd.f32 v63, v5;
	v63 =	vmul.f32 v42, v36  }
0x22d: {  	[tilespmem:s30+$0x70] =	vst v10;
	v10 =	vadd.f32 v57, v44;
	v44 =	vmul.f32 v0, v25;
	v2 =	vadd.f32 v58, v2  }
0x22e: {  	v0 =	vmul.f32 v0, v39;
	v1 =	vadd.f32 v11, v1;
	v11 =	vadd.f32 v62, v46  }
0x22f: {  	v62 =	vmul.f32 v13, v14;
	v9 =	vadd.f32 v12, v9;
	v12 =	vmul.f32 v13, v18  }
0x230: {  	v46 =	vadd.f32 v55, v3;
	v3 =	vmul.f32 v13, v27;
	v57 =	vadd.f32 v61, v6  }
0x231: {  	v6 =	vmul.f32 v13, v32;
	v61 =	vmul.f32 v43, v29;
	v7 =	vadd.f32 v44, v7  }
0x232: {  	p0 =	slt.u32 s29, $0x7E;
	v58 =	vmul.f32 v43, v40;
	v44 =	vadd.f32 v0, v53;
	v56 =	vadd.f32 v62, v10  }
.Ltmp8:
0x233: {  	v10 =	vmul.f32 v13, v59;
	v13 =	vmul.f32 v43, v15;
	v50 =	vadd.f32 v12, v2;
	(pc) =	sbr.rel @p0 .LBB2_18-.Ltmp8, $4  }
0x234: {  	v2 =	vmul.f32 v43, v14;
	v12 =	vmul.f32 v43, v18;
	v52 =	vadd.f32 v3, v52  }
0x235: {  	v59 =	vmul.f32 v43, v32;
	v55 =	vadd.f32 v6, v1;
	v51 =	vadd.f32 v49, v11  }
0x236: {  	v0 =	vmul.f32 v42, v38;
	v53 =	vadd.f32 v10, v9;
	v43 =	vadd.f32 v13, v7  }
0x237: {  	v62 =	vmul.f32 v42, v37;
	v49 =	vadd.f32 v2, v4;
	v48 =	vadd.f32 v12, v8  }
0x238: {  	v31 =	vld [tilespmem:$0x1FDC0]  }
0x239: {  	v0 =	vadd.f32 v0, v57  }
0x23a: {  	v2 =	vadd.f32 v63, v56  }
0x23b: {  	[tilespmem:s30+$0xFFFFFF80] =	vst v0  }
0x23c: {  	v15 =	vld [tilespmem:$0x1FDA0];
	[tilespmem:s30+$0xFFFFFF90] =	vst v2  }
0x23d: {  	v1 =	vmul.f32 v42, v33;
	v35 =	vadd.f32 v62, v50;
	v26 =	vld [tilespmem:$0x1FDB0];
	v3 =	vmul.f32 v42, v31;
	_ =	sdelay $0x1  }
0x23e: {  	v1 =	vadd.f32 v1, v54;
	[tilespmem:s30+$0xFFFFFFA0] =	vst v35;
	v3 =	vadd.f32 v3, v52;
	v52 =	vmul.f32 v41, v38  }
0x23f: {  	v54 =	vmul.f32 v41, v36;
	v8 =	vld [tilespmem:$0x1FD90]  }
0x240: {  	v56 =	vadd.f32 v61, v47;
	[tilespmem:s30+$0xFFFFFFB0] =	vst v1;
	v4 =	vmul.f32 v42, v15;
	v1 =	vadd.f32 v52, v43  }
0x241: {  	v57 =	vadd.f32 v60, v46;
	v40 =	vmul.f32 v42, v26;
	[tilespmem:s30+$0xFFFFFFC0] =	vst v3;
	v3 =	vadd.f32 v54, v49  }
0x242: {  	v60 =	vadd.f32 v59, v45;
	v7 =	vmul.f32 v41, v15;
	v4 =	vadd.f32 v4, v55;
	[tilespmem:s30+$0x0] =	vst v1  }
0x243: {  	v61 =	vadd.f32 v58, v44;
	v62 =	vmul.f32 v41, v26;
	v2 =	vadd.f32 v40, v51;
	[tilespmem:s30+$0x10] =	vst v3  }
0x244: {  	v50 =	vmul.f32 v42, v8;
	v1 =	vadd.f32 v7, v60;
	[tilespmem:s30+$0xFFFFFFD0] =	vst v4  }
0x245: {  	v55 =	vmul.f32 v41, v37;
	v63 =	vadd.f32 v62, v61;
	[tilespmem:s30+$0xFFFFFFE0] =	vst v2  }
0x246: {  	v5 =	vmul.f32 v41, v33;
	v0 =	vadd.f32 v50, v53;
	[tilespmem:s30+$0x50] =	vst v1  }
0x247: {  	v6 =	vmul.f32 v41, v31;
	v4 =	vadd.f32 v55, v48;
	[tilespmem:s30+$0x60] =	vst v63  }
0x248: {  	v2 =	vadd.f32 v5, v56;
	[tilespmem:s30+$0xFFFFFFF0] =	vst v0  }
0x249: {  	v0 =	vadd.f32 v6, v57;
	[tilespmem:s30+$0x20] =	vst v4  }
0x24a: {  	[tilespmem:s30+$0x30] =	vst v2  }
0x24b: {  	s28 =	simm.s32 $0x0;
	[tilespmem:s30+$0x40] =	vst v0  }
0x24c: {  	[hbm4b:s10+s28] =	stream.linear.scatter [tilespmem:s21], [sflag:$0x3], $0x4000, $0x38;
	[tilespmem:$0x14E80] =	vst v63  }
0x24d: {  	_ =	swait.ge [sflag:s22], $0x6400  }
0x24e: {  	[sflag:s22] =	ssyncset.done $0x0  }
0x24f: {  	[sflag:s22] =	ssyncadd.s32 $0xFFFF9C00  }
0x250: {  	_ =	swait.ge [sflag:s25], $0x4000  }
0x251: {  	v12 =	vld [tilespmem:$0x1FD80]  }
0x252: {  	v13 =	vld [tilespmem:$0x1FF40]  }
0x253: {  	[sflag:s25] =	ssyncset.done $0x0;
	v23 =	vld [tilespmem:$0x1FF10]  }
0x254: {  	s29 =	simm.s32 $0x6500;
	v29 =	vmovc v14;
	v16 =	vmov v18;
	v18 =	vmov v32;
	v14 =	vmov v8;
	v32 =	vld [tilespmem:$0x1FDE0];
	[sflag:s25] =	ssyncadd.s32 $0xFFFFC000  }
.LBB2_20:
0x255: {  	v0 =	vld [tilespmem:s29+$0x80];
	_ =	sdelay $0x1  }
0x256: {  	v1 =	vld [tilespmem:s29+$0xFFFFFF00]  }
0x257: {  	v2 =	vld [tilespmem:s29+$0xFFFFFF80]  }
0x258: {  	v3 =	vld [tilespmem:s29+$0x0];
	s0 =	sadd.s32 $0x200, s29  }
0x259: {  	v4 =	vld [tilespmem:s0+$0x80]  }
0x25a: {  	v44 =	vld [tilespmem:s0+$0xFFFFFF80]  }
0x25b: {  	v42 =	vld [tilespmem:s0+$0x0]  }
0x25c: {  	v0 =	vld.idx.msk [tilespmem:v0+s19+$0x0], $0xffff  }
0x25d: {  	v50 =	vld [tilespmem:s0+$0xFFFFFF00]  }
0x25e: {  	v48 =	vld.idx.msk [tilespmem:v1+s19+$0x0], $0xffff  }
0x25f: {  	v45 =	vld.idx.msk [tilespmem:v2+s19+$0x0], $0xffff  }
0x260: {  	v43 =	vimm.s32 $0x0;
	v49 =	vld.idx.msk [tilespmem:v3+s19+$0x0], $0xffff  }
0x261: {  	s30 =	simm.s32 $0x4;
	v46 =	vimm.s32 $0x0;
	v47 =	vimm.s32 $0x0;
	s31 =	sadd.s32 $0x200, s0;
	v41 =	vadd.s32 v43, v0;
	v0 =	vld.idx.msk [tilespmem:v4+s19+$0x0], $0xffff  }
.LBB2_21:
0x262: {  	v1 =	vld [tilespmem:s31+$0x80];
	s30 =	sadd.s32 $0x4, s30  }
0x263: {  	v43 =	vadd.s32 v43, v48;
	v2 =	vld [tilespmem:s31+$0xFFFFFF80];
	p0 =	slt.u32 s30, $0xC4  }
0x264: {  	v46 =	vadd.s32 v46, v45;
	v3 =	vld [tilespmem:s31+$0x0]  }
0x265: {  	v47 =	vadd.s32 v47, v49;
	v4 =	vld [tilespmem:s31+$0xFFFFFF00]  }
.Ltmp9:
0x266: {  	v48 =	vld.idx.msk [tilespmem:v50+s19+$0x0], $0xffff;
	(pc) =	sbr.rel @p0 .LBB2_21-.Ltmp9, $4  }
0x267: {  	v41 =	vadd.s32 v41, v0;
	v45 =	vld.idx.msk [tilespmem:v44+s19+$0x0], $0xffff  }
0x268: {  	v49 =	vld.idx.msk [tilespmem:v42+s19+$0x0], $0xffff;
	v44 =	vmov v2  }
0x269: {  	v42 =	vmov v3  }
0x26a: {  	s31 =	sadd.s32 $0x200, s31;
	v0 =	vld.idx.msk [tilespmem:v1+s19+$0x0], $0xffff;
	v50 =	vmov v4  }
0x26b: {  	_ =	sdelay $0x3  }
0x26c: {  	v1 =	vld.idx.msk [tilespmem:v50+s19+$0x0], $0xffff  }
0x26d: {  	v2 =	vld.idx.msk [tilespmem:v44+s19+$0x0], $0xffff  }
0x26e: {  	v3 =	vld.idx.msk [tilespmem:v42+s19+$0x0], $0xffff;
	_ =	sdelay $0x2  }
0x26f: {  	v4 =	vadd.s32 v43, v48;
	v5 =	vadd.s32 v46, v45  }
0x270: {  	v6 =	vadd.s32 v47, v49;
	v1 =	vadd.s32 v4, v1;
	v2 =	vadd.s32 v5, v2  }
0x271: {  	v3 =	vadd.s32 v6, v3;
	v1 =	vadd.s32 v1, v2  }
0x272: {  	v0 =	vadd.s32 v41, v0;
	v1 =	vadd.s32 v3, v1  }
0x273: {  	v0 =	vadd.s32 v0, v1  }
0x274: {  	s0 =	sshll.u32 s28, $0x6;
	s28 =	sadd.s32 $0x1, s28;
	v1 =	vand.u32 $0xFF, v0;
	v61 =	vshrl.u32 v0, $0x8  }
0x275: {  	p0 =	sne.s32 s28, $0x8;
	v62 =	vshrl.u32 v0, $0x10;
	v0 =	vshrl.u32 v0, $0x18;
	v1 =	vcvt.s32.f32 v1  }
.Ltmp10:
0x276: {  	s0 =	sand.u32 $0x3FFFFFC0, s0;
	v2 =	vand.u32 $0xFF, v61;
	v0 =	vcvt.s32.f32 v0;
	(pc) =	sbr.rel @p0 .LBB2_20-.Ltmp10, $4  }
0x277: {  	v3 =	vand.u32 $0xFF, v62;
	v2 =	vcvt.s32.f32 v2;
	[tilespmem:s0+$0x14C00] =	vst v1  }
0x278: {  	v63 =	vcvt.s32.f32 v3;
	[tilespmem:s0+$0x14C30] =	vst v0  }
0x279: {  	[tilespmem:s0+$0x14C10] =	vst v2  }
0x27a: {  	s29 =	sadd.s32 $0x10, s29;
	[tilespmem:s0+$0x14C20] =	vst v63  }
0x27b: {  	s28 =	simm.s32 $0x0;
	s0 =	simm.s32 $0x1  }
0x27c: {  	s29 =	simm.s32 $0x0;
	s2 =	sand.u32 $0x1C0, s28;
	s0 =	sand.u32 $0xF, s0  }
0x27d: {  	v17 =	vld [tilespmem:$0x1FFE0];
	s30 =	sand.u32 $0xE, s29;
	s0 =	sor.u32 s0, s2  }
0x27e: {  	v19 =	vld [tilespmem:$0x1FF20];
	s2 =	sor.u32 s30, s2;
	v0 =	vmov s0  }
0x27f: {  	v30 =	vld [tilespmem:$0x1FF30];
	v1 =	vmov s2  }
0x280: {  	v33 =	vld [tilespmem:$0x1FF60]  }
0x281: {  	v20 =	vld [tilespmem:$0x1FEE0]  }
0x282: {  	v25 =	vld [tilespmem:$0x1FED0]  }
0x283: {  	v4 =	vld.idx.msk [tilespmem:v0+s20+$0x0], $0xffff  }
0x284: {  	v2 =	vor.u32 $0x10, v0;
	v3 =	vor.u32 $0x20, v0;
	v5 =	vld.idx.msk [tilespmem:v1+s20+$0x0], $0xffff;
	v0 =	vor.u32 $0x30, v0  }
0x285: {  	v27 =	vld [tilespmem:$0x1FEC0]  }
0x286: {  	v22 =	vld [tilespmem:$0x1FEA0];
	v6 =	vor.u32 $0x10, v1  }
0x287: {  	v26 =	vld [tilespmem:$0x1FE70]  }
0x288: {  	v31 =	vld [tilespmem:$0x1FE50];
	v8 =	vmul.f32 v4, v12  }
0x289: {  	v9 =	vmul.f32 v4, v23;
	v41 =	vld.idx.msk [tilespmem:v0+s20+$0x0], $0xffff;
	v0 =	vmul.f32 v5, v12  }
0x28a: {  	v2 =	vld.idx.msk [tilespmem:v2+s20+$0x0], $0xffff;
	v10 =	vmul.f32 v5, v17;
	v11 =	vmul.f32 v5, v19  }
0x28b: {  	v6 =	vld.idx.msk [tilespmem:v6+s20+$0x0], $0xffff;
	v42 =	vmul.f32 v5, v25;
	v43 =	vmul.f32 v5, v27  }
0x28c: {  	v35 =	vld [tilespmem:$0x1FEB0];
	v7 =	vor.u32 $0x20, v1;
	v44 =	vmul.f32 v5, v22;
	v45 =	vmul.f32 v4, v17  }
0x28d: {  	v24 =	vld [tilespmem:$0x1FE90];
	v46 =	vmul.f32 v4, v19;
	v47 =	vmul.f32 v4, v20  }
0x28e: {  	v28 =	vld [tilespmem:$0x1FF50];
	v48 =	vmul.f32 v4, v25;
	v49 =	vmul.f32 v4, v27  }
0x28f: {  	v15 =	vld [tilespmem:$0x1FF90];
	v4 =	vmul.f32 v4, v22;
	v12 =	vmul.f32 v2, v33  }
0x290: {  	v3 =	vld.idx.msk [tilespmem:v3+s20+$0x0], $0xffff;
	v50 =	vmul.f32 v6, v26;
	v37 =	vmul.f32 v6, v31  }
0x291: {  	v1 =	vor.u32 $0x30, v1;
	v7 =	vld.idx.msk [tilespmem:v7+s20+$0x0], $0xffff;
	v38 =	vmul.f32 v6, v34;
	v53 =	vmul.f32 v6, v39  }
0x292: {  	v27 =	vld [tilespmem:$0x1FE20];
	v55 =	vmul.f32 v2, v26;
	v57 =	vmul.f32 v2, v31;
	v9 =	vadd.f32 v9, v30  }
0x293: {  	v21 =	vmovc v13;
	v25 =	vld [tilespmem:$0x1FE80];
	v58 =	vmul.f32 v2, v34;
	v0 =	vadd.f32 v0, v13;
	v10 =	vadd.f32 v10, v35  }
0x294: {  	v17 =	vld [tilespmem:$0x1FDF0];
	v13 =	vmul.f32 v5, v20;
	v11 =	vadd.f32 v11, v24;
	v8 =	vadd.f32 v8, v21  }
0x295: {  	v5 =	vmul.f32 v5, v23;
	v45 =	vadd.f32 v45, v35;
	v46 =	vadd.f32 v46, v24  }
0x296: {  	v60 =	vmul.f32 v7, v15;
	v20 =	vld [tilespmem:$0x1FF70];
	v47 =	vadd.f32 v47, v28;
	v9 =	vadd.f32 v12, v9  }
0x297: {  	v61 =	vmul.f32 v7, v29;
	v35 =	vld [tilespmem:$0x1FE40];
	v5 =	vadd.f32 v5, v30;
	v10 =	vadd.f32 v50, v10  }
0x298: {  	v12 =	vmul.f32 v3, v32;
	v62 =	vadd.f32 v55, v45;
	v47 =	vadd.f32 v57, v47  }
0x299: {  	v19 =	vld [tilespmem:$0x1FFC0];
	v63 =	vmul.f32 v6, v25;
	v43 =	vadd.f32 v43, v17;
	v48 =	vadd.f32 v48, v27  }
0x29a: {  	v30 =	vld [tilespmem:$0x1FE60];
	v49 =	vadd.f32 v49, v17;
	v54 =	vmul.f32 v2, v25;
	v9 =	vadd.f32 v12, v9  }
0x29b: {  	v12 =	vmul.f32 v41, v14;
	v44 =	vadd.f32 v44, v20;
	v0 =	vadd.f32 v63, v0  }
0x29c: {  	v40 =	vld [tilespmem:$0x1FFB0];
	v52 =	vmul.f32 v6, v35;
	v4 =	vadd.f32 v4, v20;
	v8 =	vadd.f32 v54, v8  }
0x29d: {  	v59 =	vmul.f32 v2, v35;
	v63 =	vmul.f32 v7, v16;
	v9 =	vadd.f32 v12, v9  }
0x29e: {  	v12 =	vadd.f32 v13, v28;
	v13 =	vadd.f32 v42, v27;
	v42 =	vld.idx.msk [tilespmem:v1+s20+$0x0], $0xffff;
	v1 =	vmul.f32 v7, v19  }
0x29f: {  	v36 =	vmul.f32 v6, v30;
	v6 =	vmul.f32 v6, v33;
	v43 =	vadd.f32 v52, v43  }
0x2a0: {  	v14 =	vld [tilespmem:$0x1FFA0];
	v51 =	vadd.f32 v53, v44;
	v56 =	vmul.f32 v2, v30;
	v2 =	vmul.f32 v2, v39  }
0x2a1: {  	v45 =	vadd.f32 v59, v49;
	v57 =	vadd.f32 v60, v0;
	v0 =	vmul.f32 v7, v40  }
0x2a2: {  	v33 =	vmul.f32 v3, v16;
	v12 =	vadd.f32 v37, v12;
	v13 =	vadd.f32 v38, v13  }
0x2a3: {  	s30 =	simm.s32 $0x10880;
	v60 =	vmul.f32 v3, v40;
	v11 =	vadd.f32 v36, v11;
	v5 =	vadd.f32 v6, v5  }
0x2a4: {  	v59 =	vmul.f32 v3, v18;
	v38 =	vld [tilespmem:$0x1FFD0];
	[tilespmem:s30+$0x70] =	vst v9;
	v6 =	vadd.f32 v56, v46;
	v46 =	vadd.f32 v58, v48  }
0x2a5: {  	v44 =	vadd.f32 v2, v4;
	v2 =	vmul.f32 v7, v14;
	v56 =	vadd.f32 v61, v10;
	v36 =	vld [tilespmem:$0x1FEF0]  }
0x2a6: {  	v10 =	vmul.f32 v7, v18;
	v7 =	vmul.f32 v7, v32;
	v51 =	vadd.f32 v1, v51;
	v37 =	vld [tilespmem:$0x1FF00]  }
0x2a7: {  	v61 =	vmul.f32 v3, v14;
	v58 =	vmul.f32 v3, v19;
	v52 =	vadd.f32 v0, v13  }
0x2a8: {  	v0 =	vmul.f32 v3, v29;
	v50 =	vadd.f32 v63, v11;
	v54 =	vadd.f32 v2, v12  }
0x2a9: {  	v2 =	vmul.f32 v3, v15;
	v55 =	vadd.f32 v10, v43;
	v53 =	vadd.f32 v7, v5  }
0x2aa: {  	v48 =	vadd.f32 v33, v6;
	v33 =	vld [tilespmem:$0x1FD70];
	v49 =	vadd.f32 v0, v62;
	v0 =	vmul.f32 v42, v38  }
0x2ab: {  	v43 =	vadd.f32 v2, v8;
	v63 =	vmul.f32 v42, v36;
	v62 =	vmul.f32 v42, v37  }
.LBB2_24:
0x2ac: {  	s0 =	sadd.s32 $0x3, s29;
	s28 =	sadd.s32 $0x8, s28  }
0x2ad: {  	s29 =	sadd.s32 $0x2, s29;
	v21 =	vld [tilespmem:$0x1FD90];
	s2 =	sand.u32 $0x1C0, s28;
	s0 =	sand.u32 $0xF, s0  }
0x2ae: {  	v2 =	vadd.f32 v61, v47;
	s31 =	sand.u32 $0xE, s29;
	v61 =	vld [tilespmem:$0x1FDB0];
	s0 =	sor.u32 s0, s2  }
0x2af: {  	v1 =	vmul.f32 v42, v33;
	v3 =	vadd.f32 v60, v46;
	v60 =	vld [tilespmem:$0x1FDC0];
	s31 =	sor.u32 s31, s2;
	v10 =	vmov s0  }
0x2b0: {  	v5 =	vadd.f32 v59, v45;
	v6 =	vadd.f32 v58, v44;
	v59 =	vld [tilespmem:$0x1FDA0];
	v9 =	vmov s31  }
0x2b1: {  	v0 =	vadd.f32 v0, v57;
	v46 =	vadd.f32 v63, v56  }
0x2b2: {  	v50 =	vadd.f32 v62, v50;
	v1 =	vadd.f32 v1, v54;
	v54 =	vld [tilespmem:$0x1FF60];
	v12 =	vor.u32 $0x10, v9  }
0x2b3: {  	v13 =	vor.u32 $0x20, v9;
	v8 =	vmul.f32 v42, v61;
	v63 =	vmul.f32 v41, v61;
	v61 =	vld [tilespmem:$0x1FD80]  }
0x2b4: {  	[tilespmem:s30+$0xFFFFFF80] =	vst v0;
	v0 =	vor.u32 $0x10, v10;
	v4 =	vmul.f32 v42, v60;
	v58 =	vmul.f32 v41, v60;
	v60 =	vld.idx.msk [tilespmem:v10+s20+$0x0], $0xffff  }
0x2b5: {  	v11 =	vmul.f32 v42, v21;
	v7 =	vmul.f32 v42, v59;
	v42 =	vor.u32 $0x30, v9;
	v9 =	vld.idx.msk [tilespmem:v9+s20+$0x0], $0xffff  }
0x2b6: {  	[tilespmem:s30+$0xFFFFFFA0] =	vst v50;
	v50 =	vld [tilespmem:$0x1FF20]  }
0x2b7: {  	v8 =	vadd.f32 v8, v51;
	v51 =	vld [tilespmem:$0x1FF30]  }
0x2b8: {  	v57 =	vor.u32 $0x20, v10;
	v4 =	vadd.f32 v4, v52;
	v52 =	vld [tilespmem:$0x1FF40]  }
0x2b9: {  	v44 =	vmul.f32 v41, v38;
	v56 =	vmul.f32 v41, v33;
	v7 =	vadd.f32 v7, v55;
	v55 =	vld [tilespmem:$0x1FED0]  }
0x2ba: {  	v45 =	vmul.f32 v41, v36;
	v47 =	vmul.f32 v41, v37;
	[tilespmem:s30+$0xFFFFFF90] =	vst v46;
	v0 =	vld.idx.msk [tilespmem:v0+s20+$0x0], $0xffff  }
0x2bb: {  	v2 =	vadd.f32 v56, v2;
	v59 =	vmul.f32 v41, v59;
	v11 =	vadd.f32 v11, v53;
	v12 =	vld.idx.msk [tilespmem:v12+s20+$0x0], $0xffff  }
0x2bc: {  	v10 =	vor.u32 $0x30, v10;
	[tilespmem:s30+$0xFFFFFFB0] =	vst v1;
	v1 =	vadd.f32 v44, v43;
	v44 =	vadd.f32 v45, v49;
	v49 =	vld [tilespmem:$0x1FFE0]  }
0x2bd: {  	v3 =	vadd.f32 v58, v3;
	v5 =	vadd.f32 v59, v5;
	v43 =	vld.idx.msk [tilespmem:v57+s20+$0x0], $0xffff;
	[tilespmem:s30+$0xFFFFFFC0] =	vst v4  }
0x2be: {  	v13 =	vld.idx.msk [tilespmem:v13+s20+$0x0], $0xffff;
	[tilespmem:s30+$0xFFFFFFD0] =	vst v7;
	v7 =	vmul.f32 v60, v61;
	v62 =	vmul.f32 v60, v23  }
0x2bf: {  	v42 =	vld.idx.msk [tilespmem:v42+s20+$0x0], $0xffff;
	[tilespmem:s30+$0xFFFFFFE0] =	vst v8;
	v45 =	vmul.f32 v9, v61;
	v8 =	vmul.f32 v9, v50  }
0x2c0: {  	v57 =	vld [tilespmem:$0x1FEB0];
	v4 =	vadd.f32 v47, v48;
	v48 =	vmul.f32 v9, v55;
	v58 =	vmul.f32 v9, v22  }
0x2c1: {  	v41 =	vld.idx.msk [tilespmem:v10+s20+$0x0], $0xffff;
	[tilespmem:s30+$0x40] =	vst v3;
	v3 =	vmul.f32 v60, v55;
	v46 =	vmul.f32 v9, v49  }
0x2c2: {  	v6 =	vadd.f32 v63, v6;
	[tilespmem:s30+$0x20] =	vst v4;
	v63 =	vmul.f32 v0, v54;
	v4 =	vmul.f32 v60, v49  }
0x2c3: {  	[tilespmem:s30+$0xFFFFFFF0] =	vst v11;
	v61 =	vld [tilespmem:$0x1FEE0];
	v56 =	vmul.f32 v12, v25;
	v10 =	vadd.f32 v62, v51;
	v11 =	vadd.f32 v45, v52  }
0x2c4: {  	[tilespmem:s30+$0x30] =	vst v2;
	v55 =	vmul.f32 v0, v34;
	v2 =	vadd.f32 v8, v24;
	v7 =	vadd.f32 v7, v52  }
0x2c5: {  	[tilespmem:s30+$0x10] =	vst v44;
	v62 =	vld [tilespmem:$0x1FEC0];
	v8 =	vmul.f32 v60, v50;
	v3 =	vadd.f32 v3, v27;
	v44 =	vadd.f32 v46, v57  }
0x2c6: {  	v46 =	vadd.f32 v58, v20;
	v58 =	vmul.f32 v12, v26;
	v10 =	vadd.f32 v63, v10  }
0x2c7: {  	[tilespmem:s30+$0x60] =	vst v6;
	v63 =	vmul.f32 v43, v32;
	v6 =	vadd.f32 v56, v11;
	v11 =	vmul.f32 v12, v35  }
0x2c8: {  	v4 =	vadd.f32 v4, v57;
	v45 =	vmul.f32 v9, v61;
	v59 =	vmul.f32 v41, v21  }
0x2c9: {  	v61 =	vmul.f32 v60, v61;
	v10 =	vadd.f32 v63, v10;
	v63 =	vmul.f32 v60, v22  }
0x2ca: {  	[tilespmem:s30+$0x0] =	vst v1;
	v8 =	vadd.f32 v8, v24;
	v1 =	vmul.f32 v9, v62;
	v9 =	vmul.f32 v9, v23  }
0x2cb: {  	[tilespmem:s30+$0x50] =	vst v5;
	v62 =	vmul.f32 v60, v62;
	v5 =	vadd.f32 v45, v28;
	v45 =	vadd.f32 v48, v27  }
0x2cc: {  	v60 =	vmul.f32 v12, v31;
	v49 =	vadd.f32 v61, v28;
	v61 =	vmul.f32 v12, v34  }
0x2cd: {  	v48 =	vmul.f32 v0, v26;
	v10 =	vadd.f32 v59, v10;
	v59 =	vmul.f32 v12, v30  }
0x2ce: {  	v53 =	vadd.f32 v63, v20;
	v63 =	vmul.f32 v0, v30;
	v1 =	vadd.f32 v1, v17  }
0x2cf: {  	v9 =	vadd.f32 v9, v51;
	v50 =	vadd.f32 v62, v17;
	v62 =	vmul.f32 v12, v39  }
0x2d0: {  	v12 =	vmul.f32 v12, v54;
	v5 =	vadd.f32 v60, v5;
	v51 =	vmul.f32 v0, v31  }
0x2d1: {  	s30 =	sadd.s32 $0x100, s30;
	v52 =	vadd.f32 v61, v45;
	v60 =	vmul.f32 v0, v35;
	v61 =	vmul.f32 v13, v15  }
0x2d2: {  	v4 =	vadd.f32 v48, v4;
	[tilespmem:s30+$0x70] =	vst v10;
	v10 =	vadd.f32 v58, v44;
	v44 =	vmul.f32 v0, v25  }
0x2d3: {  	v0 =	vmul.f32 v0, v39;
	v8 =	vadd.f32 v63, v8;
	v63 =	vmul.f32 v13, v14  }
0x2d4: {  	v2 =	vadd.f32 v59, v2;
	v59 =	vmul.f32 v43, v18;
	v58 =	vmul.f32 v43, v19  }
0x2d5: {  	v1 =	vadd.f32 v11, v1;
	v11 =	vadd.f32 v62, v46;
	v62 =	vmul.f32 v13, v29  }
0x2d6: {  	v9 =	vadd.f32 v12, v9;
	v12 =	vmul.f32 v13, v16;
	v47 =	vadd.f32 v51, v49  }
0x2d7: {  	v46 =	vadd.f32 v55, v3;
	v3 =	vmul.f32 v13, v40;
	v45 =	vadd.f32 v60, v50  }
0x2d8: {  	v57 =	vadd.f32 v61, v6;
	v6 =	vmul.f32 v13, v18;
	v49 =	vmul.f32 v13, v19  }
0x2d9: {  	v61 =	vmul.f32 v43, v14;
	v60 =	vmul.f32 v43, v40;
	v7 =	vadd.f32 v44, v7  }
0x2da: {  	p0 =	slt.u32 s29, $0x7E;
	v44 =	vadd.f32 v0, v53;
	v54 =	vadd.f32 v63, v5;
	v0 =	vmul.f32 v42, v38  }
.Ltmp11:
0x2db: {  	v56 =	vadd.f32 v62, v10;
	v10 =	vmul.f32 v13, v32;
	v13 =	vmul.f32 v43, v15;
	(pc) =	sbr.rel @p0 .LBB2_24-.Ltmp11, $4  }
0x2dc: {  	v50 =	vadd.f32 v12, v2;
	v2 =	vmul.f32 v43, v29;
	v52 =	vadd.f32 v3, v52  }
0x2dd: {  	v12 =	vmul.f32 v43, v16;
	v55 =	vadd.f32 v6, v1;
	v51 =	vadd.f32 v49, v11  }
0x2de: {  	v63 =	vmul.f32 v42, v36;
	v53 =	vadd.f32 v10, v9;
	v43 =	vadd.f32 v13, v7  }
0x2df: {  	v62 =	vmul.f32 v42, v37;
	v49 =	vadd.f32 v2, v4;
	v48 =	vadd.f32 v12, v8  }
0x2e0: {  	v6 =	vld [tilespmem:$0x1FDC0]  }
0x2e1: {  	v0 =	vadd.f32 v0, v57  }
0x2e2: {  	v2 =	vadd.f32 v63, v56  }
0x2e3: {  	[tilespmem:s30+$0xFFFFFF80] =	vst v0  }
0x2e4: {  	v7 =	vld [tilespmem:$0x1FDA0];
	[tilespmem:s30+$0xFFFFFF90] =	vst v2  }
0x2e5: {  	v1 =	vmul.f32 v42, v33;
	v40 =	vadd.f32 v62, v50;
	v8 =	vld [tilespmem:$0x1FDB0];
	v3 =	vmul.f32 v42, v6;
	_ =	sdelay $0x1  }
0x2e6: {  	v1 =	vadd.f32 v1, v54;
	[tilespmem:s30+$0xFFFFFFA0] =	vst v40;
	v3 =	vadd.f32 v3, v52;
	v52 =	vmul.f32 v41, v38  }
0x2e7: {  	v54 =	vmul.f32 v41, v36;
	v0 =	vld [tilespmem:$0x1FD90]  }
0x2e8: {  	v56 =	vadd.f32 v61, v47;
	[tilespmem:s30+$0xFFFFFFB0] =	vst v1;
	v4 =	vmul.f32 v42, v7;
	v1 =	vadd.f32 v52, v43  }
0x2e9: {  	v57 =	vadd.f32 v60, v46;
	v50 =	vmul.f32 v42, v8;
	[tilespmem:s30+$0xFFFFFFC0] =	vst v3;
	v3 =	vadd.f32 v54, v49  }
0x2ea: {  	v60 =	vadd.f32 v59, v45;
	v7 =	vmul.f32 v41, v7;
	v4 =	vadd.f32 v4, v55;
	[tilespmem:s30+$0x0] =	vst v1  }
0x2eb: {  	v61 =	vadd.f32 v58, v44;
	v62 =	vmul.f32 v41, v8;
	v2 =	vadd.f32 v50, v51;
	[tilespmem:s30+$0x10] =	vst v3  }
0x2ec: {  	v0 =	vmul.f32 v42, v0;
	v1 =	vadd.f32 v7, v60;
	[tilespmem:s30+$0xFFFFFFD0] =	vst v4  }
0x2ed: {  	v55 =	vmul.f32 v41, v37;
	v63 =	vadd.f32 v62, v61;
	[tilespmem:s30+$0xFFFFFFE0] =	vst v2  }
0x2ee: {  	v5 =	vmul.f32 v41, v33;
	v0 =	vadd.f32 v0, v53;
	[tilespmem:s30+$0x50] =	vst v1  }
0x2ef: {  	v6 =	vmul.f32 v41, v6;
	v4 =	vadd.f32 v55, v48;
	[tilespmem:s30+$0x60] =	vst v63  }
0x2f0: {  	v2 =	vadd.f32 v5, v56;
	[tilespmem:s30+$0xFFFFFFF0] =	vst v0  }
0x2f1: {  	v0 =	vadd.f32 v6, v57;
	[tilespmem:s30+$0x20] =	vst v4  }
0x2f2: {  	[tilespmem:s30+$0x30] =	vst v2  }
0x2f3: {  	s26 =	sadd.s32 $0x1, s26;
	[tilespmem:s30+$0x40] =	vst v0  }
0x2f4: {  	[hbm4b:s11+s3] =	stream.linear.scatter [tilespmem:s23], [sflag:$0x4], $0x4000, $0x38;
	[tilespmem:$0x14E80] =	vst v63  }
0x2f5: {  	p0 =	sne.s32 s26, s12;
	_ =	swait.ge [sflag:s24], $0x4000  }
.Ltmp12:
0x2f6: {  	[sflag:s24] =	ssyncset.done $0x0;
	(pc) =	sbr.rel @p0 .LBB2_1-.Ltmp12, $4  }
0x2f7: {  	[sflag:s24] =	ssyncadd.s32 $0xFFFFC000  }
0x2f8: {  	_ =	swait.ge [sflag:s25], $0x4000  }
0x2f9: {  	[sflag:s25] =	ssyncset.done $0x0  }
0x2fa: {  	[sflag:s25] =	ssyncadd.s32 $0xFFFFC000  }
0x2fb: {  	_ =	sfence.sel $0x180000  }
0x2fc: {  	[bflag:$0x0] =	sbarrier.arrive $0xFFFF  }
0x2fd: {  	_ =	strace $0x90000047  }
0x2fe: {  	s0 =	stileid.u32;
	[bflag:$0x2] =	sbarrier.arrive $0xFFFF  }
0x2ff: {  	p0 =	sne.s32 s0, $0x0;
	s0 =	rddreg [dreg:$0x3]  }
0x300: {  	s0 =	sadd.s32 @!p0 $0x100000, s0  }
0x301: {  	[sflag:s0] =	ssyncadd.tile.s32 @!p0 $0x1;
	_ =	shalt  }
.Lfunc_end2:
_tile_overlayer_lowered:
.L_overlay_start_2:
0x302: {  	(tag) =	ssettag $0x2  }
0x303: {  	s0 =	rddreg [dreg:$0x0];
	s2 =	stileid.u32  }
0x304: {  	s1 =	rddreg [dreg:$0x1];
	p0 =	sne.s32 s2, $0x0  }
0x305: {  	s3 =	rddreg [dreg:$0x2];
	[bflag:$0x3] =	sbarrier.arrive $0xFFFF;
	s2 =	simm.s32 @!p0 $0x1C05  }
0x306: {  	[timem:s3], [sflag:s2] =	dma.local @!p0 [hbm:s0], s1  }
0x307: {  	s0 =	simm.s32 @!p0 $0x5  }
0x308: {  	_ =	swait.ge @!p0 [sflag:s0], s1  }
0x309: {  	s1 =	ssub.s32 @!p0 $0x0, s1;
	[sflag:s0] =	ssyncset.done @!p0 $0x0  }
0x30a: {  	[sflag:s0] =	ssyncadd.s32 @!p0 s1  }
0x30b: {  	[bflag:$0x3] =	sbarrier.arrive $0xFFFF  }
0x30c: {  	_ =	shalt  }

</sc_bundles>
